<compile_context>
chip_gen: v7x
topology: tpu7x:2x2x1
jax: 0.10.2.dev20260603
libtpu: 0.0.44.dev20260713+nightly
codegen_flags: <defaults>
</compile_context>

<pallas_src>
import functools
import math

import jax
import jax.numpy as jnp
from jax import lax
from jax.experimental import pallas as pl
from jax.experimental.pallas import tpu as pltpu
from jax.experimental.pallas import tpu_sc as plsc

N_FEAT = 1024
N_TARGET = 256
N_FUNC = 64

_TWO_PI = 2.0 * math.pi
_ROWS = N_FEAT + N_TARGET
_INV_SQRT = 1.0 / math.sqrt(N_FUNC)


def _cos_sin_chunk(m):
    mi = m.astype(jnp.int32).astype(jnp.float32)
    a = m - mi
    q = (a * 4.0 + 0.5).astype(jnp.int32)
    r = (a - q.astype(jnp.float32) * 0.25) * _TWO_PI
    r2 = r * r
    cosr = 1.0 + r2 * (-0.5 + r2 * (1.0 / 24.0 + r2 * (-1.0 / 720.0 + r2 * (1.0 / 40320.0))))
    sinr = r * (1.0 + r2 * (-1.0 / 6.0 + r2 * (1.0 / 120.0 + r2 * (-1.0 / 5040.0))))
    qm = q & 3
    cs = jnp.where(qm == 0, cosr,
                   jnp.where(qm == 1, -sinr,
                             jnp.where(qm == 2, -cosr, sinr)))
    sn = jnp.where(qm == 0, sinr,
                   jnp.where(qm == 1, cosr,
                             jnp.where(qm == 2, -sinr, -cosr)))
    return cs, sn


def _sc_kernel_body(t_hbm, x_hbm, ar_hbm, ai_hbm, freq_hbm, bias_hbm, fm_hbm,
                    rp_hbm, cf_hbm, out_hbm,
                    tv, freqv, cfv, arv, aiv, zcw, biasv,
                    xv, fv, vbuf, wv, obuf,
                    zc_sh, sem_small, sem_big):
    sid = lax.axis_index("s")

    c_t = pltpu.async_copy(t_hbm, tv.at[pl.ds(0, 1)], sem_small)
    c_fq = pltpu.async_copy(freq_hbm, freqv, sem_small)
    c_cf = pltpu.async_copy(cf_hbm, cfv, sem_small)
    c_ar = pltpu.async_copy(ar_hbm.at[:, pl.ds(16 * sid, 16)], arv, sem_small)
    c_ai = pltpu.async_copy(ai_hbm.at[:, pl.ds(16 * sid, 16)], aiv, sem_small)
    c_b = pltpu.async_copy(bias_hbm.at[pl.ds(16 * sid, 16)], biasv, sem_small)
    c_w = pltpu.async_copy(rp_hbm.at[:, pl.ds(16 * sid, 16)], wv, sem_big)
    c_x = pltpu.async_copy(x_hbm, xv, sem_big)
    c_fm = pltpu.async_copy(fm_hbm, fv, sem_big)

    c_t.wait()
    c_fq.wait()
    c_cf.wait()
    c_ar.wait()
    c_ai.wait()
    c_b.wait()

    tval = tv[...][0].astype(jnp.float32)
    cs_all = []
    sn_all = []
    for gidx in range(4):
        fq = freqv[pl.ds(16 * gidx, 16)]
        cfc = cfv[pl.ds(16 * gidx, 16)]
        e2 = jnp.exp(fq * 2.0)
        tanh_f = 1.0 - 2.0 / (e2 + 1.0)
        fr = 0.5 / (1.0 + jnp.exp(-(cfc + tanh_f)))
        cs, sn = _cos_sin_chunk(tval * fr)
        cs_all.append(cs)
        sn_all.append(sn)

    zc = jnp.zeros((16,), jnp.float32)
    for k in range(N_FUNC):
        zc = zc + cs_all[k // 16][k % 16] * arv[k, :] \
                - sn_all[k // 16][k % 16] * aiv[k, :]
    zc = zc * _INV_SQRT
    zcw[...] = zc
    pltpu.sync_copy(zcw, zc_sh.at[pl.ds(16 * sid, 16)])

    c_x.wait()
    c_fm.wait()
    for j in range(N_FEAT // 16):
        vbuf[pl.ds(16 * j, 16)] = xv[pl.ds(16 * j, 16)] - fv[pl.ds(16 * j, 16)]

    plsc.subcore_barrier()
    pltpu.sync_copy(zc_sh, vbuf.at[pl.ds(N_FEAT, N_TARGET)])
    c_w.wait()

    gdn = lax.GatherDimensionNumbers(offset_dims=(), collapsed_slice_dims=(0,),
                                     start_index_map=(0,))

    def lane_bcast(v, l):
        idx = jnp.full((16, 1), l, jnp.int32)
        return lax.gather(v, idx, gdn, (1,), unique_indices=False,
                          indices_are_sorted=False,
                          mode=lax.GatherScatterMode.PROMISE_IN_BOUNDS)

    def mv_chunk(c, acc):
        vchunk = vbuf[pl.ds(16 * c, 16)]
        for l in range(16):
            acc = acc + lane_bcast(vchunk, l) * wv[16 * c + l, :]
        return acc

    racc = lax.fori_loop(0, _ROWS // 16, mv_chunk,
                         jnp.zeros((16,), jnp.float32))

    z = zc + biasv[...]
    obuf[...] = z + racc / (jnp.abs(racc) + 1.0)
    pltpu.sync_copy(obuf, out_hbm.at[pl.ds(16 * sid, 16)])


def _make_sc_call():
    mesh = plsc.VectorSubcoreMesh(core_axis_name="c", subcore_axis_name="s",
                                  num_cores=1, num_subcores=16)
    return functools.partial(
        pl.kernel,
        mesh=mesh,
        out_type=jax.ShapeDtypeStruct((N_TARGET,), jnp.float32),
        compiler_params=pltpu.CompilerParams(use_tc_tiling_on_sc=False),
        scratch_types=[
            pltpu.VMEM((16,), jnp.int32),
            pltpu.VMEM((N_FUNC,), jnp.float32),
            pltpu.VMEM((N_FUNC,), jnp.float32),
            pltpu.VMEM((N_FUNC, 16), jnp.float32),
            pltpu.VMEM((N_FUNC, 16), jnp.float32),
            pltpu.VMEM((16,), jnp.float32),
            pltpu.VMEM((16,), jnp.float32),
            pltpu.VMEM((N_FEAT,), jnp.float32),
            pltpu.VMEM((N_FEAT,), jnp.float32),
            pltpu.VMEM((_ROWS,), jnp.float32),
            pltpu.VMEM((_ROWS, 16), jnp.float32),
            pltpu.VMEM((16,), jnp.float32),
            pltpu.VMEM_SHARED((N_TARGET,), jnp.float32),
            pltpu.SemaphoreType.DMA,
            pltpu.SemaphoreType.DMA,
        ],
    )(_sc_kernel_body)


def kernel(t, x, amp, freq, bias, feat_mean, res_proj, center_freq):
    ar = jnp.real(amp)
    ai = jnp.imag(amp)
    call = _make_sc_call()
    return call(
        jnp.asarray(t, jnp.int32).reshape(1),
        x,
        ar,
        ai,
        freq.reshape(N_FUNC),
        bias,
        feat_mean,
        res_proj,
        center_freq.reshape(N_FUNC),
    )

# --- scband reference (transcript-rebuilt; emitter-appended) ---
"""Pipeline reference for scband-gdkr-42958262895149 (READ-ONLY COPY).

The authoritative reference and input builder live on the scoring server;
editing this copy changes nothing except your own understanding.
"""

import jax, jax.numpy as jnp
import numpy as np
import math

N_FEAT = 1024
N_TARGET = 256
N_FUNC = 64


def _logit(p):
    return jnp.log(p / (1.0 - p))


def setup_inputs(seed: int = 0) -> dict:
    key = jax.random.key(seed)
    ks = jax.random.split(key, 8)
    t = 1000  # python int scalar (time index)
    x = jax.random.normal(ks[0], (N_FEAT,), dtype=jnp.float32)
    # learned/buffered parameters (randomized to be non-trivial, reset() values are degenerate zeros)
    amp = ((jax.random.normal(ks[1], (N_FUNC, N_TARGET)) + 1j * jax.random.normal(ks[2], (N_FUNC, N_TARGET))) / math.sqrt(N_FUNC)).astype(jnp.complex64)
    freq = (jax.random.normal(ks[3], (N_FUNC, 1)) * 0.1).astype(jnp.float32)
    bias = (jax.random.normal(ks[4], (N_TARGET,)) * 0.1).astype(jnp.float32)
    feat_mean = (jax.random.normal(ks[5], (N_FEAT,)) * 0.1).astype(jnp.float32)
    res_proj = (jax.random.normal(ks[6], (N_FEAT + N_TARGET, N_TARGET)) / math.sqrt(N_FEAT + N_TARGET)).astype(jnp.float32)
    center_freq = _logit(jnp.linspace(0.01, 0.99, N_FUNC))[:, None].astype(jnp.float32)
    return {"t": t, "x": x, "amp": amp, "freq": freq, "bias": bias, "feat_mean": feat_mean, "res_proj": res_proj, "center_freq": center_freq}


def _get_freq(freq, center_freq):
    f = center_freq + jnp.tanh(freq) * 64.0 / N_FUNC
    return jax.nn.sigmoid(f) / 2.0


def _evaluate(tt, amp, freq, bias, center_freq):
    t3 = tt[:, None, None]
    a = amp  # get_amp is identity
    fr = _get_freq(freq, center_freq)
    z = jnp.real(jnp.exp(t3 * fr * 2j * math.pi) * a).sum(1) / math.sqrt(N_FUNC)
    return z + bias


def _get_resid(x, z, res_proj, feat_mean, bias):
    r = jnp.concatenate([x - feat_mean, z - bias], -1) @ res_proj
    return r / (jnp.abs(r) + 1.0)


def reference(t, x, amp, freq, bias, feat_mean, res_proj, center_freq):
    # GDKR.predict(t, x): evaluate Fourier kernel regression at time t, add feature residual
    tt = jnp.asarray(t, dtype=jnp.float32).reshape(1)
    z = _evaluate(tt, amp, freq, bias, center_freq)[0]
    z = z + _get_resid(x, z, res_proj, feat_mean, bias)
    return z

if __name__ == "__main__":
    import jax
    _d = setup_inputs()
    print(jax.jit(kernel)(*tuple(_d.values())))

</pallas_src>

<mosaic_0001>
#map = affine_map<(d0, d1) -> (0)>
#map1 = affine_map<(d0, d1) -> (0, 0)>
module attributes {stable_mosaic.version = 14 : i64} {
  func.func @_sc_kernel_body(%arg0: i32, %arg1: i32, %arg2: memref<1xi32, #tpu.memory_space<hbm>>, %arg3: memref<1024xf32, #tpu.memory_space<hbm>>, %arg4: memref<64x256xf32, #tpu.memory_space<hbm>>, %arg5: memref<64x256xf32, #tpu.memory_space<hbm>>, %arg6: memref<64xf32, #tpu.memory_space<hbm>>, %arg7: memref<256xf32, #tpu.memory_space<hbm>>, %arg8: memref<1024xf32, #tpu.memory_space<hbm>>, %arg9: memref<1280x256xf32, #tpu.memory_space<hbm>>, %arg10: memref<64xf32, #tpu.memory_space<hbm>>, %arg11: memref<256xf32, #tpu.memory_space<hbm>>, %arg12: memref<16xi32, #tpu.memory_space<vmem>>, %arg13: memref<64xf32, #tpu.memory_space<vmem>>, %arg14: memref<64xf32, #tpu.memory_space<vmem>>, %arg15: memref<64x16xf32, #tpu.memory_space<vmem>>, %arg16: memref<64x16xf32, #tpu.memory_space<vmem>>, %arg17: memref<16xf32, #tpu.memory_space<vmem>>, %arg18: memref<16xf32, #tpu.memory_space<vmem>>, %arg19: memref<1024xf32, #tpu.memory_space<vmem>>, %arg20: memref<1024xf32, #tpu.memory_space<vmem>>, %arg21: memref<1280xf32, #tpu.memory_space<vmem>>, %arg22: memref<1280x16xf32, #tpu.memory_space<vmem>>, %arg23: memref<16xf32, #tpu.memory_space<vmem>>, %arg24: memref<256xf32, #tpu.memory_space<vmem_shared>>, %arg25: memref<!tpu.dma_semaphore, #tpu.memory_space<semaphore_mem>>, %arg26: memref<!tpu.dma_semaphore, #tpu.memory_space<semaphore_mem>>) attributes {dimension_semantics = [#tpu.dimension_semantics<core_parallel>, #tpu.dimension_semantics<subcore_parallel>], iteration_bounds = array<i64: 1, 16>, scalar_prefetch = 0 : i64, scratch_operands = 15 : i64, tpu.core_type = #tpu.core_type<sc_vector_subcore>, window_params = [{transform_indices = #map}, {transform_indices = #map}, {transform_indices = #map1}, {transform_indices = #map1}, {transform_indices = #map}, {transform_indices = #map}, {transform_indices = #map}, {transform_indices = #map1}, {transform_indices = #map}, {transform_indices = #map}]} {
    %dma_start3A = arith.constant 0 : i32
    %dma_start3A_0 = tpu.memref_slice %arg12[%dma_start3A] : memref<16xi32, #tpu.memory_space<vmem>> -> memref<1xi32, #tpu.memory_space<vmem>>
    %dma_start3A_1 = arith.constant 0 : i32
    %dma_start3A_2 = tpu.memref_slice %arg12[%dma_start3A_1] : memref<16xi32, #tpu.memory_space<vmem>> -> memref<1xi32, #tpu.memory_space<vmem>>
    tpu.enqueue_dma source(%arg2 : memref<1xi32, #tpu.memory_space<hbm>>) target(%dma_start3A_2 : memref<1xi32, #tpu.memory_space<vmem>>) target_semaphore(%arg25 : memref<!tpu.dma_semaphore, #tpu.memory_space<semaphore_mem>>)
    tpu.enqueue_dma source(%arg6 : memref<64xf32, #tpu.memory_space<hbm>>) target(%arg13 : memref<64xf32, #tpu.memory_space<vmem>>) target_semaphore(%arg25 : memref<!tpu.dma_semaphore, #tpu.memory_space<semaphore_mem>>)
    tpu.enqueue_dma source(%arg10 : memref<64xf32, #tpu.memory_space<hbm>>) target(%arg14 : memref<64xf32, #tpu.memory_space<vmem>>) target_semaphore(%arg25 : memref<!tpu.dma_semaphore, #tpu.memory_space<semaphore_mem>>)
    %mul3A = arith.constant 16 : i32
    %mul3A_3 = arith.muli %mul3A, %arg1 : i32
    %dma_start3A_4 = arith.constant 0 : i32
    %dma_start3A_5 = tpu.memref_slice %arg4[%dma_start3A_4, %mul3A_3] : memref<64x256xf32, #tpu.memory_space<hbm>> -> memref<64x16xf32, #tpu.memory_space<hbm>>
    %dma_start3A_6 = arith.constant 0 : i32
    %dma_start3A_7 = tpu.memref_slice %arg4[%dma_start3A_6, %mul3A_3] : memref<64x256xf32, #tpu.memory_space<hbm>> -> memref<64x16xf32, #tpu.memory_space<hbm>>
    tpu.enqueue_dma source(%dma_start3A_7 : memref<64x16xf32, #tpu.memory_space<hbm>>) target(%arg15 : memref<64x16xf32, #tpu.memory_space<vmem>>) target_semaphore(%arg25 : memref<!tpu.dma_semaphore, #tpu.memory_space<semaphore_mem>>)
    %mul3A_8 = arith.constant 16 : i32
    %mul3A_9 = arith.muli %mul3A_8, %arg1 : i32
    %dma_start3A_10 = arith.constant 0 : i32
    %dma_start3A_11 = tpu.memref_slice %arg5[%dma_start3A_10, %mul3A_9] : memref<64x256xf32, #tpu.memory_space<hbm>> -> memref<64x16xf32, #tpu.memory_space<hbm>>
    %dma_start3A_12 = arith.constant 0 : i32
    %dma_start3A_13 = tpu.memref_slice %arg5[%dma_start3A_12, %mul3A_9] : memref<64x256xf32, #tpu.memory_space<hbm>> -> memref<64x16xf32, #tpu.memory_space<hbm>>
    tpu.enqueue_dma source(%dma_start3A_13 : memref<64x16xf32, #tpu.memory_space<hbm>>) target(%arg16 : memref<64x16xf32, #tpu.memory_space<vmem>>) target_semaphore(%arg25 : memref<!tpu.dma_semaphore, #tpu.memory_space<semaphore_mem>>)
    %mul3A_14 = arith.constant 16 : i32
    %mul3A_15 = arith.muli %mul3A_14, %arg1 : i32
    %dma_start3A_16 = tpu.memref_slice %arg7[%mul3A_15] : memref<256xf32, #tpu.memory_space<hbm>> -> memref<16xf32, #tpu.memory_space<hbm>>
    %dma_start3A_17 = tpu.memref_slice %arg7[%mul3A_15] : memref<256xf32, #tpu.memory_space<hbm>> -> memref<16xf32, #tpu.memory_space<hbm>>
    tpu.enqueue_dma source(%dma_start3A_17 : memref<16xf32, #tpu.memory_space<hbm>>) target(%arg18 : memref<16xf32, #tpu.memory_space<vmem>>) target_semaphore(%arg25 : memref<!tpu.dma_semaphore, #tpu.memory_space<semaphore_mem>>)
    %mul3A_18 = arith.constant 16 : i32
    %mul3A_19 = arith.muli %mul3A_18, %arg1 : i32
    %dma_start3A_20 = arith.constant 0 : i32
    %dma_start3A_21 = tpu.memref_slice %arg9[%dma_start3A_20, %mul3A_19] : memref<1280x256xf32, #tpu.memory_space<hbm>> -> memref<1280x16xf32, #tpu.memory_space<hbm>>
    %dma_start3A_22 = arith.constant 0 : i32
    %dma_start3A_23 = tpu.memref_slice %arg9[%dma_start3A_22, %mul3A_19] : memref<1280x256xf32, #tpu.memory_space<hbm>> -> memref<1280x16xf32, #tpu.memory_space<hbm>>
    tpu.enqueue_dma source(%dma_start3A_23 : memref<1280x16xf32, #tpu.memory_space<hbm>>) target(%arg22 : memref<1280x16xf32, #tpu.memory_space<vmem>>) target_semaphore(%arg26 : memref<!tpu.dma_semaphore, #tpu.memory_space<semaphore_mem>>)
    tpu.enqueue_dma source(%arg3 : memref<1024xf32, #tpu.memory_space<hbm>>) target(%arg19 : memref<1024xf32, #tpu.memory_space<vmem>>) target_semaphore(%arg26 : memref<!tpu.dma_semaphore, #tpu.memory_space<semaphore_mem>>)
    tpu.enqueue_dma source(%arg8 : memref<1024xf32, #tpu.memory_space<hbm>>) target(%arg20 : memref<1024xf32, #tpu.memory_space<vmem>>) target_semaphore(%arg26 : memref<!tpu.dma_semaphore, #tpu.memory_space<semaphore_mem>>)
    %dma_wait3A = arith.constant 0 : i32
    %dma_wait3A_24 = tpu.memref_slice %arg12[%dma_wait3A] : memref<16xi32, #tpu.memory_space<vmem>> -> memref<1xi32, #tpu.memory_space<vmem>>
    %dma_wait3A_25 = arith.constant 0 : i32
    %dma_wait3A_26 = tpu.memref_slice %arg12[%dma_wait3A_25] : memref<16xi32, #tpu.memory_space<vmem>> -> memref<1xi32, #tpu.memory_space<vmem>>
    tpu.wait_dma2 semaphore(%arg25 : memref<!tpu.dma_semaphore, #tpu.memory_space<semaphore_mem>>) src(%arg2 : memref<1xi32, #tpu.memory_space<hbm>>) dst(%dma_wait3A_26 : memref<1xi32, #tpu.memory_space<vmem>>)
    tpu.wait_dma2 semaphore(%arg25 : memref<!tpu.dma_semaphore, #tpu.memory_space<semaphore_mem>>) src(%arg6 : memref<64xf32, #tpu.memory_space<hbm>>) dst(%arg13 : memref<64xf32, #tpu.memory_space<vmem>>)
    tpu.wait_dma2 semaphore(%arg25 : memref<!tpu.dma_semaphore, #tpu.memory_space<semaphore_mem>>) src(%arg10 : memref<64xf32, #tpu.memory_space<hbm>>) dst(%arg14 : memref<64xf32, #tpu.memory_space<vmem>>)
    %dma_wait3A_27 = arith.constant 0 : i32
    %dma_wait3A_28 = tpu.memref_slice %arg4[%dma_wait3A_27, %mul3A_3] : memref<64x256xf32, #tpu.memory_space<hbm>> -> memref<64x16xf32, #tpu.memory_space<hbm>>
    %dma_wait3A_29 = arith.constant 0 : i32
    %dma_wait3A_30 = tpu.memref_slice %arg4[%dma_wait3A_29, %mul3A_3] : memref<64x256xf32, #tpu.memory_space<hbm>> -> memref<64x16xf32, #tpu.memory_space<hbm>>
    tpu.wait_dma2 semaphore(%arg25 : memref<!tpu.dma_semaphore, #tpu.memory_space<semaphore_mem>>) src(%dma_wait3A_30 : memref<64x16xf32, #tpu.memory_space<hbm>>) dst(%arg15 : memref<64x16xf32, #tpu.memory_space<vmem>>)
    %dma_wait3A_31 = arith.constant 0 : i32
    %dma_wait3A_32 = tpu.memref_slice %arg5[%dma_wait3A_31, %mul3A_9] : memref<64x256xf32, #tpu.memory_space<hbm>> -> memref<64x16xf32, #tpu.memory_space<hbm>>
    %dma_wait3A_33 = arith.constant 0 : i32
    %dma_wait3A_34 = tpu.memref_slice %arg5[%dma_wait3A_33, %mul3A_9] : memref<64x256xf32, #tpu.memory_space<hbm>> -> memref<64x16xf32, #tpu.memory_space<hbm>>
    tpu.wait_dma2 semaphore(%arg25 : memref<!tpu.dma_semaphore, #tpu.memory_space<semaphore_mem>>) src(%dma_wait3A_34 : memref<64x16xf32, #tpu.memory_space<hbm>>) dst(%arg16 : memref<64x16xf32, #tpu.memory_space<vmem>>)
    %dma_wait3A_35 = tpu.memref_slice %arg7[%mul3A_15] : memref<256xf32, #tpu.memory_space<hbm>> -> memref<16xf32, #tpu.memory_space<hbm>>
    %dma_wait3A_36 = tpu.memref_slice %arg7[%mul3A_15] : memref<256xf32, #tpu.memory_space<hbm>> -> memref<16xf32, #tpu.memory_space<hbm>>
    tpu.wait_dma2 semaphore(%arg25 : memref<!tpu.dma_semaphore, #tpu.memory_space<semaphore_mem>>) src(%dma_wait3A_36 : memref<16xf32, #tpu.memory_space<hbm>>) dst(%arg18 : memref<16xf32, #tpu.memory_space<vmem>>)
    %get3A = arith.constant 0 : index
    %get3A_37 = tpu.vector_load %arg12[%get3A] {strides = array<i32>} : memref<16xi32, #tpu.memory_space<vmem>>, vector<16xi32>,
    %get3A_38 = vector.shape_cast %get3A_37 : vector<16xi32> to vector<16xi32>
    %slice3A = vector.extract_strided_slice %get3A_38 {offsets = [0], sizes = [1], strides = [1]} : vector<16xi32> to vector<1xi32>
    %squeeze3A = vector.extract %slice3A[0] : i32 from vector<1xi32>
    %convert_element_type3A = arith.sitofp %squeeze3A : i32 to f32
    %get3A_39 = arith.constant 0 : index
    %get3A_40 = tpu.vector_load %arg13[%get3A_39] {strides = array<i32>} : memref<64xf32, #tpu.memory_space<vmem>>, vector<16xf32>,
    %get3A_41 = vector.shape_cast %get3A_40 : vector<16xf32> to vector<16xf32>
    %get3A_42 = arith.constant 0 : index
    %get3A_43 = tpu.vector_load %arg14[%get3A_42] {strides = array<i32>} : memref<64xf32, #tpu.memory_space<vmem>>, vector<16xf32>,
    %get3A_44 = vector.shape_cast %get3A_43 : vector<16xf32> to vector<16xf32>
    %mul3A_45 = arith.constant 2.000000e+00 : f32
    %mul3A_46 = vector.broadcast %mul3A_45 : f32 to vector<16xf32>
    %mul3A_47 = arith.mulf %get3A_41, %mul3A_46 : vector<16xf32>
    %exp3A = math.exp %mul3A_47 : vector<16xf32>
    %add3A = arith.constant 1.000000e+00 : f32
    %add3A_48 = vector.broadcast %add3A : f32 to vector<16xf32>
    %add3A_49 = arith.addf %exp3A, %add3A_48 : vector<16xf32>
    %div3A = arith.constant 2.000000e+00 : f32
    %div3A_50 = vector.broadcast %div3A : f32 to vector<16xf32>
    %div3A_51 = arith.divf %div3A_50, %add3A_49 : vector<16xf32>
    %sub3A = arith.constant 1.000000e+00 : f32
    %sub3A_52 = vector.broadcast %sub3A : f32 to vector<16xf32>
    %sub3A_53 = arith.subf %sub3A_52, %div3A_51 : vector<16xf32>
    %add3A_54 = arith.addf %get3A_44, %sub3A_53 : vector<16xf32>
    %neg3A = arith.constant 0.000000e+00 : f32
    %neg3A_55 = vector.broadcast %neg3A : f32 to vector<16xf32>
    %neg3A_56 = arith.subf %neg3A_55, %add3A_54 : vector<16xf32>
    %exp3A_57 = math.exp %neg3A_56 : vector<16xf32>
    %add3A_58 = arith.constant 1.000000e+00 : f32
    %add3A_59 = vector.broadcast %add3A_58 : f32 to vector<16xf32>
    %add3A_60 = arith.addf %add3A_59, %exp3A_57 : vector<16xf32>
    %div3A_61 = arith.constant 5.000000e-01 : f32
    %div3A_62 = vector.broadcast %div3A_61 : f32 to vector<16xf32>
    %div3A_63 = arith.divf %div3A_62, %add3A_60 : vector<16xf32>
    %mul3A_64 = vector.broadcast %convert_element_type3A : f32 to vector<16xf32>
    %mul3A_65 = arith.mulf %mul3A_64, %div3A_63 : vector<16xf32>
    %convert_element_type3A_66 = arith.fptosi %mul3A_65 : vector<16xf32> to vector<16xi32>
    %convert_element_type3A_67 = arith.sitofp %convert_element_type3A_66 : vector<16xi32> to vector<16xf32>
    %sub3A_68 = arith.subf %mul3A_65, %convert_element_type3A_67 : vector<16xf32>
    %mul3A_69 = arith.constant 4.000000e+00 : f32
    %mul3A_70 = vector.broadcast %mul3A_69 : f32 to vector<16xf32>
    %mul3A_71 = arith.mulf %sub3A_68, %mul3A_70 : vector<16xf32>
    %add3A_72 = arith.constant 5.000000e-01 : f32
    %add3A_73 = vector.broadcast %add3A_72 : f32 to vector<16xf32>
    %add3A_74 = arith.addf %mul3A_71, %add3A_73 : vector<16xf32>
    %convert_element_type3A_75 = arith.fptosi %add3A_74 : vector<16xf32> to vector<16xi32>
    %convert_element_type3A_76 = arith.sitofp %convert_element_type3A_75 : vector<16xi32> to vector<16xf32>
    %mul3A_77 = arith.constant 2.500000e-01 : f32
    %mul3A_78 = vector.broadcast %mul3A_77 : f32 to vector<16xf32>
    %mul3A_79 = arith.mulf %convert_element_type3A_76, %mul3A_78 : vector<16xf32>
    %sub3A_80 = arith.subf %sub3A_68, %mul3A_79 : vector<16xf32>
    %mul3A_81 = arith.constant 6.28318548 : f32
    %mul3A_82 = vector.broadcast %mul3A_81 : f32 to vector<16xf32>
    %mul3A_83 = arith.mulf %sub3A_80, %mul3A_82 : vector<16xf32>
    %mul3A_84 = arith.mulf %mul3A_83, %mul3A_83 : vector<16xf32>
    %mul3A_85 = arith.constant 2.48015876E-5 : f32
    %mul3A_86 = vector.broadcast %mul3A_85 : f32 to vector<16xf32>
    %mul3A_87 = arith.mulf %mul3A_84, %mul3A_86 : vector<16xf32>
    %add3A_88 = arith.constant -0.00138888892 : f32
    %add3A_89 = vector.broadcast %add3A_88 : f32 to vector<16xf32>
    %add3A_90 = arith.addf %add3A_89, %mul3A_87 : vector<16xf32>
    %mul3A_91 = arith.mulf %mul3A_84, %add3A_90 : vector<16xf32>
    %add3A_92 = arith.constant 0.0416666679 : f32
    %add3A_93 = vector.broadcast %add3A_92 : f32 to vector<16xf32>
    %add3A_94 = arith.addf %add3A_93, %mul3A_91 : vector<16xf32>
    %mul3A_95 = arith.mulf %mul3A_84, %add3A_94 : vector<16xf32>
    %add3A_96 = arith.constant -5.000000e-01 : f32
    %add3A_97 = vector.broadcast %add3A_96 : f32 to vector<16xf32>
    %add3A_98 = arith.addf %add3A_97, %mul3A_95 : vector<16xf32>
    %mul3A_99 = arith.mulf %mul3A_84, %add3A_98 : vector<16xf32>
    %add3A_100 = arith.constant 1.000000e+00 : f32
    %add3A_101 = vector.broadcast %add3A_100 : f32 to vector<16xf32>
    %add3A_102 = arith.addf %add3A_101, %mul3A_99 : vector<16xf32>
    %mul3A_103 = arith.constant -1.98412701E-4 : f32
    %mul3A_104 = vector.broadcast %mul3A_103 : f32 to vector<16xf32>
    %mul3A_105 = arith.mulf %mul3A_84, %mul3A_104 : vector<16xf32>
    %add3A_106 = arith.constant 0.00833333377 : f32
    %add3A_107 = vector.broadcast %add3A_106 : f32 to vector<16xf32>
    %add3A_108 = arith.addf %add3A_107, %mul3A_105 : vector<16xf32>
    %mul3A_109 = arith.mulf %mul3A_84, %add3A_108 : vector<16xf32>
    %add3A_110 = arith.constant -0.166666672 : f32
    %add3A_111 = vector.broadcast %add3A_110 : f32 to vector<16xf32>
    %add3A_112 = arith.addf %add3A_111, %mul3A_109 : vector<16xf32>
    %mul3A_113 = arith.mulf %mul3A_84, %add3A_112 : vector<16xf32>
    %add3A_114 = arith.constant 1.000000e+00 : f32
    %add3A_115 = vector.broadcast %add3A_114 : f32 to vector<16xf32>
    %add3A_116 = arith.addf %add3A_115, %mul3A_113 : vector<16xf32>
    %mul3A_117 = arith.mulf %mul3A_83, %add3A_116 : vector<16xf32>
    %and3A = arith.constant 3 : i32
    %and3A_118 = vector.broadcast %and3A : i32 to vector<16xi32>
    %and3A_119 = arith.andi %convert_element_type3A_75, %and3A_118 : vector<16xi32>
    %eq3A = arith.constant 0 : i32
    %eq3A_120 = vector.broadcast %eq3A : i32 to vector<16xi32>
    %eq3A_121 = arith.cmpi eq, %and3A_119, %eq3A_120 : vector<16xi32>
    %eq3A_122 = arith.constant 1 : i32
    %eq3A_123 = vector.broadcast %eq3A_122 : i32 to vector<16xi32>
    %eq3A_124 = arith.cmpi eq, %and3A_119, %eq3A_123 : vector<16xi32>
    %neg3A_125 = arith.constant 0.000000e+00 : f32
    %neg3A_126 = vector.broadcast %neg3A_125 : f32 to vector<16xf32>
    %neg3A_127 = arith.subf %neg3A_126, %mul3A_117 : vector<16xf32>
    %eq3A_128 = arith.constant 2 : i32
    %eq3A_129 = vector.broadcast %eq3A_128 : i32 to vector<16xi32>
    %eq3A_130 = arith.cmpi eq, %and3A_119, %eq3A_129 : vector<16xi32>
    %neg3A_131 = arith.constant 0.000000e+00 : f32
    %neg3A_132 = vector.broadcast %neg3A_131 : f32 to vector<16xf32>
    %neg3A_133 = arith.subf %neg3A_132, %add3A_102 : vector<16xf32>
    %select_n3A = arith.select %eq3A_130, %neg3A_133, %mul3A_117 : vector<16xi1>, vector<16xf32>
    %select_n3A_134 = arith.select %eq3A_124, %neg3A_127, %select_n3A : vector<16xi1>, vector<16xf32>
    %select_n3A_135 = arith.select %eq3A_121, %add3A_102, %select_n3A_134 : vector<16xi1>, vector<16xf32>
    %eq3A_136 = arith.constant 0 : i32
    %eq3A_137 = vector.broadcast %eq3A_136 : i32 to vector<16xi32>
    %eq3A_138 = arith.cmpi eq, %and3A_119, %eq3A_137 : vector<16xi32>
    %eq3A_139 = arith.constant 1 : i32
    %eq3A_140 = vector.broadcast %eq3A_139 : i32 to vector<16xi32>
    %eq3A_141 = arith.cmpi eq, %and3A_119, %eq3A_140 : vector<16xi32>
    %eq3A_142 = arith.constant 2 : i32
    %eq3A_143 = vector.broadcast %eq3A_142 : i32 to vector<16xi32>
    %eq3A_144 = arith.cmpi eq, %and3A_119, %eq3A_143 : vector<16xi32>
    %neg3A_145 = arith.constant 0.000000e+00 : f32
    %neg3A_146 = vector.broadcast %neg3A_145 : f32 to vector<16xf32>
    %neg3A_147 = arith.subf %neg3A_146, %mul3A_117 : vector<16xf32>
    %neg3A_148 = arith.constant 0.000000e+00 : f32
    %neg3A_149 = vector.broadcast %neg3A_148 : f32 to vector<16xf32>
    %neg3A_150 = arith.subf %neg3A_149, %add3A_102 : vector<16xf32>
    %select_n3A_151 = arith.select %eq3A_144, %neg3A_147, %neg3A_150 : vector<16xi1>, vector<16xf32>
    %select_n3A_152 = arith.select %eq3A_141, %add3A_102, %select_n3A_151 : vector<16xi1>, vector<16xf32>
    %select_n3A_153 = arith.select %eq3A_138, %mul3A_117, %select_n3A_152 : vector<16xi1>, vector<16xf32>
    %get3A_154 = arith.constant 16 : index
    %get3A_155 = tpu.vector_load %arg13[%get3A_154] {strides = array<i32>} : memref<64xf32, #tpu.memory_space<vmem>>, vector<16xf32>,
    %get3A_156 = vector.shape_cast %get3A_155 : vector<16xf32> to vector<16xf32>
    %get3A_157 = arith.constant 16 : index
    %get3A_158 = tpu.vector_load %arg14[%get3A_157] {strides = array<i32>} : memref<64xf32, #tpu.memory_space<vmem>>, vector<16xf32>,
    %get3A_159 = vector.shape_cast %get3A_158 : vector<16xf32> to vector<16xf32>
    %mul3A_160 = arith.constant 2.000000e+00 : f32
    %mul3A_161 = vector.broadcast %mul3A_160 : f32 to vector<16xf32>
    %mul3A_162 = arith.mulf %get3A_156, %mul3A_161 : vector<16xf32>
    %exp3A_163 = math.exp %mul3A_162 : vector<16xf32>
    %add3A_164 = arith.constant 1.000000e+00 : f32
    %add3A_165 = vector.broadcast %add3A_164 : f32 to vector<16xf32>
    %add3A_166 = arith.addf %exp3A_163, %add3A_165 : vector<16xf32>
    %div3A_167 = arith.constant 2.000000e+00 : f32
    %div3A_168 = vector.broadcast %div3A_167 : f32 to vector<16xf32>
    %div3A_169 = arith.divf %div3A_168, %add3A_166 : vector<16xf32>
    %sub3A_170 = arith.constant 1.000000e+00 : f32
    %sub3A_171 = vector.broadcast %sub3A_170 : f32 to vector<16xf32>
    %sub3A_172 = arith.subf %sub3A_171, %div3A_169 : vector<16xf32>
    %add3A_173 = arith.addf %get3A_159, %sub3A_172 : vector<16xf32>
    %neg3A_174 = arith.constant 0.000000e+00 : f32
    %neg3A_175 = vector.broadcast %neg3A_174 : f32 to vector<16xf32>
    %neg3A_176 = arith.subf %neg3A_175, %add3A_173 : vector<16xf32>
    %exp3A_177 = math.exp %neg3A_176 : vector<16xf32>
    %add3A_178 = arith.constant 1.000000e+00 : f32
    %add3A_179 = vector.broadcast %add3A_178 : f32 to vector<16xf32>
    %add3A_180 = arith.addf %add3A_179, %exp3A_177 : vector<16xf32>
    %div3A_181 = arith.constant 5.000000e-01 : f32
    %div3A_182 = vector.broadcast %div3A_181 : f32 to vector<16xf32>
    %div3A_183 = arith.divf %div3A_182, %add3A_180 : vector<16xf32>
    %mul3A_184 = vector.broadcast %convert_element_type3A : f32 to vector<16xf32>
    %mul3A_185 = arith.mulf %mul3A_184, %div3A_183 : vector<16xf32>
    %convert_element_type3A_186 = arith.fptosi %mul3A_185 : vector<16xf32> to vector<16xi32>
    %convert_element_type3A_187 = arith.sitofp %convert_element_type3A_186 : vector<16xi32> to vector<16xf32>
    %sub3A_188 = arith.subf %mul3A_185, %convert_element_type3A_187 : vector<16xf32>
    %mul3A_189 = arith.constant 4.000000e+00 : f32
    %mul3A_190 = vector.broadcast %mul3A_189 : f32 to vector<16xf32>
    %mul3A_191 = arith.mulf %sub3A_188, %mul3A_190 : vector<16xf32>
    %add3A_192 = arith.constant 5.000000e-01 : f32
    %add3A_193 = vector.broadcast %add3A_192 : f32 to vector<16xf32>
    %add3A_194 = arith.addf %mul3A_191, %add3A_193 : vector<16xf32>
    %convert_element_type3A_195 = arith.fptosi %add3A_194 : vector<16xf32> to vector<16xi32>
    %convert_element_type3A_196 = arith.sitofp %convert_element_type3A_195 : vector<16xi32> to vector<16xf32>
    %mul3A_197 = arith.constant 2.500000e-01 : f32
    %mul3A_198 = vector.broadcast %mul3A_197 : f32 to vector<16xf32>
    %mul3A_199 = arith.mulf %convert_element_type3A_196, %mul3A_198 : vector<16xf32>
    %sub3A_200 = arith.subf %sub3A_188, %mul3A_199 : vector<16xf32>
    %mul3A_201 = arith.constant 6.28318548 : f32
    %mul3A_202 = vector.broadcast %mul3A_201 : f32 to vector<16xf32>
    %mul3A_203 = arith.mulf %sub3A_200, %mul3A_202 : vector<16xf32>
    %mul3A_204 = arith.mulf %mul3A_203, %mul3A_203 : vector<16xf32>
    %mul3A_205 = arith.constant 2.48015876E-5 : f32
    %mul3A_206 = vector.broadcast %mul3A_205 : f32 to vector<16xf32>
    %mul3A_207 = arith.mulf %mul3A_204, %mul3A_206 : vector<16xf32>
    %add3A_208 = arith.constant -0.00138888892 : f32
    %add3A_209 = vector.broadcast %add3A_208 : f32 to vector<16xf32>
    %add3A_210 = arith.addf %add3A_209, %mul3A_207 : vector<16xf32>
    %mul3A_211 = arith.mulf %mul3A_204, %add3A_210 : vector<16xf32>
    %add3A_212 = arith.constant 0.0416666679 : f32
    %add3A_213 = vector.broadcast %add3A_212 : f32 to vector<16xf32>
    %add3A_214 = arith.addf %add3A_213, %mul3A_211 : vector<16xf32>
    %mul3A_215 = arith.mulf %mul3A_204, %add3A_214 : vector<16xf32>
    %add3A_216 = arith.constant -5.000000e-01 : f32
    %add3A_217 = vector.broadcast %add3A_216 : f32 to vector<16xf32>
    %add3A_218 = arith.addf %add3A_217, %mul3A_215 : vector<16xf32>
    %mul3A_219 = arith.mulf %mul3A_204, %add3A_218 : vector<16xf32>
    %add3A_220 = arith.constant 1.000000e+00 : f32
    %add3A_221 = vector.broadcast %add3A_220 : f32 to vector<16xf32>
    %add3A_222 = arith.addf %add3A_221, %mul3A_219 : vector<16xf32>
    %mul3A_223 = arith.constant -1.98412701E-4 : f32
    %mul3A_224 = vector.broadcast %mul3A_223 : f32 to vector<16xf32>
    %mul3A_225 = arith.mulf %mul3A_204, %mul3A_224 : vector<16xf32>
    %add3A_226 = arith.constant 0.00833333377 : f32
    %add3A_227 = vector.broadcast %add3A_226 : f32 to vector<16xf32>
    %add3A_228 = arith.addf %add3A_227, %mul3A_225 : vector<16xf32>
    %mul3A_229 = arith.mulf %mul3A_204, %add3A_228 : vector<16xf32>
    %add3A_230 = arith.constant -0.166666672 : f32
    %add3A_231 = vector.broadcast %add3A_230 : f32 to vector<16xf32>
    %add3A_232 = arith.addf %add3A_231, %mul3A_229 : vector<16xf32>
    %mul3A_233 = arith.mulf %mul3A_204, %add3A_232 : vector<16xf32>
    %add3A_234 = arith.constant 1.000000e+00 : f32
    %add3A_235 = vector.broadcast %add3A_234 : f32 to vector<16xf32>
    %add3A_236 = arith.addf %add3A_235, %mul3A_233 : vector<16xf32>
    %mul3A_237 = arith.mulf %mul3A_203, %add3A_236 : vector<16xf32>
    %and3A_238 = arith.constant 3 : i32
    %and3A_239 = vector.broadcast %and3A_238 : i32 to vector<16xi32>
    %and3A_240 = arith.andi %convert_element_type3A_195, %and3A_239 : vector<16xi32>
    %eq3A_241 = arith.constant 0 : i32
    %eq3A_242 = vector.broadcast %eq3A_241 : i32 to vector<16xi32>
    %eq3A_243 = arith.cmpi eq, %and3A_240, %eq3A_242 : vector<16xi32>
    %eq3A_244 = arith.constant 1 : i32
    %eq3A_245 = vector.broadcast %eq3A_244 : i32 to vector<16xi32>
    %eq3A_246 = arith.cmpi eq, %and3A_240, %eq3A_245 : vector<16xi32>
    %neg3A_247 = arith.constant 0.000000e+00 : f32
    %neg3A_248 = vector.broadcast %neg3A_247 : f32 to vector<16xf32>
    %neg3A_249 = arith.subf %neg3A_248, %mul3A_237 : vector<16xf32>
    %eq3A_250 = arith.constant 2 : i32
    %eq3A_251 = vector.broadcast %eq3A_250 : i32 to vector<16xi32>
    %eq3A_252 = arith.cmpi eq, %and3A_240, %eq3A_251 : vector<16xi32>
    %neg3A_253 = arith.constant 0.000000e+00 : f32
    %neg3A_254 = vector.broadcast %neg3A_253 : f32 to vector<16xf32>
    %neg3A_255 = arith.subf %neg3A_254, %add3A_222 : vector<16xf32>
    %select_n3A_256 = arith.select %eq3A_252, %neg3A_255, %mul3A_237 : vector<16xi1>, vector<16xf32>
    %select_n3A_257 = arith.select %eq3A_246, %neg3A_249, %select_n3A_256 : vector<16xi1>, vector<16xf32>
    %select_n3A_258 = arith.select %eq3A_243, %add3A_222, %select_n3A_257 : vector<16xi1>, vector<16xf32>
    %eq3A_259 = arith.constant 0 : i32
    %eq3A_260 = vector.broadcast %eq3A_259 : i32 to vector<16xi32>
    %eq3A_261 = arith.cmpi eq, %and3A_240, %eq3A_260 : vector<16xi32>
    %eq3A_262 = arith.constant 1 : i32
    %eq3A_263 = vector.broadcast %eq3A_262 : i32 to vector<16xi32>
    %eq3A_264 = arith.cmpi eq, %and3A_240, %eq3A_263 : vector<16xi32>
    %eq3A_265 = arith.constant 2 : i32
    %eq3A_266 = vector.broadcast %eq3A_265 : i32 to vector<16xi32>
    %eq3A_267 = arith.cmpi eq, %and3A_240, %eq3A_266 : vector<16xi32>
    %neg3A_268 = arith.constant 0.000000e+00 : f32
    %neg3A_269 = vector.broadcast %neg3A_268 : f32 to vector<16xf32>
    %neg3A_270 = arith.subf %neg3A_269, %mul3A_237 : vector<16xf32>
    %neg3A_271 = arith.constant 0.000000e+00 : f32
    %neg3A_272 = vector.broadcast %neg3A_271 : f32 to vector<16xf32>
    %neg3A_273 = arith.subf %neg3A_272, %add3A_222 : vector<16xf32>
    %select_n3A_274 = arith.select %eq3A_267, %neg3A_270, %neg3A_273 : vector<16xi1>, vector<16xf32>
    %select_n3A_275 = arith.select %eq3A_264, %add3A_222, %select_n3A_274 : vector<16xi1>, vector<16xf32>
    %select_n3A_276 = arith.select %eq3A_261, %mul3A_237, %select_n3A_275 : vector<16xi1>, vector<16xf32>
    %get3A_277 = arith.constant 32 : index
    %get3A_278 = tpu.vector_load %arg13[%get3A_277] {strides = array<i32>} : memref<64xf32, #tpu.memory_space<vmem>>, vector<16xf32>,
    %get3A_279 = vector.shape_cast %get3A_278 : vector<16xf32> to vector<16xf32>
    %get3A_280 = arith.constant 32 : index
    %get3A_281 = tpu.vector_load %arg14[%get3A_280] {strides = array<i32>} : memref<64xf32, #tpu.memory_space<vmem>>, vector<16xf32>,
    %get3A_282 = vector.shape_cast %get3A_281 : vector<16xf32> to vector<16xf32>
    %mul3A_283 = arith.constant 2.000000e+00 : f32
    %mul3A_284 = vector.broadcast %mul3A_283 : f32 to vector<16xf32>
    %mul3A_285 = arith.mulf %get3A_279, %mul3A_284 : vector<16xf32>
    %exp3A_286 = math.exp %mul3A_285 : vector<16xf32>
    %add3A_287 = arith.constant 1.000000e+00 : f32
    %add3A_288 = vector.broadcast %add3A_287 : f32 to vector<16xf32>
    %add3A_289 = arith.addf %exp3A_286, %add3A_288 : vector<16xf32>
    %div3A_290 = arith.constant 2.000000e+00 : f32
    %div3A_291 = vector.broadcast %div3A_290 : f32 to vector<16xf32>
    %div3A_292 = arith.divf %div3A_291, %add3A_289 : vector<16xf32>
    %sub3A_293 = arith.constant 1.000000e+00 : f32
    %sub3A_294 = vector.broadcast %sub3A_293 : f32 to vector<16xf32>
    %sub3A_295 = arith.subf %sub3A_294, %div3A_292 : vector<16xf32>
    %add3A_296 = arith.addf %get3A_282, %sub3A_295 : vector<16xf32>
    %neg3A_297 = arith.constant 0.000000e+00 : f32
    %neg3A_298 = vector.broadcast %neg3A_297 : f32 to vector<16xf32>
    %neg3A_299 = arith.subf %neg3A_298, %add3A_296 : vector<16xf32>
    %exp3A_300 = math.exp %neg3A_299 : vector<16xf32>
    %add3A_301 = arith.constant 1.000000e+00 : f32
    %add3A_302 = vector.broadcast %add3A_301 : f32 to vector<16xf32>
    %add3A_303 = arith.addf %add3A_302, %exp3A_300 : vector<16xf32>
    %div3A_304 = arith.constant 5.000000e-01 : f32
    %div3A_305 = vector.broadcast %div3A_304 : f32 to vector<16xf32>
    %div3A_306 = arith.divf %div3A_305, %add3A_303 : vector<16xf32>
    %mul3A_307 = vector.broadcast %convert_element_type3A : f32 to vector<16xf32>
    %mul3A_308 = arith.mulf %mul3A_307, %div3A_306 : vector<16xf32>
    %convert_element_type3A_309 = arith.fptosi %mul3A_308 : vector<16xf32> to vector<16xi32>
    %convert_element_type3A_310 = arith.sitofp %convert_element_type3A_309 : vector<16xi32> to vector<16xf32>
    %sub3A_311 = arith.subf %mul3A_308, %convert_element_type3A_310 : vector<16xf32>
    %mul3A_312 = arith.constant 4.000000e+00 : f32
    %mul3A_313 = vector.broadcast %mul3A_312 : f32 to vector<16xf32>
    %mul3A_314 = arith.mulf %sub3A_311, %mul3A_313 : vector<16xf32>
    %add3A_315 = arith.constant 5.000000e-01 : f32
    %add3A_316 = vector.broadcast %add3A_315 : f32 to vector<16xf32>
    %add3A_317 = arith.addf %mul3A_314, %add3A_316 : vector<16xf32>
    %convert_element_type3A_318 = arith.fptosi %add3A_317 : vector<16xf32> to vector<16xi32>
    %convert_element_type3A_319 = arith.sitofp %convert_element_type3A_318 : vector<16xi32> to vector<16xf32>
    %mul3A_320 = arith.constant 2.500000e-01 : f32
    %mul3A_321 = vector.broadcast %mul3A_320 : f32 to vector<16xf32>
    %mul3A_322 = arith.mulf %convert_element_type3A_319, %mul3A_321 : vector<16xf32>
    %sub3A_323 = arith.subf %sub3A_311, %mul3A_322 : vector<16xf32>
    %mul3A_324 = arith.constant 6.28318548 : f32
    %mul3A_325 = vector.broadcast %mul3A_324 : f32 to vector<16xf32>
    %mul3A_326 = arith.mulf %sub3A_323, %mul3A_325 : vector<16xf32>
    %mul3A_327 = arith.mulf %mul3A_326, %mul3A_326 : vector<16xf32>
    %mul3A_328 = arith.constant 2.48015876E-5 : f32
    %mul3A_329 = vector.broadcast %mul3A_328 : f32 to vector<16xf32>
    %mul3A_330 = arith.mulf %mul3A_327, %mul3A_329 : vector<16xf32>
    %add3A_331 = arith.constant -0.00138888892 : f32
    %add3A_332 = vector.broadcast %add3A_331 : f32 to vector<16xf32>
    %add3A_333 = arith.addf %add3A_332, %mul3A_330 : vector<16xf32>
    %mul3A_334 = arith.mulf %mul3A_327, %add3A_333 : vector<16xf32>
    %add3A_335 = arith.constant 0.0416666679 : f32
    %add3A_336 = vector.broadcast %add3A_335 : f32 to vector<16xf32>
    %add3A_337 = arith.addf %add3A_336, %mul3A_334 : vector<16xf32>
    %mul3A_338 = arith.mulf %mul3A_327, %add3A_337 : vector<16xf32>
    %add3A_339 = arith.constant -5.000000e-01 : f32
    %add3A_340 = vector.broadcast %add3A_339 : f32 to vector<16xf32>
    %add3A_341 = arith.addf %add3A_340, %mul3A_338 : vector<16xf32>
    %mul3A_342 = arith.mulf %mul3A_327, %add3A_341 : vector<16xf32>
    %add3A_343 = arith.constant 1.000000e+00 : f32
    %add3A_344 = vector.broadcast %add3A_343 : f32 to vector<16xf32>
    %add3A_345 = arith.addf %add3A_344, %mul3A_342 : vector<16xf32>
    %mul3A_346 = arith.constant -1.98412701E-4 : f32
    %mul3A_347 = vector.broadcast %mul3A_346 : f32 to vector<16xf32>
    %mul3A_348 = arith.mulf %mul3A_327, %mul3A_347 : vector<16xf32>
    %add3A_349 = arith.constant 0.00833333377 : f32
    %add3A_350 = vector.broadcast %add3A_349 : f32 to vector<16xf32>
    %add3A_351 = arith.addf %add3A_350, %mul3A_348 : vector<16xf32>
    %mul3A_352 = arith.mulf %mul3A_327, %add3A_351 : vector<16xf32>
    %add3A_353 = arith.constant -0.166666672 : f32
    %add3A_354 = vector.broadcast %add3A_353 : f32 to vector<16xf32>
    %add3A_355 = arith.addf %add3A_354, %mul3A_352 : vector<16xf32>
    %mul3A_356 = arith.mulf %mul3A_327, %add3A_355 : vector<16xf32>
    %add3A_357 = arith.constant 1.000000e+00 : f32
    %add3A_358 = vector.broadcast %add3A_357 : f32 to vector<16xf32>
    %add3A_359 = arith.addf %add3A_358, %mul3A_356 : vector<16xf32>
    %mul3A_360 = arith.mulf %mul3A_326, %add3A_359 : vector<16xf32>
    %and3A_361 = arith.constant 3 : i32
    %and3A_362 = vector.broadcast %and3A_361 : i32 to vector<16xi32>
    %and3A_363 = arith.andi %convert_element_type3A_318, %and3A_362 : vector<16xi32>
    %eq3A_364 = arith.constant 0 : i32
    %eq3A_365 = vector.broadcast %eq3A_364 : i32 to vector<16xi32>
    %eq3A_366 = arith.cmpi eq, %and3A_363, %eq3A_365 : vector<16xi32>
    %eq3A_367 = arith.constant 1 : i32
    %eq3A_368 = vector.broadcast %eq3A_367 : i32 to vector<16xi32>
    %eq3A_369 = arith.cmpi eq, %and3A_363, %eq3A_368 : vector<16xi32>
    %neg3A_370 = arith.constant 0.000000e+00 : f32
    %neg3A_371 = vector.broadcast %neg3A_370 : f32 to vector<16xf32>
    %neg3A_372 = arith.subf %neg3A_371, %mul3A_360 : vector<16xf32>
    %eq3A_373 = arith.constant 2 : i32
    %eq3A_374 = vector.broadcast %eq3A_373 : i32 to vector<16xi32>
    %eq3A_375 = arith.cmpi eq, %and3A_363, %eq3A_374 : vector<16xi32>
    %neg3A_376 = arith.constant 0.000000e+00 : f32
    %neg3A_377 = vector.broadcast %neg3A_376 : f32 to vector<16xf32>
    %neg3A_378 = arith.subf %neg3A_377, %add3A_345 : vector<16xf32>
    %select_n3A_379 = arith.select %eq3A_375, %neg3A_378, %mul3A_360 : vector<16xi1>, vector<16xf32>
    %select_n3A_380 = arith.select %eq3A_369, %neg3A_372, %select_n3A_379 : vector<16xi1>, vector<16xf32>
    %select_n3A_381 = arith.select %eq3A_366, %add3A_345, %select_n3A_380 : vector<16xi1>, vector<16xf32>
    %eq3A_382 = arith.constant 0 : i32
    %eq3A_383 = vector.broadcast %eq3A_382 : i32 to vector<16xi32>
    %eq3A_384 = arith.cmpi eq, %and3A_363, %eq3A_383 : vector<16xi32>
    %eq3A_385 = arith.constant 1 : i32
    %eq3A_386 = vector.broadcast %eq3A_385 : i32 to vector<16xi32>
    %eq3A_387 = arith.cmpi eq, %and3A_363, %eq3A_386 : vector<16xi32>
    %eq3A_388 = arith.constant 2 : i32
    %eq3A_389 = vector.broadcast %eq3A_388 : i32 to vector<16xi32>
    %eq3A_390 = arith.cmpi eq, %and3A_363, %eq3A_389 : vector<16xi32>
    %neg3A_391 = arith.constant 0.000000e+00 : f32
    %neg3A_392 = vector.broadcast %neg3A_391 : f32 to vector<16xf32>
    %neg3A_393 = arith.subf %neg3A_392, %mul3A_360 : vector<16xf32>
    %neg3A_394 = arith.constant 0.000000e+00 : f32
    %neg3A_395 = vector.broadcast %neg3A_394 : f32 to vector<16xf32>
    %neg3A_396 = arith.subf %neg3A_395, %add3A_345 : vector<16xf32>
    %select_n3A_397 = arith.select %eq3A_390, %neg3A_393, %neg3A_396 : vector<16xi1>, vector<16xf32>
    %select_n3A_398 = arith.select %eq3A_387, %add3A_345, %select_n3A_397 : vector<16xi1>, vector<16xf32>
    %select_n3A_399 = arith.select %eq3A_384, %mul3A_360, %select_n3A_398 : vector<16xi1>, vector<16xf32>
    %get3A_400 = arith.constant 48 : index
    %get3A_401 = tpu.vector_load %arg13[%get3A_400] {strides = array<i32>} : memref<64xf32, #tpu.memory_space<vmem>>, vector<16xf32>,
    %get3A_402 = vector.shape_cast %get3A_401 : vector<16xf32> to vector<16xf32>
    %get3A_403 = arith.constant 48 : index
    %get3A_404 = tpu.vector_load %arg14[%get3A_403] {strides = array<i32>} : memref<64xf32, #tpu.memory_space<vmem>>, vector<16xf32>,
    %get3A_405 = vector.shape_cast %get3A_404 : vector<16xf32> to vector<16xf32>
    %mul3A_406 = arith.constant 2.000000e+00 : f32
    %mul3A_407 = vector.broadcast %mul3A_406 : f32 to vector<16xf32>
    %mul3A_408 = arith.mulf %get3A_402, %mul3A_407 : vector<16xf32>
    %exp3A_409 = math.exp %mul3A_408 : vector<16xf32>
    %add3A_410 = arith.constant 1.000000e+00 : f32
    %add3A_411 = vector.broadcast %add3A_410 : f32 to vector<16xf32>
    %add3A_412 = arith.addf %exp3A_409, %add3A_411 : vector<16xf32>
    %div3A_413 = arith.constant 2.000000e+00 : f32
    %div3A_414 = vector.broadcast %div3A_413 : f32 to vector<16xf32>
    %div3A_415 = arith.divf %div3A_414, %add3A_412 : vector<16xf32>
    %sub3A_416 = arith.constant 1.000000e+00 : f32
    %sub3A_417 = vector.broadcast %sub3A_416 : f32 to vector<16xf32>
    %sub3A_418 = arith.subf %sub3A_417, %div3A_415 : vector<16xf32>
    %add3A_419 = arith.addf %get3A_405, %sub3A_418 : vector<16xf32>
    %neg3A_420 = arith.constant 0.000000e+00 : f32
    %neg3A_421 = vector.broadcast %neg3A_420 : f32 to vector<16xf32>
    %neg3A_422 = arith.subf %neg3A_421, %add3A_419 : vector<16xf32>
    %exp3A_423 = math.exp %neg3A_422 : vector<16xf32>
    %add3A_424 = arith.constant 1.000000e+00 : f32
    %add3A_425 = vector.broadcast %add3A_424 : f32 to vector<16xf32>
    %add3A_426 = arith.addf %add3A_425, %exp3A_423 : vector<16xf32>
    %div3A_427 = arith.constant 5.000000e-01 : f32
    %div3A_428 = vector.broadcast %div3A_427 : f32 to vector<16xf32>
    %div3A_429 = arith.divf %div3A_428, %add3A_426 : vector<16xf32>
    %mul3A_430 = vector.broadcast %convert_element_type3A : f32 to vector<16xf32>
    %mul3A_431 = arith.mulf %mul3A_430, %div3A_429 : vector<16xf32>
    %convert_element_type3A_432 = arith.fptosi %mul3A_431 : vector<16xf32> to vector<16xi32>
    %convert_element_type3A_433 = arith.sitofp %convert_element_type3A_432 : vector<16xi32> to vector<16xf32>
    %sub3A_434 = arith.subf %mul3A_431, %convert_element_type3A_433 : vector<16xf32>
    %mul3A_435 = arith.constant 4.000000e+00 : f32
    %mul3A_436 = vector.broadcast %mul3A_435 : f32 to vector<16xf32>
    %mul3A_437 = arith.mulf %sub3A_434, %mul3A_436 : vector<16xf32>
    %add3A_438 = arith.constant 5.000000e-01 : f32
    %add3A_439 = vector.broadcast %add3A_438 : f32 to vector<16xf32>
    %add3A_440 = arith.addf %mul3A_437, %add3A_439 : vector<16xf32>
    %convert_element_type3A_441 = arith.fptosi %add3A_440 : vector<16xf32> to vector<16xi32>
    %convert_element_type3A_442 = arith.sitofp %convert_element_type3A_441 : vector<16xi32> to vector<16xf32>
    %mul3A_443 = arith.constant 2.500000e-01 : f32
    %mul3A_444 = vector.broadcast %mul3A_443 : f32 to vector<16xf32>
    %mul3A_445 = arith.mulf %convert_element_type3A_442, %mul3A_444 : vector<16xf32>
    %sub3A_446 = arith.subf %sub3A_434, %mul3A_445 : vector<16xf32>
    %mul3A_447 = arith.constant 6.28318548 : f32
    %mul3A_448 = vector.broadcast %mul3A_447 : f32 to vector<16xf32>
    %mul3A_449 = arith.mulf %sub3A_446, %mul3A_448 : vector<16xf32>
    %mul3A_450 = arith.mulf %mul3A_449, %mul3A_449 : vector<16xf32>
    %mul3A_451 = arith.constant 2.48015876E-5 : f32
    %mul3A_452 = vector.broadcast %mul3A_451 : f32 to vector<16xf32>
    %mul3A_453 = arith.mulf %mul3A_450, %mul3A_452 : vector<16xf32>
    %add3A_454 = arith.constant -0.00138888892 : f32
    %add3A_455 = vector.broadcast %add3A_454 : f32 to vector<16xf32>
    %add3A_456 = arith.addf %add3A_455, %mul3A_453 : vector<16xf32>
    %mul3A_457 = arith.mulf %mul3A_450, %add3A_456 : vector<16xf32>
    %add3A_458 = arith.constant 0.0416666679 : f32
    %add3A_459 = vector.broadcast %add3A_458 : f32 to vector<16xf32>
    %add3A_460 = arith.addf %add3A_459, %mul3A_457 : vector<16xf32>
    %mul3A_461 = arith.mulf %mul3A_450, %add3A_460 : vector<16xf32>
    %add3A_462 = arith.constant -5.000000e-01 : f32
    %add3A_463 = vector.broadcast %add3A_462 : f32 to vector<16xf32>
    %add3A_464 = arith.addf %add3A_463, %mul3A_461 : vector<16xf32>
    %mul3A_465 = arith.mulf %mul3A_450, %add3A_464 : vector<16xf32>
    %add3A_466 = arith.constant 1.000000e+00 : f32
    %add3A_467 = vector.broadcast %add3A_466 : f32 to vector<16xf32>
    %add3A_468 = arith.addf %add3A_467, %mul3A_465 : vector<16xf32>
    %mul3A_469 = arith.constant -1.98412701E-4 : f32
    %mul3A_470 = vector.broadcast %mul3A_469 : f32 to vector<16xf32>
    %mul3A_471 = arith.mulf %mul3A_450, %mul3A_470 : vector<16xf32>
    %add3A_472 = arith.constant 0.00833333377 : f32
    %add3A_473 = vector.broadcast %add3A_472 : f32 to vector<16xf32>
    %add3A_474 = arith.addf %add3A_473, %mul3A_471 : vector<16xf32>
    %mul3A_475 = arith.mulf %mul3A_450, %add3A_474 : vector<16xf32>
    %add3A_476 = arith.constant -0.166666672 : f32
    %add3A_477 = vector.broadcast %add3A_476 : f32 to vector<16xf32>
    %add3A_478 = arith.addf %add3A_477, %mul3A_475 : vector<16xf32>
    %mul3A_479 = arith.mulf %mul3A_450, %add3A_478 : vector<16xf32>
    %add3A_480 = arith.constant 1.000000e+00 : f32
    %add3A_481 = vector.broadcast %add3A_480 : f32 to vector<16xf32>
    %add3A_482 = arith.addf %add3A_481, %mul3A_479 : vector<16xf32>
    %mul3A_483 = arith.mulf %mul3A_449, %add3A_482 : vector<16xf32>
    %and3A_484 = arith.constant 3 : i32
    %and3A_485 = vector.broadcast %and3A_484 : i32 to vector<16xi32>
    %and3A_486 = arith.andi %convert_element_type3A_441, %and3A_485 : vector<16xi32>
    %eq3A_487 = arith.constant 0 : i32
    %eq3A_488 = vector.broadcast %eq3A_487 : i32 to vector<16xi32>
    %eq3A_489 = arith.cmpi eq, %and3A_486, %eq3A_488 : vector<16xi32>
    %eq3A_490 = arith.constant 1 : i32
    %eq3A_491 = vector.broadcast %eq3A_490 : i32 to vector<16xi32>
    %eq3A_492 = arith.cmpi eq, %and3A_486, %eq3A_491 : vector<16xi32>
    %neg3A_493 = arith.constant 0.000000e+00 : f32
    %neg3A_494 = vector.broadcast %neg3A_493 : f32 to vector<16xf32>
    %neg3A_495 = arith.subf %neg3A_494, %mul3A_483 : vector<16xf32>
    %eq3A_496 = arith.constant 2 : i32
    %eq3A_497 = vector.broadcast %eq3A_496 : i32 to vector<16xi32>
    %eq3A_498 = arith.cmpi eq, %and3A_486, %eq3A_497 : vector<16xi32>
    %neg3A_499 = arith.constant 0.000000e+00 : f32
    %neg3A_500 = vector.broadcast %neg3A_499 : f32 to vector<16xf32>
    %neg3A_501 = arith.subf %neg3A_500, %add3A_468 : vector<16xf32>
    %select_n3A_502 = arith.select %eq3A_498, %neg3A_501, %mul3A_483 : vector<16xi1>, vector<16xf32>
    %select_n3A_503 = arith.select %eq3A_492, %neg3A_495, %select_n3A_502 : vector<16xi1>, vector<16xf32>
    %select_n3A_504 = arith.select %eq3A_489, %add3A_468, %select_n3A_503 : vector<16xi1>, vector<16xf32>
    %eq3A_505 = arith.constant 0 : i32
    %eq3A_506 = vector.broadcast %eq3A_505 : i32 to vector<16xi32>
    %eq3A_507 = arith.cmpi eq, %and3A_486, %eq3A_506 : vector<16xi32>
    %eq3A_508 = arith.constant 1 : i32
    %eq3A_509 = vector.broadcast %eq3A_508 : i32 to vector<16xi32>
    %eq3A_510 = arith.cmpi eq, %and3A_486, %eq3A_509 : vector<16xi32>
    %eq3A_511 = arith.constant 2 : i32
    %eq3A_512 = vector.broadcast %eq3A_511 : i32 to vector<16xi32>
    %eq3A_513 = arith.cmpi eq, %and3A_486, %eq3A_512 : vector<16xi32>
    %neg3A_514 = arith.constant 0.000000e+00 : f32
    %neg3A_515 = vector.broadcast %neg3A_514 : f32 to vector<16xf32>
    %neg3A_516 = arith.subf %neg3A_515, %mul3A_483 : vector<16xf32>
    %neg3A_517 = arith.constant 0.000000e+00 : f32
    %neg3A_518 = vector.broadcast %neg3A_517 : f32 to vector<16xf32>
    %neg3A_519 = arith.subf %neg3A_518, %add3A_468 : vector<16xf32>
    %select_n3A_520 = arith.select %eq3A_513, %neg3A_516, %neg3A_519 : vector<16xi1>, vector<16xf32>
    %select_n3A_521 = arith.select %eq3A_510, %add3A_468, %select_n3A_520 : vector<16xi1>, vector<16xf32>
    %select_n3A_522 = arith.select %eq3A_507, %mul3A_483, %select_n3A_521 : vector<16xi1>, vector<16xf32>
    %broadcast_in_dim3A = arith.constant 0.000000e+00 : f32
    %broadcast_in_dim3A_523 = vector.broadcast %broadcast_in_dim3A : f32 to vector<16xf32>
    %slice3A_524 = vector.extract_strided_slice %select_n3A_135 {offsets = [0], sizes = [1], strides = [1]} : vector<16xf32> to vector<1xf32>
    %squeeze3A_525 = vector.extract %slice3A_524[0] : f32 from vector<1xf32>
    %get3A_526 = arith.constant 0 : i32
    %get3A_527 = arith.index_cast %get3A_526 : i32 to index
    %get3A_528 = arith.constant 0 : index
    %get3A_529 = tpu.vector_load %arg15[%get3A_527, %get3A_528] {strides = array<i32>} : memref<64x16xf32, #tpu.memory_space<vmem>>, vector<1x16xf32>,
    %get3A_530 = vector.shape_cast %get3A_529 : vector<1x16xf32> to vector<16xf32>
    %mul3A_531 = vector.broadcast %squeeze3A_525 : f32 to vector<16xf32>
    %mul3A_532 = arith.mulf %mul3A_531, %get3A_530 : vector<16xf32>
    %add3A_533 = arith.addf %broadcast_in_dim3A_523, %mul3A_532 : vector<16xf32>
    %slice3A_534 = vector.extract_strided_slice %select_n3A_153 {offsets = [0], sizes = [1], strides = [1]} : vector<16xf32> to vector<1xf32>
    %squeeze3A_535 = vector.extract %slice3A_534[0] : f32 from vector<1xf32>
    %get3A_536 = arith.constant 0 : i32
    %get3A_537 = arith.index_cast %get3A_536 : i32 to index
    %get3A_538 = arith.constant 0 : index
    %get3A_539 = tpu.vector_load %arg16[%get3A_537, %get3A_538] {strides = array<i32>} : memref<64x16xf32, #tpu.memory_space<vmem>>, vector<1x16xf32>,
    %get3A_540 = vector.shape_cast %get3A_539 : vector<1x16xf32> to vector<16xf32>
    %mul3A_541 = vector.broadcast %squeeze3A_535 : f32 to vector<16xf32>
    %mul3A_542 = arith.mulf %mul3A_541, %get3A_540 : vector<16xf32>
    %sub3A_543 = arith.subf %add3A_533, %mul3A_542 : vector<16xf32>
    %slice3A_544 = vector.extract_strided_slice %select_n3A_135 {offsets = [1], sizes = [1], strides = [1]} : vector<16xf32> to vector<1xf32>
    %squeeze3A_545 = vector.extract %slice3A_544[0] : f32 from vector<1xf32>
    %get3A_546 = arith.constant 1 : i32
    %get3A_547 = arith.index_cast %get3A_546 : i32 to index
    %get3A_548 = arith.constant 0 : index
    %get3A_549 = tpu.vector_load %arg15[%get3A_547, %get3A_548] {strides = array<i32>} : memref<64x16xf32, #tpu.memory_space<vmem>>, vector<1x16xf32>,
    %get3A_550 = vector.shape_cast %get3A_549 : vector<1x16xf32> to vector<16xf32>
    %mul3A_551 = vector.broadcast %squeeze3A_545 : f32 to vector<16xf32>
    %mul3A_552 = arith.mulf %mul3A_551, %get3A_550 : vector<16xf32>
    %add3A_553 = arith.addf %sub3A_543, %mul3A_552 : vector<16xf32>
    %slice3A_554 = vector.extract_strided_slice %select_n3A_153 {offsets = [1], sizes = [1], strides = [1]} : vector<16xf32> to vector<1xf32>
    %squeeze3A_555 = vector.extract %slice3A_554[0] : f32 from vector<1xf32>
    %get3A_556 = arith.constant 1 : i32
    %get3A_557 = arith.index_cast %get3A_556 : i32 to index
    %get3A_558 = arith.constant 0 : index
    %get3A_559 = tpu.vector_load %arg16[%get3A_557, %get3A_558] {strides = array<i32>} : memref<64x16xf32, #tpu.memory_space<vmem>>, vector<1x16xf32>,
    %get3A_560 = vector.shape_cast %get3A_559 : vector<1x16xf32> to vector<16xf32>
    %mul3A_561 = vector.broadcast %squeeze3A_555 : f32 to vector<16xf32>
    %mul3A_562 = arith.mulf %mul3A_561, %get3A_560 : vector<16xf32>
    %sub3A_563 = arith.subf %add3A_553, %mul3A_562 : vector<16xf32>
    %slice3A_564 = vector.extract_strided_slice %select_n3A_135 {offsets = [2], sizes = [1], strides = [1]} : vector<16xf32> to vector<1xf32>
    %squeeze3A_565 = vector.extract %slice3A_564[0] : f32 from vector<1xf32>
    %get3A_566 = arith.constant 2 : i32
    %get3A_567 = arith.index_cast %get3A_566 : i32 to index
    %get3A_568 = arith.constant 0 : index
    %get3A_569 = tpu.vector_load %arg15[%get3A_567, %get3A_568] {strides = array<i32>} : memref<64x16xf32, #tpu.memory_space<vmem>>, vector<1x16xf32>,
    %get3A_570 = vector.shape_cast %get3A_569 : vector<1x16xf32> to vector<16xf32>
    %mul3A_571 = vector.broadcast %squeeze3A_565 : f32 to vector<16xf32>
    %mul3A_572 = arith.mulf %mul3A_571, %get3A_570 : vector<16xf32>
    %add3A_573 = arith.addf %sub3A_563, %mul3A_572 : vector<16xf32>
    %slice3A_574 = vector.extract_strided_slice %select_n3A_153 {offsets = [2], sizes = [1], strides = [1]} : vector<16xf32> to vector<1xf32>
    %squeeze3A_575 = vector.extract %slice3A_574[0] : f32 from vector<1xf32>
    %get3A_576 = arith.constant 2 : i32
    %get3A_577 = arith.index_cast %get3A_576 : i32 to index
    %get3A_578 = arith.constant 0 : index
    %get3A_579 = tpu.vector_load %arg16[%get3A_577, %get3A_578] {strides = array<i32>} : memref<64x16xf32, #tpu.memory_space<vmem>>, vector<1x16xf32>,
    %get3A_580 = vector.shape_cast %get3A_579 : vector<1x16xf32> to vector<16xf32>
    %mul3A_581 = vector.broadcast %squeeze3A_575 : f32 to vector<16xf32>
    %mul3A_582 = arith.mulf %mul3A_581, %get3A_580 : vector<16xf32>
    %sub3A_583 = arith.subf %add3A_573, %mul3A_582 : vector<16xf32>
    %slice3A_584 = vector.extract_strided_slice %select_n3A_135 {offsets = [3], sizes = [1], strides = [1]} : vector<16xf32> to vector<1xf32>
    %squeeze3A_585 = vector.extract %slice3A_584[0] : f32 from vector<1xf32>
    %get3A_586 = arith.constant 3 : i32
    %get3A_587 = arith.index_cast %get3A_586 : i32 to index
    %get3A_588 = arith.constant 0 : index
    %get3A_589 = tpu.vector_load %arg15[%get3A_587, %get3A_588] {strides = array<i32>} : memref<64x16xf32, #tpu.memory_space<vmem>>, vector<1x16xf32>,
    %get3A_590 = vector.shape_cast %get3A_589 : vector<1x16xf32> to vector<16xf32>
    %mul3A_591 = vector.broadcast %squeeze3A_585 : f32 to vector<16xf32>
    %mul3A_592 = arith.mulf %mul3A_591, %get3A_590 : vector<16xf32>
    %add3A_593 = arith.addf %sub3A_583, %mul3A_592 : vector<16xf32>
    %slice3A_594 = vector.extract_strided_slice %select_n3A_153 {offsets = [3], sizes = [1], strides = [1]} : vector<16xf32> to vector<1xf32>
    %squeeze3A_595 = vector.extract %slice3A_594[0] : f32 from vector<1xf32>
    %get3A_596 = arith.constant 3 : i32
    %get3A_597 = arith.index_cast %get3A_596 : i32 to index
    %get3A_598 = arith.constant 0 : index
    %get3A_599 = tpu.vector_load %arg16[%get3A_597, %get3A_598] {strides = array<i32>} : memref<64x16xf32, #tpu.memory_space<vmem>>, vector<1x16xf32>,
    %get3A_600 = vector.shape_cast %get3A_599 : vector<1x16xf32> to vector<16xf32>
    %mul3A_601 = vector.broadcast %squeeze3A_595 : f32 to vector<16xf32>
    %mul3A_602 = arith.mulf %mul3A_601, %get3A_600 : vector<16xf32>
    %sub3A_603 = arith.subf %add3A_593, %mul3A_602 : vector<16xf32>
    %slice3A_604 = vector.extract_strided_slice %select_n3A_135 {offsets = [4], sizes = [1], strides = [1]} : vector<16xf32> to vector<1xf32>
    %squeeze3A_605 = vector.extract %slice3A_604[0] : f32 from vector<1xf32>
    %get3A_606 = arith.constant 4 : i32
    %get3A_607 = arith.index_cast %get3A_606 : i32 to index
    %get3A_608 = arith.constant 0 : index
    %get3A_609 = tpu.vector_load %arg15[%get3A_607, %get3A_608] {strides = array<i32>} : memref<64x16xf32, #tpu.memory_space<vmem>>, vector<1x16xf32>,
    %get3A_610 = vector.shape_cast %get3A_609 : vector<1x16xf32> to vector<16xf32>
    %mul3A_611 = vector.broadcast %squeeze3A_605 : f32 to vector<16xf32>
    %mul3A_612 = arith.mulf %mul3A_611, %get3A_610 : vector<16xf32>
    %add3A_613 = arith.addf %sub3A_603, %mul3A_612 : vector<16xf32>
    %slice3A_614 = vector.extract_strided_slice %select_n3A_153 {offsets = [4], sizes = [1], strides = [1]} : vector<16xf32> to vector<1xf32>
    %squeeze3A_615 = vector.extract %slice3A_614[0] : f32 from vector<1xf32>
    %get3A_616 = arith.constant 4 : i32
    %get3A_617 = arith.index_cast %get3A_616 : i32 to index
    %get3A_618 = arith.constant 0 : index
    %get3A_619 = tpu.vector_load %arg16[%get3A_617, %get3A_618] {strides = array<i32>} : memref<64x16xf32, #tpu.memory_space<vmem>>, vector<1x16xf32>,
    %get3A_620 = vector.shape_cast %get3A_619 : vector<1x16xf32> to vector<16xf32>
    %mul3A_621 = vector.broadcast %squeeze3A_615 : f32 to vector<16xf32>
    %mul3A_622 = arith.mulf %mul3A_621, %get3A_620 : vector<16xf32>
    %sub3A_623 = arith.subf %add3A_613, %mul3A_622 : vector<16xf32>
    %slice3A_624 = vector.extract_strided_slice %select_n3A_135 {offsets = [5], sizes = [1], strides = [1]} : vector<16xf32> to vector<1xf32>
    %squeeze3A_625 = vector.extract %slice3A_624[0] : f32 from vector<1xf32>
    %get3A_626 = arith.constant 5 : i32
    %get3A_627 = arith.index_cast %get3A_626 : i32 to index
    %get3A_628 = arith.constant 0 : index
    %get3A_629 = tpu.vector_load %arg15[%get3A_627, %get3A_628] {strides = array<i32>} : memref<64x16xf32, #tpu.memory_space<vmem>>, vector<1x16xf32>,
    %get3A_630 = vector.shape_cast %get3A_629 : vector<1x16xf32> to vector<16xf32>
    %mul3A_631 = vector.broadcast %squeeze3A_625 : f32 to vector<16xf32>
    %mul3A_632 = arith.mulf %mul3A_631, %get3A_630 : vector<16xf32>
    %add3A_633 = arith.addf %sub3A_623, %mul3A_632 : vector<16xf32>
    %slice3A_634 = vector.extract_strided_slice %select_n3A_153 {offsets = [5], sizes = [1], strides = [1]} : vector<16xf32> to vector<1xf32>
    %squeeze3A_635 = vector.extract %slice3A_634[0] : f32 from vector<1xf32>
    %get3A_636 = arith.constant 5 : i32
    %get3A_637 = arith.index_cast %get3A_636 : i32 to index
    %get3A_638 = arith.constant 0 : index
    %get3A_639 = tpu.vector_load %arg16[%get3A_637, %get3A_638] {strides = array<i32>} : memref<64x16xf32, #tpu.memory_space<vmem>>, vector<1x16xf32>,
    %get3A_640 = vector.shape_cast %get3A_639 : vector<1x16xf32> to vector<16xf32>
    %mul3A_641 = vector.broadcast %squeeze3A_635 : f32 to vector<16xf32>
    %mul3A_642 = arith.mulf %mul3A_641, %get3A_640 : vector<16xf32>
    %sub3A_643 = arith.subf %add3A_633, %mul3A_642 : vector<16xf32>
    %slice3A_644 = vector.extract_strided_slice %select_n3A_135 {offsets = [6], sizes = [1], strides = [1]} : vector<16xf32> to vector<1xf32>
    %squeeze3A_645 = vector.extract %slice3A_644[0] : f32 from vector<1xf32>
    %get3A_646 = arith.constant 6 : i32
    %get3A_647 = arith.index_cast %get3A_646 : i32 to index
    %get3A_648 = arith.constant 0 : index
    %get3A_649 = tpu.vector_load %arg15[%get3A_647, %get3A_648] {strides = array<i32>} : memref<64x16xf32, #tpu.memory_space<vmem>>, vector<1x16xf32>,
    %get3A_650 = vector.shape_cast %get3A_649 : vector<1x16xf32> to vector<16xf32>
    %mul3A_651 = vector.broadcast %squeeze3A_645 : f32 to vector<16xf32>
    %mul3A_652 = arith.mulf %mul3A_651, %get3A_650 : vector<16xf32>
    %add3A_653 = arith.addf %sub3A_643, %mul3A_652 : vector<16xf32>
    %slice3A_654 = vector.extract_strided_slice %select_n3A_153 {offsets = [6], sizes = [1], strides = [1]} : vector<16xf32> to vector<1xf32>
    %squeeze3A_655 = vector.extract %slice3A_654[0] : f32 from vector<1xf32>
    %get3A_656 = arith.constant 6 : i32
    %get3A_657 = arith.index_cast %get3A_656 : i32 to index
    %get3A_658 = arith.constant 0 : index
    %get3A_659 = tpu.vector_load %arg16[%get3A_657, %get3A_658] {strides = array<i32>} : memref<64x16xf32, #tpu.memory_space<vmem>>, vector<1x16xf32>,
    %get3A_660 = vector.shape_cast %get3A_659 : vector<1x16xf32> to vector<16xf32>
    %mul3A_661 = vector.broadcast %squeeze3A_655 : f32 to vector<16xf32>
    %mul3A_662 = arith.mulf %mul3A_661, %get3A_660 : vector<16xf32>
    %sub3A_663 = arith.subf %add3A_653, %mul3A_662 : vector<16xf32>
    %slice3A_664 = vector.extract_strided_slice %select_n3A_135 {offsets = [7], sizes = [1], strides = [1]} : vector<16xf32> to vector<1xf32>
    %squeeze3A_665 = vector.extract %slice3A_664[0] : f32 from vector<1xf32>
    %get3A_666 = arith.constant 7 : i32
    %get3A_667 = arith.index_cast %get3A_666 : i32 to index
    %get3A_668 = arith.constant 0 : index
    %get3A_669 = tpu.vector_load %arg15[%get3A_667, %get3A_668] {strides = array<i32>} : memref<64x16xf32, #tpu.memory_space<vmem>>, vector<1x16xf32>,
    %get3A_670 = vector.shape_cast %get3A_669 : vector<1x16xf32> to vector<16xf32>
    %mul3A_671 = vector.broadcast %squeeze3A_665 : f32 to vector<16xf32>
    %mul3A_672 = arith.mulf %mul3A_671, %get3A_670 : vector<16xf32>
    %add3A_673 = arith.addf %sub3A_663, %mul3A_672 : vector<16xf32>
    %slice3A_674 = vector.extract_strided_slice %select_n3A_153 {offsets = [7], sizes = [1], strides = [1]} : vector<16xf32> to vector<1xf32>
    %squeeze3A_675 = vector.extract %slice3A_674[0] : f32 from vector<1xf32>
    %get3A_676 = arith.constant 7 : i32
    %get3A_677 = arith.index_cast %get3A_676 : i32 to index
    %get3A_678 = arith.constant 0 : index
    %get3A_679 = tpu.vector_load %arg16[%get3A_677, %get3A_678] {strides = array<i32>} : memref<64x16xf32, #tpu.memory_space<vmem>>, vector<1x16xf32>,
    %get3A_680 = vector.shape_cast %get3A_679 : vector<1x16xf32> to vector<16xf32>
    %mul3A_681 = vector.broadcast %squeeze3A_675 : f32 to vector<16xf32>
    %mul3A_682 = arith.mulf %mul3A_681, %get3A_680 : vector<16xf32>
    %sub3A_683 = arith.subf %add3A_673, %mul3A_682 : vector<16xf32>
    %slice3A_684 = vector.extract_strided_slice %select_n3A_135 {offsets = [8], sizes = [1], strides = [1]} : vector<16xf32> to vector<1xf32>
    %squeeze3A_685 = vector.extract %slice3A_684[0] : f32 from vector<1xf32>
    %get3A_686 = arith.constant 8 : i32
    %get3A_687 = arith.index_cast %get3A_686 : i32 to index
    %get3A_688 = arith.constant 0 : index
    %get3A_689 = tpu.vector_load %arg15[%get3A_687, %get3A_688] {strides = array<i32>} : memref<64x16xf32, #tpu.memory_space<vmem>>, vector<1x16xf32>,
    %get3A_690 = vector.shape_cast %get3A_689 : vector<1x16xf32> to vector<16xf32>
    %mul3A_691 = vector.broadcast %squeeze3A_685 : f32 to vector<16xf32>
    %mul3A_692 = arith.mulf %mul3A_691, %get3A_690 : vector<16xf32>
    %add3A_693 = arith.addf %sub3A_683, %mul3A_692 : vector<16xf32>
    %slice3A_694 = vector.extract_strided_slice %select_n3A_153 {offsets = [8], sizes = [1], strides = [1]} : vector<16xf32> to vector<1xf32>
    %squeeze3A_695 = vector.extract %slice3A_694[0] : f32 from vector<1xf32>
    %get3A_696 = arith.constant 8 : i32
    %get3A_697 = arith.index_cast %get3A_696 : i32 to index
    %get3A_698 = arith.constant 0 : index
    %get3A_699 = tpu.vector_load %arg16[%get3A_697, %get3A_698] {strides = array<i32>} : memref<64x16xf32, #tpu.memory_space<vmem>>, vector<1x16xf32>,
    %get3A_700 = vector.shape_cast %get3A_699 : vector<1x16xf32> to vector<16xf32>
    %mul3A_701 = vector.broadcast %squeeze3A_695 : f32 to vector<16xf32>
    %mul3A_702 = arith.mulf %mul3A_701, %get3A_700 : vector<16xf32>
    %sub3A_703 = arith.subf %add3A_693, %mul3A_702 : vector<16xf32>
    %slice3A_704 = vector.extract_strided_slice %select_n3A_135 {offsets = [9], sizes = [1], strides = [1]} : vector<16xf32> to vector<1xf32>
    %squeeze3A_705 = vector.extract %slice3A_704[0] : f32 from vector<1xf32>
    %get3A_706 = arith.constant 9 : i32
    %get3A_707 = arith.index_cast %get3A_706 : i32 to index
    %get3A_708 = arith.constant 0 : index
    %get3A_709 = tpu.vector_load %arg15[%get3A_707, %get3A_708] {strides = array<i32>} : memref<64x16xf32, #tpu.memory_space<vmem>>, vector<1x16xf32>,
    %get3A_710 = vector.shape_cast %get3A_709 : vector<1x16xf32> to vector<16xf32>
    %mul3A_711 = vector.broadcast %squeeze3A_705 : f32 to vector<16xf32>
    %mul3A_712 = arith.mulf %mul3A_711, %get3A_710 : vector<16xf32>
    %add3A_713 = arith.addf %sub3A_703, %mul3A_712 : vector<16xf32>
    %slice3A_714 = vector.extract_strided_slice %select_n3A_153 {offsets = [9], sizes = [1], strides = [1]} : vector<16xf32> to vector<1xf32>
    %squeeze3A_715 = vector.extract %slice3A_714[0] : f32 from vector<1xf32>
    %get3A_716 = arith.constant 9 : i32
    %get3A_717 = arith.index_cast %get3A_716 : i32 to index
    %get3A_718 = arith.constant 0 : index
    %get3A_719 = tpu.vector_load %arg16[%get3A_717, %get3A_718] {strides = array<i32>} : memref<64x16xf32, #tpu.memory_space<vmem>>, vector<1x16xf32>,
    %get3A_720 = vector.shape_cast %get3A_719 : vector<1x16xf32> to vector<16xf32>
    %mul3A_721 = vector.broadcast %squeeze3A_715 : f32 to vector<16xf32>
    %mul3A_722 = arith.mulf %mul3A_721, %get3A_720 : vector<16xf32>
    %sub3A_723 = arith.subf %add3A_713, %mul3A_722 : vector<16xf32>
    %slice3A_724 = vector.extract_strided_slice %select_n3A_135 {offsets = [10], sizes = [1], strides = [1]} : vector<16xf32> to vector<1xf32>
    %squeeze3A_725 = vector.extract %slice3A_724[0] : f32 from vector<1xf32>
    %get3A_726 = arith.constant 10 : i32
    %get3A_727 = arith.index_cast %get3A_726 : i32 to index
    %get3A_728 = arith.constant 0 : index
    %get3A_729 = tpu.vector_load %arg15[%get3A_727, %get3A_728] {strides = array<i32>} : memref<64x16xf32, #tpu.memory_space<vmem>>, vector<1x16xf32>,
    %get3A_730 = vector.shape_cast %get3A_729 : vector<1x16xf32> to vector<16xf32>
    %mul3A_731 = vector.broadcast %squeeze3A_725 : f32 to vector<16xf32>
    %mul3A_732 = arith.mulf %mul3A_731, %get3A_730 : vector<16xf32>
    %add3A_733 = arith.addf %sub3A_723, %mul3A_732 : vector<16xf32>
    %slice3A_734 = vector.extract_strided_slice %select_n3A_153 {offsets = [10], sizes = [1], strides = [1]} : vector<16xf32> to vector<1xf32>
    %squeeze3A_735 = vector.extract %slice3A_734[0] : f32 from vector<1xf32>
    %get3A_736 = arith.constant 10 : i32
    %get3A_737 = arith.index_cast %get3A_736 : i32 to index
    %get3A_738 = arith.constant 0 : index
    %get3A_739 = tpu.vector_load %arg16[%get3A_737, %get3A_738] {strides = array<i32>} : memref<64x16xf32, #tpu.memory_space<vmem>>, vector<1x16xf32>,
    %get3A_740 = vector.shape_cast %get3A_739 : vector<1x16xf32> to vector<16xf32>
    %mul3A_741 = vector.broadcast %squeeze3A_735 : f32 to vector<16xf32>
    %mul3A_742 = arith.mulf %mul3A_741, %get3A_740 : vector<16xf32>
    %sub3A_743 = arith.subf %add3A_733, %mul3A_742 : vector<16xf32>
    %slice3A_744 = vector.extract_strided_slice %select_n3A_135 {offsets = [11], sizes = [1], strides = [1]} : vector<16xf32> to vector<1xf32>
    %squeeze3A_745 = vector.extract %slice3A_744[0] : f32 from vector<1xf32>
    %get3A_746 = arith.constant 11 : i32
    %get3A_747 = arith.index_cast %get3A_746 : i32 to index
    %get3A_748 = arith.constant 0 : index
    %get3A_749 = tpu.vector_load %arg15[%get3A_747, %get3A_748] {strides = array<i32>} : memref<64x16xf32, #tpu.memory_space<vmem>>, vector<1x16xf32>,
    %get3A_750 = vector.shape_cast %get3A_749 : vector<1x16xf32> to vector<16xf32>
    %mul3A_751 = vector.broadcast %squeeze3A_745 : f32 to vector<16xf32>
    %mul3A_752 = arith.mulf %mul3A_751, %get3A_750 : vector<16xf32>
    %add3A_753 = arith.addf %sub3A_743, %mul3A_752 : vector<16xf32>
    %slice3A_754 = vector.extract_strided_slice %select_n3A_153 {offsets = [11], sizes = [1], strides = [1]} : vector<16xf32> to vector<1xf32>
    %squeeze3A_755 = vector.extract %slice3A_754[0] : f32 from vector<1xf32>
    %get3A_756 = arith.constant 11 : i32
    %get3A_757 = arith.index_cast %get3A_756 : i32 to index
    %get3A_758 = arith.constant 0 : index
    %get3A_759 = tpu.vector_load %arg16[%get3A_757, %get3A_758] {strides = array<i32>} : memref<64x16xf32, #tpu.memory_space<vmem>>, vector<1x16xf32>,
    %get3A_760 = vector.shape_cast %get3A_759 : vector<1x16xf32> to vector<16xf32>
    %mul3A_761 = vector.broadcast %squeeze3A_755 : f32 to vector<16xf32>
    %mul3A_762 = arith.mulf %mul3A_761, %get3A_760 : vector<16xf32>
    %sub3A_763 = arith.subf %add3A_753, %mul3A_762 : vector<16xf32>
    %slice3A_764 = vector.extract_strided_slice %select_n3A_135 {offsets = [12], sizes = [1], strides = [1]} : vector<16xf32> to vector<1xf32>
    %squeeze3A_765 = vector.extract %slice3A_764[0] : f32 from vector<1xf32>
    %get3A_766 = arith.constant 12 : i32
    %get3A_767 = arith.index_cast %get3A_766 : i32 to index
    %get3A_768 = arith.constant 0 : index
    %get3A_769 = tpu.vector_load %arg15[%get3A_767, %get3A_768] {strides = array<i32>} : memref<64x16xf32, #tpu.memory_space<vmem>>, vector<1x16xf32>,
    %get3A_770 = vector.shape_cast %get3A_769 : vector<1x16xf32> to vector<16xf32>
    %mul3A_771 = vector.broadcast %squeeze3A_765 : f32 to vector<16xf32>
    %mul3A_772 = arith.mulf %mul3A_771, %get3A_770 : vector<16xf32>
    %add3A_773 = arith.addf %sub3A_763, %mul3A_772 : vector<16xf32>
    %slice3A_774 = vector.extract_strided_slice %select_n3A_153 {offsets = [12], sizes = [1], strides = [1]} : vector<16xf32> to vector<1xf32>
    %squeeze3A_775 = vector.extract %slice3A_774[0] : f32 from vector<1xf32>
    %get3A_776 = arith.constant 12 : i32
    %get3A_777 = arith.index_cast %get3A_776 : i32 to index
    %get3A_778 = arith.constant 0 : index
    %get3A_779 = tpu.vector_load %arg16[%get3A_777, %get3A_778] {strides = array<i32>} : memref<64x16xf32, #tpu.memory_space<vmem>>, vector<1x16xf32>,
    %get3A_780 = vector.shape_cast %get3A_779 : vector<1x16xf32> to vector<16xf32>
    %mul3A_781 = vector.broadcast %squeeze3A_775 : f32 to vector<16xf32>
    %mul3A_782 = arith.mulf %mul3A_781, %get3A_780 : vector<16xf32>
    %sub3A_783 = arith.subf %add3A_773, %mul3A_782 : vector<16xf32>
    %slice3A_784 = vector.extract_strided_slice %select_n3A_135 {offsets = [13], sizes = [1], strides = [1]} : vector<16xf32> to vector<1xf32>
    %squeeze3A_785 = vector.extract %slice3A_784[0] : f32 from vector<1xf32>
    %get3A_786 = arith.constant 13 : i32
    %get3A_787 = arith.index_cast %get3A_786 : i32 to index
    %get3A_788 = arith.constant 0 : index
    %get3A_789 = tpu.vector_load %arg15[%get3A_787, %get3A_788] {strides = array<i32>} : memref<64x16xf32, #tpu.memory_space<vmem>>, vector<1x16xf32>,
    %get3A_790 = vector.shape_cast %get3A_789 : vector<1x16xf32> to vector<16xf32>
    %mul3A_791 = vector.broadcast %squeeze3A_785 : f32 to vector<16xf32>
    %mul3A_792 = arith.mulf %mul3A_791, %get3A_790 : vector<16xf32>
    %add3A_793 = arith.addf %sub3A_783, %mul3A_792 : vector<16xf32>
    %slice3A_794 = vector.extract_strided_slice %select_n3A_153 {offsets = [13], sizes = [1], strides = [1]} : vector<16xf32> to vector<1xf32>
    %squeeze3A_795 = vector.extract %slice3A_794[0] : f32 from vector<1xf32>
    %get3A_796 = arith.constant 13 : i32
    %get3A_797 = arith.index_cast %get3A_796 : i32 to index
    %get3A_798 = arith.constant 0 : index
    %get3A_799 = tpu.vector_load %arg16[%get3A_797, %get3A_798] {strides = array<i32>} : memref<64x16xf32, #tpu.memory_space<vmem>>, vector<1x16xf32>,
    %get3A_800 = vector.shape_cast %get3A_799 : vector<1x16xf32> to vector<16xf32>
    %mul3A_801 = vector.broadcast %squeeze3A_795 : f32 to vector<16xf32>
    %mul3A_802 = arith.mulf %mul3A_801, %get3A_800 : vector<16xf32>
    %sub3A_803 = arith.subf %add3A_793, %mul3A_802 : vector<16xf32>
    %slice3A_804 = vector.extract_strided_slice %select_n3A_135 {offsets = [14], sizes = [1], strides = [1]} : vector<16xf32> to vector<1xf32>
    %squeeze3A_805 = vector.extract %slice3A_804[0] : f32 from vector<1xf32>
    %get3A_806 = arith.constant 14 : i32
    %get3A_807 = arith.index_cast %get3A_806 : i32 to index
    %get3A_808 = arith.constant 0 : index
    %get3A_809 = tpu.vector_load %arg15[%get3A_807, %get3A_808] {strides = array<i32>} : memref<64x16xf32, #tpu.memory_space<vmem>>, vector<1x16xf32>,
    %get3A_810 = vector.shape_cast %get3A_809 : vector<1x16xf32> to vector<16xf32>
    %mul3A_811 = vector.broadcast %squeeze3A_805 : f32 to vector<16xf32>
    %mul3A_812 = arith.mulf %mul3A_811, %get3A_810 : vector<16xf32>
    %add3A_813 = arith.addf %sub3A_803, %mul3A_812 : vector<16xf32>
    %slice3A_814 = vector.extract_strided_slice %select_n3A_153 {offsets = [14], sizes = [1], strides = [1]} : vector<16xf32> to vector<1xf32>
    %squeeze3A_815 = vector.extract %slice3A_814[0] : f32 from vector<1xf32>
    %get3A_816 = arith.constant 14 : i32
    %get3A_817 = arith.index_cast %get3A_816 : i32 to index
    %get3A_818 = arith.constant 0 : index
    %get3A_819 = tpu.vector_load %arg16[%get3A_817, %get3A_818] {strides = array<i32>} : memref<64x16xf32, #tpu.memory_space<vmem>>, vector<1x16xf32>,
    %get3A_820 = vector.shape_cast %get3A_819 : vector<1x16xf32> to vector<16xf32>
    %mul3A_821 = vector.broadcast %squeeze3A_815 : f32 to vector<16xf32>
    %mul3A_822 = arith.mulf %mul3A_821, %get3A_820 : vector<16xf32>
    %sub3A_823 = arith.subf %add3A_813, %mul3A_822 : vector<16xf32>
    %slice3A_824 = vector.extract_strided_slice %select_n3A_135 {offsets = [15], sizes = [1], strides = [1]} : vector<16xf32> to vector<1xf32>
    %squeeze3A_825 = vector.extract %slice3A_824[0] : f32 from vector<1xf32>
    %get3A_826 = arith.constant 15 : i32
    %get3A_827 = arith.index_cast %get3A_826 : i32 to index
    %get3A_828 = arith.constant 0 : index
    %get3A_829 = tpu.vector_load %arg15[%get3A_827, %get3A_828] {strides = array<i32>} : memref<64x16xf32, #tpu.memory_space<vmem>>, vector<1x16xf32>,
    %get3A_830 = vector.shape_cast %get3A_829 : vector<1x16xf32> to vector<16xf32>
    %mul3A_831 = vector.broadcast %squeeze3A_825 : f32 to vector<16xf32>
    %mul3A_832 = arith.mulf %mul3A_831, %get3A_830 : vector<16xf32>
    %add3A_833 = arith.addf %sub3A_823, %mul3A_832 : vector<16xf32>
    %slice3A_834 = vector.extract_strided_slice %select_n3A_153 {offsets = [15], sizes = [1], strides = [1]} : vector<16xf32> to vector<1xf32>
    %squeeze3A_835 = vector.extract %slice3A_834[0] : f32 from vector<1xf32>
    %get3A_836 = arith.constant 15 : i32
    %get3A_837 = arith.index_cast %get3A_836 : i32 to index
    %get3A_838 = arith.constant 0 : index
    %get3A_839 = tpu.vector_load %arg16[%get3A_837, %get3A_838] {strides = array<i32>} : memref<64x16xf32, #tpu.memory_space<vmem>>, vector<1x16xf32>,
    %get3A_840 = vector.shape_cast %get3A_839 : vector<1x16xf32> to vector<16xf32>
    %mul3A_841 = vector.broadcast %squeeze3A_835 : f32 to vector<16xf32>
    %mul3A_842 = arith.mulf %mul3A_841, %get3A_840 : vector<16xf32>
    %sub3A_843 = arith.subf %add3A_833, %mul3A_842 : vector<16xf32>
    %slice3A_844 = vector.extract_strided_slice %select_n3A_258 {offsets = [0], sizes = [1], strides = [1]} : vector<16xf32> to vector<1xf32>
    %squeeze3A_845 = vector.extract %slice3A_844[0] : f32 from vector<1xf32>
    %get3A_846 = arith.constant 16 : i32
    %get3A_847 = arith.index_cast %get3A_846 : i32 to index
    %get3A_848 = arith.constant 0 : index
    %get3A_849 = tpu.vector_load %arg15[%get3A_847, %get3A_848] {strides = array<i32>} : memref<64x16xf32, #tpu.memory_space<vmem>>, vector<1x16xf32>,
    %get3A_850 = vector.shape_cast %get3A_849 : vector<1x16xf32> to vector<16xf32>
    %mul3A_851 = vector.broadcast %squeeze3A_845 : f32 to vector<16xf32>
    %mul3A_852 = arith.mulf %mul3A_851, %get3A_850 : vector<16xf32>
    %add3A_853 = arith.addf %sub3A_843, %mul3A_852 : vector<16xf32>
    %slice3A_854 = vector.extract_strided_slice %select_n3A_276 {offsets = [0], sizes = [1], strides = [1]} : vector<16xf32> to vector<1xf32>
    %squeeze3A_855 = vector.extract %slice3A_854[0] : f32 from vector<1xf32>
    %get3A_856 = arith.constant 16 : i32
    %get3A_857 = arith.index_cast %get3A_856 : i32 to index
    %get3A_858 = arith.constant 0 : index
    %get3A_859 = tpu.vector_load %arg16[%get3A_857, %get3A_858] {strides = array<i32>} : memref<64x16xf32, #tpu.memory_space<vmem>>, vector<1x16xf32>,
    %get3A_860 = vector.shape_cast %get3A_859 : vector<1x16xf32> to vector<16xf32>
    %mul3A_861 = vector.broadcast %squeeze3A_855 : f32 to vector<16xf32>
    %mul3A_862 = arith.mulf %mul3A_861, %get3A_860 : vector<16xf32>
    %sub3A_863 = arith.subf %add3A_853, %mul3A_862 : vector<16xf32>
    %slice3A_864 = vector.extract_strided_slice %select_n3A_258 {offsets = [1], sizes = [1], strides = [1]} : vector<16xf32> to vector<1xf32>
    %squeeze3A_865 = vector.extract %slice3A_864[0] : f32 from vector<1xf32>
    %get3A_866 = arith.constant 17 : i32
    %get3A_867 = arith.index_cast %get3A_866 : i32 to index
    %get3A_868 = arith.constant 0 : index
    %get3A_869 = tpu.vector_load %arg15[%get3A_867, %get3A_868] {strides = array<i32>} : memref<64x16xf32, #tpu.memory_space<vmem>>, vector<1x16xf32>,
    %get3A_870 = vector.shape_cast %get3A_869 : vector<1x16xf32> to vector<16xf32>
    %mul3A_871 = vector.broadcast %squeeze3A_865 : f32 to vector<16xf32>
    %mul3A_872 = arith.mulf %mul3A_871, %get3A_870 : vector<16xf32>
    %add3A_873 = arith.addf %sub3A_863, %mul3A_872 : vector<16xf32>
    %slice3A_874 = vector.extract_strided_slice %select_n3A_276 {offsets = [1], sizes = [1], strides = [1]} : vector<16xf32> to vector<1xf32>
    %squeeze3A_875 = vector.extract %slice3A_874[0] : f32 from vector<1xf32>
    %get3A_876 = arith.constant 17 : i32
    %get3A_877 = arith.index_cast %get3A_876 : i32 to index
    %get3A_878 = arith.constant 0 : index
    %get3A_879 = tpu.vector_load %arg16[%get3A_877, %get3A_878] {strides = array<i32>} : memref<64x16xf32, #tpu.memory_space<vmem>>, vector<1x16xf32>,
    %get3A_880 = vector.shape_cast %get3A_879 : vector<1x16xf32> to vector<16xf32>
    %mul3A_881 = vector.broadcast %squeeze3A_875 : f32 to vector<16xf32>
    %mul3A_882 = arith.mulf %mul3A_881, %get3A_880 : vector<16xf32>
    %sub3A_883 = arith.subf %add3A_873, %mul3A_882 : vector<16xf32>
    %slice3A_884 = vector.extract_strided_slice %select_n3A_258 {offsets = [2], sizes = [1], strides = [1]} : vector<16xf32> to vector<1xf32>
    %squeeze3A_885 = vector.extract %slice3A_884[0] : f32 from vector<1xf32>
    %get3A_886 = arith.constant 18 : i32
    %get3A_887 = arith.index_cast %get3A_886 : i32 to index
    %get3A_888 = arith.constant 0 : index
    %get3A_889 = tpu.vector_load %arg15[%get3A_887, %get3A_888] {strides = array<i32>} : memref<64x16xf32, #tpu.memory_space<vmem>>, vector<1x16xf32>,
    %get3A_890 = vector.shape_cast %get3A_889 : vector<1x16xf32> to vector<16xf32>
    %mul3A_891 = vector.broadcast %squeeze3A_885 : f32 to vector<16xf32>
    %mul3A_892 = arith.mulf %mul3A_891, %get3A_890 : vector<16xf32>
    %add3A_893 = arith.addf %sub3A_883, %mul3A_892 : vector<16xf32>
    %slice3A_894 = vector.extract_strided_slice %select_n3A_276 {offsets = [2], sizes = [1], strides = [1]} : vector<16xf32> to vector<1xf32>
    %squeeze3A_895 = vector.extract %slice3A_894[0] : f32 from vector<1xf32>
    %get3A_896 = arith.constant 18 : i32
    %get3A_897 = arith.index_cast %get3A_896 : i32 to index
    %get3A_898 = arith.constant 0 : index
    %get3A_899 = tpu.vector_load %arg16[%get3A_897, %get3A_898] {strides = array<i32>} : memref<64x16xf32, #tpu.memory_space<vmem>>, vector<1x16xf32>,
    %get3A_900 = vector.shape_cast %get3A_899 : vector<1x16xf32> to vector<16xf32>
    %mul3A_901 = vector.broadcast %squeeze3A_895 : f32 to vector<16xf32>
    %mul3A_902 = arith.mulf %mul3A_901, %get3A_900 : vector<16xf32>
    %sub3A_903 = arith.subf %add3A_893, %mul3A_902 : vector<16xf32>
    %slice3A_904 = vector.extract_strided_slice %select_n3A_258 {offsets = [3], sizes = [1], strides = [1]} : vector<16xf32> to vector<1xf32>
    %squeeze3A_905 = vector.extract %slice3A_904[0] : f32 from vector<1xf32>
    %get3A_906 = arith.constant 19 : i32
    %get3A_907 = arith.index_cast %get3A_906 : i32 to index
    %get3A_908 = arith.constant 0 : index
    %get3A_909 = tpu.vector_load %arg15[%get3A_907, %get3A_908] {strides = array<i32>} : memref<64x16xf32, #tpu.memory_space<vmem>>, vector<1x16xf32>,
    %get3A_910 = vector.shape_cast %get3A_909 : vector<1x16xf32> to vector<16xf32>
    %mul3A_911 = vector.broadcast %squeeze3A_905 : f32 to vector<16xf32>
    %mul3A_912 = arith.mulf %mul3A_911, %get3A_910 : vector<16xf32>
    %add3A_913 = arith.addf %sub3A_903, %mul3A_912 : vector<16xf32>
    %slice3A_914 = vector.extract_strided_slice %select_n3A_276 {offsets = [3], sizes = [1], strides = [1]} : vector<16xf32> to vector<1xf32>
    %squeeze3A_915 = vector.extract %slice3A_914[0] : f32 from vector<1xf32>
    %get3A_916 = arith.constant 19 : i32
    %get3A_917 = arith.index_cast %get3A_916 : i32 to index
    %get3A_918 = arith.constant 0 : index
    %get3A_919 = tpu.vector_load %arg16[%get3A_917, %get3A_918] {strides = array<i32>} : memref<64x16xf32, #tpu.memory_space<vmem>>, vector<1x16xf32>,
    %get3A_920 = vector.shape_cast %get3A_919 : vector<1x16xf32> to vector<16xf32>
    %mul3A_921 = vector.broadcast %squeeze3A_915 : f32 to vector<16xf32>
    %mul3A_922 = arith.mulf %mul3A_921, %get3A_920 : vector<16xf32>
    %sub3A_923 = arith.subf %add3A_913, %mul3A_922 : vector<16xf32>
    %slice3A_924 = vector.extract_strided_slice %select_n3A_258 {offsets = [4], sizes = [1], strides = [1]} : vector<16xf32> to vector<1xf32>
    %squeeze3A_925 = vector.extract %slice3A_924[0] : f32 from vector<1xf32>
    %get3A_926 = arith.constant 20 : i32
    %get3A_927 = arith.index_cast %get3A_926 : i32 to index
    %get3A_928 = arith.constant 0 : index
    %get3A_929 = tpu.vector_load %arg15[%get3A_927, %get3A_928] {strides = array<i32>} : memref<64x16xf32, #tpu.memory_space<vmem>>, vector<1x16xf32>,
    %get3A_930 = vector.shape_cast %get3A_929 : vector<1x16xf32> to vector<16xf32>
    %mul3A_931 = vector.broadcast %squeeze3A_925 : f32 to vector<16xf32>
    %mul3A_932 = arith.mulf %mul3A_931, %get3A_930 : vector<16xf32>
    %add3A_933 = arith.addf %sub3A_923, %mul3A_932 : vector<16xf32>
    %slice3A_934 = vector.extract_strided_slice %select_n3A_276 {offsets = [4], sizes = [1], strides = [1]} : vector<16xf32> to vector<1xf32>
    %squeeze3A_935 = vector.extract %slice3A_934[0] : f32 from vector<1xf32>
    %get3A_936 = arith.constant 20 : i32
    %get3A_937 = arith.index_cast %get3A_936 : i32 to index
    %get3A_938 = arith.constant 0 : index
    %get3A_939 = tpu.vector_load %arg16[%get3A_937, %get3A_938] {strides = array<i32>} : memref<64x16xf32, #tpu.memory_space<vmem>>, vector<1x16xf32>,
    %get3A_940 = vector.shape_cast %get3A_939 : vector<1x16xf32> to vector<16xf32>
    %mul3A_941 = vector.broadcast %squeeze3A_935 : f32 to vector<16xf32>
    %mul3A_942 = arith.mulf %mul3A_941, %get3A_940 : vector<16xf32>
    %sub3A_943 = arith.subf %add3A_933, %mul3A_942 : vector<16xf32>
    %slice3A_944 = vector.extract_strided_slice %select_n3A_258 {offsets = [5], sizes = [1], strides = [1]} : vector<16xf32> to vector<1xf32>
    %squeeze3A_945 = vector.extract %slice3A_944[0] : f32 from vector<1xf32>
    %get3A_946 = arith.constant 21 : i32
    %get3A_947 = arith.index_cast %get3A_946 : i32 to index
    %get3A_948 = arith.constant 0 : index
    %get3A_949 = tpu.vector_load %arg15[%get3A_947, %get3A_948] {strides = array<i32>} : memref<64x16xf32, #tpu.memory_space<vmem>>, vector<1x16xf32>,
    %get3A_950 = vector.shape_cast %get3A_949 : vector<1x16xf32> to vector<16xf32>
    %mul3A_951 = vector.broadcast %squeeze3A_945 : f32 to vector<16xf32>
    %mul3A_952 = arith.mulf %mul3A_951, %get3A_950 : vector<16xf32>
    %add3A_953 = arith.addf %sub3A_943, %mul3A_952 : vector<16xf32>
    %slice3A_954 = vector.extract_strided_slice %select_n3A_276 {offsets = [5], sizes = [1], strides = [1]} : vector<16xf32> to vector<1xf32>
    %squeeze3A_955 = vector.extract %slice3A_954[0] : f32 from vector<1xf32>
    %get3A_956 = arith.constant 21 : i32
    %get3A_957 = arith.index_cast %get3A_956 : i32 to index
    %get3A_958 = arith.constant 0 : index
    %get3A_959 = tpu.vector_load %arg16[%get3A_957, %get3A_958] {strides = array<i32>} : memref<64x16xf32, #tpu.memory_space<vmem>>, vector<1x16xf32>,
    %get3A_960 = vector.shape_cast %get3A_959 : vector<1x16xf32> to vector<16xf32>
    %mul3A_961 = vector.broadcast %squeeze3A_955 : f32 to vector<16xf32>
    %mul3A_962 = arith.mulf %mul3A_961, %get3A_960 : vector<16xf32>
    %sub3A_963 = arith.subf %add3A_953, %mul3A_962 : vector<16xf32>
    %slice3A_964 = vector.extract_strided_slice %select_n3A_258 {offsets = [6], sizes = [1], strides = [1]} : vector<16xf32> to vector<1xf32>
    %squeeze3A_965 = vector.extract %slice3A_964[0] : f32 from vector<1xf32>
    %get3A_966 = arith.constant 22 : i32
    %get3A_967 = arith.index_cast %get3A_966 : i32 to index
    %get3A_968 = arith.constant 0 : index
    %get3A_969 = tpu.vector_load %arg15[%get3A_967, %get3A_968] {strides = array<i32>} : memref<64x16xf32, #tpu.memory_space<vmem>>, vector<1x16xf32>,
    %get3A_970 = vector.shape_cast %get3A_969 : vector<1x16xf32> to vector<16xf32>
    %mul3A_971 = vector.broadcast %squeeze3A_965 : f32 to vector<16xf32>
    %mul3A_972 = arith.mulf %mul3A_971, %get3A_970 : vector<16xf32>
    %add3A_973 = arith.addf %sub3A_963, %mul3A_972 : vector<16xf32>
    %slice3A_974 = vector.extract_strided_slice %select_n3A_276 {offsets = [6], sizes = [1], strides = [1]} : vector<16xf32> to vector<1xf32>
    %squeeze3A_975 = vector.extract %slice3A_974[0] : f32 from vector<1xf32>
    %get3A_976 = arith.constant 22 : i32
    %get3A_977 = arith.index_cast %get3A_976 : i32 to index
    %get3A_978 = arith.constant 0 : index
    %get3A_979 = tpu.vector_load %arg16[%get3A_977, %get3A_978] {strides = array<i32>} : memref<64x16xf32, #tpu.memory_space<vmem>>, vector<1x16xf32>,
    %get3A_980 = vector.shape_cast %get3A_979 : vector<1x16xf32> to vector<16xf32>
    %mul3A_981 = vector.broadcast %squeeze3A_975 : f32 to vector<16xf32>
    %mul3A_982 = arith.mulf %mul3A_981, %get3A_980 : vector<16xf32>
    %sub3A_983 = arith.subf %add3A_973, %mul3A_982 : vector<16xf32>
    %slice3A_984 = vector.extract_strided_slice %select_n3A_258 {offsets = [7], sizes = [1], strides = [1]} : vector<16xf32> to vector<1xf32>
    %squeeze3A_985 = vector.extract %slice3A_984[0] : f32 from vector<1xf32>
    %get3A_986 = arith.constant 23 : i32
    %get3A_987 = arith.index_cast %get3A_986 : i32 to index
    %get3A_988 = arith.constant 0 : index
    %get3A_989 = tpu.vector_load %arg15[%get3A_987, %get3A_988] {strides = array<i32>} : memref<64x16xf32, #tpu.memory_space<vmem>>, vector<1x16xf32>,
    %get3A_990 = vector.shape_cast %get3A_989 : vector<1x16xf32> to vector<16xf32>
    %mul3A_991 = vector.broadcast %squeeze3A_985 : f32 to vector<16xf32>
    %mul3A_992 = arith.mulf %mul3A_991, %get3A_990 : vector<16xf32>
    %add3A_993 = arith.addf %sub3A_983, %mul3A_992 : vector<16xf32>
    %slice3A_994 = vector.extract_strided_slice %select_n3A_276 {offsets = [7], sizes = [1], strides = [1]} : vector<16xf32> to vector<1xf32>
    %squeeze3A_995 = vector.extract %slice3A_994[0] : f32 from vector<1xf32>
    %get3A_996 = arith.constant 23 : i32
    %get3A_997 = arith.index_cast %get3A_996 : i32 to index
    %get3A_998 = arith.constant 0 : index
    %get3A_999 = tpu.vector_load %arg16[%get3A_997, %get3A_998] {strides = array<i32>} : memref<64x16xf32, #tpu.memory_space<vmem>>, vector<1x16xf32>,
    %get3A_1000 = vector.shape_cast %get3A_999 : vector<1x16xf32> to vector<16xf32>
    %mul3A_1001 = vector.broadcast %squeeze3A_995 : f32 to vector<16xf32>
    %mul3A_1002 = arith.mulf %mul3A_1001, %get3A_1000 : vector<16xf32>
    %sub3A_1003 = arith.subf %add3A_993, %mul3A_1002 : vector<16xf32>
    %slice3A_1004 = vector.extract_strided_slice %select_n3A_258 {offsets = [8], sizes = [1], strides = [1]} : vector<16xf32> to vector<1xf32>
    %squeeze3A_1005 = vector.extract %slice3A_1004[0] : f32 from vector<1xf32>
    %get3A_1006 = arith.constant 24 : i32
    %get3A_1007 = arith.index_cast %get3A_1006 : i32 to index
    %get3A_1008 = arith.constant 0 : index
    %get3A_1009 = tpu.vector_load %arg15[%get3A_1007, %get3A_1008] {strides = array<i32>} : memref<64x16xf32, #tpu.memory_space<vmem>>, vector<1x16xf32>,
    %get3A_1010 = vector.shape_cast %get3A_1009 : vector<1x16xf32> to vector<16xf32>
    %mul3A_1011 = vector.broadcast %squeeze3A_1005 : f32 to vector<16xf32>
    %mul3A_1012 = arith.mulf %mul3A_1011, %get3A_1010 : vector<16xf32>
    %add3A_1013 = arith.addf %sub3A_1003, %mul3A_1012 : vector<16xf32>
    %slice3A_1014 = vector.extract_strided_slice %select_n3A_276 {offsets = [8], sizes = [1], strides = [1]} : vector<16xf32> to vector<1xf32>
    %squeeze3A_1015 = vector.extract %slice3A_1014[0] : f32 from vector<1xf32>
    %get3A_1016 = arith.constant 24 : i32
    %get3A_1017 = arith.index_cast %get3A_1016 : i32 to index
    %get3A_1018 = arith.constant 0 : index
    %get3A_1019 = tpu.vector_load %arg16[%get3A_1017, %get3A_1018] {strides = array<i32>} : memref<64x16xf32, #tpu.memory_space<vmem>>, vector<1x16xf32>,
    %get3A_1020 = vector.shape_cast %get3A_1019 : vector<1x16xf32> to vector<16xf32>
    %mul3A_1021 = vector.broadcast %squeeze3A_1015 : f32 to vector<16xf32>
    %mul3A_1022 = arith.mulf %mul3A_1021, %get3A_1020 : vector<16xf32>
    %sub3A_1023 = arith.subf %add3A_1013, %mul3A_1022 : vector<16xf32>
    %slice3A_1024 = vector.extract_strided_slice %select_n3A_258 {offsets = [9], sizes = [1], strides = [1]} : vector<16xf32> to vector<1xf32>
    %squeeze3A_1025 = vector.extract %slice3A_1024[0] : f32 from vector<1xf32>
    %get3A_1026 = arith.constant 25 : i32
    %get3A_1027 = arith.index_cast %get3A_1026 : i32 to index
    %get3A_1028 = arith.constant 0 : index
    %get3A_1029 = tpu.vector_load %arg15[%get3A_1027, %get3A_1028] {strides = array<i32>} : memref<64x16xf32, #tpu.memory_space<vmem>>, vector<1x16xf32>,
    %get3A_1030 = vector.shape_cast %get3A_1029 : vector<1x16xf32> to vector<16xf32>
    %mul3A_1031 = vector.broadcast %squeeze3A_1025 : f32 to vector<16xf32>
    %mul3A_1032 = arith.mulf %mul3A_1031, %get3A_1030 : vector<16xf32>
    %add3A_1033 = arith.addf %sub3A_1023, %mul3A_1032 : vector<16xf32>
    %slice3A_1034 = vector.extract_strided_slice %select_n3A_276 {offsets = [9], sizes = [1], strides = [1]} : vector<16xf32> to vector<1xf32>
    %squeeze3A_1035 = vector.extract %slice3A_1034[0] : f32 from vector<1xf32>
    %get3A_1036 = arith.constant 25 : i32
    %get3A_1037 = arith.index_cast %get3A_1036 : i32 to index
    %get3A_1038 = arith.constant 0 : index
    %get3A_1039 = tpu.vector_load %arg16[%get3A_1037, %get3A_1038] {strides = array<i32>} : memref<64x16xf32, #tpu.memory_space<vmem>>, vector<1x16xf32>,
    %get3A_1040 = vector.shape_cast %get3A_1039 : vector<1x16xf32> to vector<16xf32>
    %mul3A_1041 = vector.broadcast %squeeze3A_1035 : f32 to vector<16xf32>
    %mul3A_1042 = arith.mulf %mul3A_1041, %get3A_1040 : vector<16xf32>
    %sub3A_1043 = arith.subf %add3A_1033, %mul3A_1042 : vector<16xf32>
    %slice3A_1044 = vector.extract_strided_slice %select_n3A_258 {offsets = [10], sizes = [1], strides = [1]} : vector<16xf32> to vector<1xf32>
    %squeeze3A_1045 = vector.extract %slice3A_1044[0] : f32 from vector<1xf32>
    %get3A_1046 = arith.constant 26 : i32
    %get3A_1047 = arith.index_cast %get3A_1046 : i32 to index
    %get3A_1048 = arith.constant 0 : index
    %get3A_1049 = tpu.vector_load %arg15[%get3A_1047, %get3A_1048] {strides = array<i32>} : memref<64x16xf32, #tpu.memory_space<vmem>>, vector<1x16xf32>,
    %get3A_1050 = vector.shape_cast %get3A_1049 : vector<1x16xf32> to vector<16xf32>
    %mul3A_1051 = vector.broadcast %squeeze3A_1045 : f32 to vector<16xf32>
    %mul3A_1052 = arith.mulf %mul3A_1051, %get3A_1050 : vector<16xf32>
    %add3A_1053 = arith.addf %sub3A_1043, %mul3A_1052 : vector<16xf32>
    %slice3A_1054 = vector.extract_strided_slice %select_n3A_276 {offsets = [10], sizes = [1], strides = [1]} : vector<16xf32> to vector<1xf32>
    %squeeze3A_1055 = vector.extract %slice3A_1054[0] : f32 from vector<1xf32>
    %get3A_1056 = arith.constant 26 : i32
    %get3A_1057 = arith.index_cast %get3A_1056 : i32 to index
    %get3A_1058 = arith.constant 0 : index
    %get3A_1059 = tpu.vector_load %arg16[%get3A_1057, %get3A_1058] {strides = array<i32>} : memref<64x16xf32, #tpu.memory_space<vmem>>, vector<1x16xf32>,
    %get3A_1060 = vector.shape_cast %get3A_1059 : vector<1x16xf32> to vector<16xf32>
    %mul3A_1061 = vector.broadcast %squeeze3A_1055 : f32 to vector<16xf32>
    %mul3A_1062 = arith.mulf %mul3A_1061, %get3A_1060 : vector<16xf32>
    %sub3A_1063 = arith.subf %add3A_1053, %mul3A_1062 : vector<16xf32>
    %slice3A_1064 = vector.extract_strided_slice %select_n3A_258 {offsets = [11], sizes = [1], strides = [1]} : vector<16xf32> to vector<1xf32>
    %squeeze3A_1065 = vector.extract %slice3A_1064[0] : f32 from vector<1xf32>
    %get3A_1066 = arith.constant 27 : i32
    %get3A_1067 = arith.index_cast %get3A_1066 : i32 to index
    %get3A_1068 = arith.constant 0 : index
    %get3A_1069 = tpu.vector_load %arg15[%get3A_1067, %get3A_1068] {strides = array<i32>} : memref<64x16xf32, #tpu.memory_space<vmem>>, vector<1x16xf32>,
    %get3A_1070 = vector.shape_cast %get3A_1069 : vector<1x16xf32> to vector<16xf32>
    %mul3A_1071 = vector.broadcast %squeeze3A_1065 : f32 to vector<16xf32>
    %mul3A_1072 = arith.mulf %mul3A_1071, %get3A_1070 : vector<16xf32>
    %add3A_1073 = arith.addf %sub3A_1063, %mul3A_1072 : vector<16xf32>
    %slice3A_1074 = vector.extract_strided_slice %select_n3A_276 {offsets = [11], sizes = [1], strides = [1]} : vector<16xf32> to vector<1xf32>
    %squeeze3A_1075 = vector.extract %slice3A_1074[0] : f32 from vector<1xf32>
    %get3A_1076 = arith.constant 27 : i32
    %get3A_1077 = arith.index_cast %get3A_1076 : i32 to index
    %get3A_1078 = arith.constant 0 : index
    %get3A_1079 = tpu.vector_load %arg16[%get3A_1077, %get3A_1078] {strides = array<i32>} : memref<64x16xf32, #tpu.memory_space<vmem>>, vector<1x16xf32>,
    %get3A_1080 = vector.shape_cast %get3A_1079 : vector<1x16xf32> to vector<16xf32>
    %mul3A_1081 = vector.broadcast %squeeze3A_1075 : f32 to vector<16xf32>
    %mul3A_1082 = arith.mulf %mul3A_1081, %get3A_1080 : vector<16xf32>
    %sub3A_1083 = arith.subf %add3A_1073, %mul3A_1082 : vector<16xf32>
    %slice3A_1084 = vector.extract_strided_slice %select_n3A_258 {offsets = [12], sizes = [1], strides = [1]} : vector<16xf32> to vector<1xf32>
    %squeeze3A_1085 = vector.extract %slice3A_1084[0] : f32 from vector<1xf32>
    %get3A_1086 = arith.constant 28 : i32
    %get3A_1087 = arith.index_cast %get3A_1086 : i32 to index
    %get3A_1088 = arith.constant 0 : index
    %get3A_1089 = tpu.vector_load %arg15[%get3A_1087, %get3A_1088] {strides = array<i32>} : memref<64x16xf32, #tpu.memory_space<vmem>>, vector<1x16xf32>,
    %get3A_1090 = vector.shape_cast %get3A_1089 : vector<1x16xf32> to vector<16xf32>
    %mul3A_1091 = vector.broadcast %squeeze3A_1085 : f32 to vector<16xf32>
    %mul3A_1092 = arith.mulf %mul3A_1091, %get3A_1090 : vector<16xf32>
    %add3A_1093 = arith.addf %sub3A_1083, %mul3A_1092 : vector<16xf32>
    %slice3A_1094 = vector.extract_strided_slice %select_n3A_276 {offsets = [12], sizes = [1], strides = [1]} : vector<16xf32> to vector<1xf32>
    %squeeze3A_1095 = vector.extract %slice3A_1094[0] : f32 from vector<1xf32>
    %get3A_1096 = arith.constant 28 : i32
    %get3A_1097 = arith.index_cast %get3A_1096 : i32 to index
    %get3A_1098 = arith.constant 0 : index
    %get3A_1099 = tpu.vector_load %arg16[%get3A_1097, %get3A_1098] {strides = array<i32>} : memref<64x16xf32, #tpu.memory_space<vmem>>, vector<1x16xf32>,
    %get3A_1100 = vector.shape_cast %get3A_1099 : vector<1x16xf32> to vector<16xf32>
    %mul3A_1101 = vector.broadcast %squeeze3A_1095 : f32 to vector<16xf32>
    %mul3A_1102 = arith.mulf %mul3A_1101, %get3A_1100 : vector<16xf32>
    %sub3A_1103 = arith.subf %add3A_1093, %mul3A_1102 : vector<16xf32>
    %slice3A_1104 = vector.extract_strided_slice %select_n3A_258 {offsets = [13], sizes = [1], strides = [1]} : vector<16xf32> to vector<1xf32>
    %squeeze3A_1105 = vector.extract %slice3A_1104[0] : f32 from vector<1xf32>
    %get3A_1106 = arith.constant 29 : i32
    %get3A_1107 = arith.index_cast %get3A_1106 : i32 to index
    %get3A_1108 = arith.constant 0 : index
    %get3A_1109 = tpu.vector_load %arg15[%get3A_1107, %get3A_1108] {strides = array<i32>} : memref<64x16xf32, #tpu.memory_space<vmem>>, vector<1x16xf32>,
    %get3A_1110 = vector.shape_cast %get3A_1109 : vector<1x16xf32> to vector<16xf32>
    %mul3A_1111 = vector.broadcast %squeeze3A_1105 : f32 to vector<16xf32>
    %mul3A_1112 = arith.mulf %mul3A_1111, %get3A_1110 : vector<16xf32>
    %add3A_1113 = arith.addf %sub3A_1103, %mul3A_1112 : vector<16xf32>
    %slice3A_1114 = vector.extract_strided_slice %select_n3A_276 {offsets = [13], sizes = [1], strides = [1]} : vector<16xf32> to vector<1xf32>
    %squeeze3A_1115 = vector.extract %slice3A_1114[0] : f32 from vector<1xf32>
    %get3A_1116 = arith.constant 29 : i32
    %get3A_1117 = arith.index_cast %get3A_1116 : i32 to index
    %get3A_1118 = arith.constant 0 : index
    %get3A_1119 = tpu.vector_load %arg16[%get3A_1117, %get3A_1118] {strides = array<i32>} : memref<64x16xf32, #tpu.memory_space<vmem>>, vector<1x16xf32>,
    %get3A_1120 = vector.shape_cast %get3A_1119 : vector<1x16xf32> to vector<16xf32>
    %mul3A_1121 = vector.broadcast %squeeze3A_1115 : f32 to vector<16xf32>
    %mul3A_1122 = arith.mulf %mul3A_1121, %get3A_1120 : vector<16xf32>
    %sub3A_1123 = arith.subf %add3A_1113, %mul3A_1122 : vector<16xf32>
    %slice3A_1124 = vector.extract_strided_slice %select_n3A_258 {offsets = [14], sizes = [1], strides = [1]} : vector<16xf32> to vector<1xf32>
    %squeeze3A_1125 = vector.extract %slice3A_1124[0] : f32 from vector<1xf32>
    %get3A_1126 = arith.constant 30 : i32
    %get3A_1127 = arith.index_cast %get3A_1126 : i32 to index
    %get3A_1128 = arith.constant 0 : index
    %get3A_1129 = tpu.vector_load %arg15[%get3A_1127, %get3A_1128] {strides = array<i32>} : memref<64x16xf32, #tpu.memory_space<vmem>>, vector<1x16xf32>,
    %get3A_1130 = vector.shape_cast %get3A_1129 : vector<1x16xf32> to vector<16xf32>
    %mul3A_1131 = vector.broadcast %squeeze3A_1125 : f32 to vector<16xf32>
    %mul3A_1132 = arith.mulf %mul3A_1131, %get3A_1130 : vector<16xf32>
    %add3A_1133 = arith.addf %sub3A_1123, %mul3A_1132 : vector<16xf32>
    %slice3A_1134 = vector.extract_strided_slice %select_n3A_276 {offsets = [14], sizes = [1], strides = [1]} : vector<16xf32> to vector<1xf32>
    %squeeze3A_1135 = vector.extract %slice3A_1134[0] : f32 from vector<1xf32>
    %get3A_1136 = arith.constant 30 : i32
    %get3A_1137 = arith.index_cast %get3A_1136 : i32 to index
    %get3A_1138 = arith.constant 0 : index
    %get3A_1139 = tpu.vector_load %arg16[%get3A_1137, %get3A_1138] {strides = array<i32>} : memref<64x16xf32, #tpu.memory_space<vmem>>, vector<1x16xf32>,
    %get3A_1140 = vector.shape_cast %get3A_1139 : vector<1x16xf32> to vector<16xf32>
    %mul3A_1141 = vector.broadcast %squeeze3A_1135 : f32 to vector<16xf32>
    %mul3A_1142 = arith.mulf %mul3A_1141, %get3A_1140 : vector<16xf32>
    %sub3A_1143 = arith.subf %add3A_1133, %mul3A_1142 : vector<16xf32>
    %slice3A_1144 = vector.extract_strided_slice %select_n3A_258 {offsets = [15], sizes = [1], strides = [1]} : vector<16xf32> to vector<1xf32>
    %squeeze3A_1145 = vector.extract %slice3A_1144[0] : f32 from vector<1xf32>
    %get3A_1146 = arith.constant 31 : i32
    %get3A_1147 = arith.index_cast %get3A_1146 : i32 to index
    %get3A_1148 = arith.constant 0 : index
    %get3A_1149 = tpu.vector_load %arg15[%get3A_1147, %get3A_1148] {strides = array<i32>} : memref<64x16xf32, #tpu.memory_space<vmem>>, vector<1x16xf32>,
    %get3A_1150 = vector.shape_cast %get3A_1149 : vector<1x16xf32> to vector<16xf32>
    %mul3A_1151 = vector.broadcast %squeeze3A_1145 : f32 to vector<16xf32>
    %mul3A_1152 = arith.mulf %mul3A_1151, %get3A_1150 : vector<16xf32>
    %add3A_1153 = arith.addf %sub3A_1143, %mul3A_1152 : vector<16xf32>
    %slice3A_1154 = vector.extract_strided_slice %select_n3A_276 {offsets = [15], sizes = [1], strides = [1]} : vector<16xf32> to vector<1xf32>
    %squeeze3A_1155 = vector.extract %slice3A_1154[0] : f32 from vector<1xf32>
    %get3A_1156 = arith.constant 31 : i32
    %get3A_1157 = arith.index_cast %get3A_1156 : i32 to index
    %get3A_1158 = arith.constant 0 : index
    %get3A_1159 = tpu.vector_load %arg16[%get3A_1157, %get3A_1158] {strides = array<i32>} : memref<64x16xf32, #tpu.memory_space<vmem>>, vector<1x16xf32>,
    %get3A_1160 = vector.shape_cast %get3A_1159 : vector<1x16xf32> to vector<16xf32>
    %mul3A_1161 = vector.broadcast %squeeze3A_1155 : f32 to vector<16xf32>
    %mul3A_1162 = arith.mulf %mul3A_1161, %get3A_1160 : vector<16xf32>
    %sub3A_1163 = arith.subf %add3A_1153, %mul3A_1162 : vector<16xf32>
    %slice3A_1164 = vector.extract_strided_slice %select_n3A_381 {offsets = [0], sizes = [1], strides = [1]} : vector<16xf32> to vector<1xf32>
    %squeeze3A_1165 = vector.extract %slice3A_1164[0] : f32 from vector<1xf32>
    %get3A_1166 = arith.constant 32 : i32
    %get3A_1167 = arith.index_cast %get3A_1166 : i32 to index
    %get3A_1168 = arith.constant 0 : index
    %get3A_1169 = tpu.vector_load %arg15[%get3A_1167, %get3A_1168] {strides = array<i32>} : memref<64x16xf32, #tpu.memory_space<vmem>>, vector<1x16xf32>,
    %get3A_1170 = vector.shape_cast %get3A_1169 : vector<1x16xf32> to vector<16xf32>
    %mul3A_1171 = vector.broadcast %squeeze3A_1165 : f32 to vector<16xf32>
    %mul3A_1172 = arith.mulf %mul3A_1171, %get3A_1170 : vector<16xf32>
    %add3A_1173 = arith.addf %sub3A_1163, %mul3A_1172 : vector<16xf32>
    %slice3A_1174 = vector.extract_strided_slice %select_n3A_399 {offsets = [0], sizes = [1], strides = [1]} : vector<16xf32> to vector<1xf32>
    %squeeze3A_1175 = vector.extract %slice3A_1174[0] : f32 from vector<1xf32>
    %get3A_1176 = arith.constant 32 : i32
    %get3A_1177 = arith.index_cast %get3A_1176 : i32 to index
    %get3A_1178 = arith.constant 0 : index
    %get3A_1179 = tpu.vector_load %arg16[%get3A_1177, %get3A_1178] {strides = array<i32>} : memref<64x16xf32, #tpu.memory_space<vmem>>, vector<1x16xf32>,
    %get3A_1180 = vector.shape_cast %get3A_1179 : vector<1x16xf32> to vector<16xf32>
    %mul3A_1181 = vector.broadcast %squeeze3A_1175 : f32 to vector<16xf32>
    %mul3A_1182 = arith.mulf %mul3A_1181, %get3A_1180 : vector<16xf32>
    %sub3A_1183 = arith.subf %add3A_1173, %mul3A_1182 : vector<16xf32>
    %slice3A_1184 = vector.extract_strided_slice %select_n3A_381 {offsets = [1], sizes = [1], strides = [1]} : vector<16xf32> to vector<1xf32>
    %squeeze3A_1185 = vector.extract %slice3A_1184[0] : f32 from vector<1xf32>
    %get3A_1186 = arith.constant 33 : i32
    %get3A_1187 = arith.index_cast %get3A_1186 : i32 to index
    %get3A_1188 = arith.constant 0 : index
    %get3A_1189 = tpu.vector_load %arg15[%get3A_1187, %get3A_1188] {strides = array<i32>} : memref<64x16xf32, #tpu.memory_space<vmem>>, vector<1x16xf32>,
    %get3A_1190 = vector.shape_cast %get3A_1189 : vector<1x16xf32> to vector<16xf32>
    %mul3A_1191 = vector.broadcast %squeeze3A_1185 : f32 to vector<16xf32>
    %mul3A_1192 = arith.mulf %mul3A_1191, %get3A_1190 : vector<16xf32>
    %add3A_1193 = arith.addf %sub3A_1183, %mul3A_1192 : vector<16xf32>
    %slice3A_1194 = vector.extract_strided_slice %select_n3A_399 {offsets = [1], sizes = [1], strides = [1]} : vector<16xf32> to vector<1xf32>
    %squeeze3A_1195 = vector.extract %slice3A_1194[0] : f32 from vector<1xf32>
    %get3A_1196 = arith.constant 33 : i32
    %get3A_1197 = arith.index_cast %get3A_1196 : i32 to index
    %get3A_1198 = arith.constant 0 : index
    %get3A_1199 = tpu.vector_load %arg16[%get3A_1197, %get3A_1198] {strides = array<i32>} : memref<64x16xf32, #tpu.memory_space<vmem>>, vector<1x16xf32>,
    %get3A_1200 = vector.shape_cast %get3A_1199 : vector<1x16xf32> to vector<16xf32>
    %mul3A_1201 = vector.broadcast %squeeze3A_1195 : f32 to vector<16xf32>
    %mul3A_1202 = arith.mulf %mul3A_1201, %get3A_1200 : vector<16xf32>
    %sub3A_1203 = arith.subf %add3A_1193, %mul3A_1202 : vector<16xf32>
    %slice3A_1204 = vector.extract_strided_slice %select_n3A_381 {offsets = [2], sizes = [1], strides = [1]} : vector<16xf32> to vector<1xf32>
    %squeeze3A_1205 = vector.extract %slice3A_1204[0] : f32 from vector<1xf32>
    %get3A_1206 = arith.constant 34 : i32
    %get3A_1207 = arith.index_cast %get3A_1206 : i32 to index
    %get3A_1208 = arith.constant 0 : index
    %get3A_1209 = tpu.vector_load %arg15[%get3A_1207, %get3A_1208] {strides = array<i32>} : memref<64x16xf32, #tpu.memory_space<vmem>>, vector<1x16xf32>,
    %get3A_1210 = vector.shape_cast %get3A_1209 : vector<1x16xf32> to vector<16xf32>
    %mul3A_1211 = vector.broadcast %squeeze3A_1205 : f32 to vector<16xf32>
    %mul3A_1212 = arith.mulf %mul3A_1211, %get3A_1210 : vector<16xf32>
    %add3A_1213 = arith.addf %sub3A_1203, %mul3A_1212 : vector<16xf32>
    %slice3A_1214 = vector.extract_strided_slice %select_n3A_399 {offsets = [2], sizes = [1], strides = [1]} : vector<16xf32> to vector<1xf32>
    %squeeze3A_1215 = vector.extract %slice3A_1214[0] : f32 from vector<1xf32>
    %get3A_1216 = arith.constant 34 : i32
    %get3A_1217 = arith.index_cast %get3A_1216 : i32 to index
    %get3A_1218 = arith.constant 0 : index
    %get3A_1219 = tpu.vector_load %arg16[%get3A_1217, %get3A_1218] {strides = array<i32>} : memref<64x16xf32, #tpu.memory_space<vmem>>, vector<1x16xf32>,
    %get3A_1220 = vector.shape_cast %get3A_1219 : vector<1x16xf32> to vector<16xf32>
    %mul3A_1221 = vector.broadcast %squeeze3A_1215 : f32 to vector<16xf32>
    %mul3A_1222 = arith.mulf %mul3A_1221, %get3A_1220 : vector<16xf32>
    %sub3A_1223 = arith.subf %add3A_1213, %mul3A_1222 : vector<16xf32>
    %slice3A_1224 = vector.extract_strided_slice %select_n3A_381 {offsets = [3], sizes = [1], strides = [1]} : vector<16xf32> to vector<1xf32>
    %squeeze3A_1225 = vector.extract %slice3A_1224[0] : f32 from vector<1xf32>
    %get3A_1226 = arith.constant 35 : i32
    %get3A_1227 = arith.index_cast %get3A_1226 : i32 to index
    %get3A_1228 = arith.constant 0 : index
    %get3A_1229 = tpu.vector_load %arg15[%get3A_1227, %get3A_1228] {strides = array<i32>} : memref<64x16xf32, #tpu.memory_space<vmem>>, vector<1x16xf32>,
    %get3A_1230 = vector.shape_cast %get3A_1229 : vector<1x16xf32> to vector<16xf32>
    %mul3A_1231 = vector.broadcast %squeeze3A_1225 : f32 to vector<16xf32>
    %mul3A_1232 = arith.mulf %mul3A_1231, %get3A_1230 : vector<16xf32>
    %add3A_1233 = arith.addf %sub3A_1223, %mul3A_1232 : vector<16xf32>
    %slice3A_1234 = vector.extract_strided_slice %select_n3A_399 {offsets = [3], sizes = [1], strides = [1]} : vector<16xf32> to vector<1xf32>
    %squeeze3A_1235 = vector.extract %slice3A_1234[0] : f32 from vector<1xf32>
    %get3A_1236 = arith.constant 35 : i32
    %get3A_1237 = arith.index_cast %get3A_1236 : i32 to index
    %get3A_1238 = arith.constant 0 : index
    %get3A_1239 = tpu.vector_load %arg16[%get3A_1237, %get3A_1238] {strides = array<i32>} : memref<64x16xf32, #tpu.memory_space<vmem>>, vector<1x16xf32>,
    %get3A_1240 = vector.shape_cast %get3A_1239 : vector<1x16xf32> to vector<16xf32>
    %mul3A_1241 = vector.broadcast %squeeze3A_1235 : f32 to vector<16xf32>
    %mul3A_1242 = arith.mulf %mul3A_1241, %get3A_1240 : vector<16xf32>
    %sub3A_1243 = arith.subf %add3A_1233, %mul3A_1242 : vector<16xf32>
    %slice3A_1244 = vector.extract_strided_slice %select_n3A_381 {offsets = [4], sizes = [1], strides = [1]} : vector<16xf32> to vector<1xf32>
    %squeeze3A_1245 = vector.extract %slice3A_1244[0] : f32 from vector<1xf32>
    %get3A_1246 = arith.constant 36 : i32
    %get3A_1247 = arith.index_cast %get3A_1246 : i32 to index
    %get3A_1248 = arith.constant 0 : index
    %get3A_1249 = tpu.vector_load %arg15[%get3A_1247, %get3A_1248] {strides = array<i32>} : memref<64x16xf32, #tpu.memory_space<vmem>>, vector<1x16xf32>,
    %get3A_1250 = vector.shape_cast %get3A_1249 : vector<1x16xf32> to vector<16xf32>
    %mul3A_1251 = vector.broadcast %squeeze3A_1245 : f32 to vector<16xf32>
    %mul3A_1252 = arith.mulf %mul3A_1251, %get3A_1250 : vector<16xf32>
    %add3A_1253 = arith.addf %sub3A_1243, %mul3A_1252 : vector<16xf32>
    %slice3A_1254 = vector.extract_strided_slice %select_n3A_399 {offsets = [4], sizes = [1], strides = [1]} : vector<16xf32> to vector<1xf32>
    %squeeze3A_1255 = vector.extract %slice3A_1254[0] : f32 from vector<1xf32>
    %get3A_1256 = arith.constant 36 : i32
    %get3A_1257 = arith.index_cast %get3A_1256 : i32 to index
    %get3A_1258 = arith.constant 0 : index
    %get3A_1259 = tpu.vector_load %arg16[%get3A_1257, %get3A_1258] {strides = array<i32>} : memref<64x16xf32, #tpu.memory_space<vmem>>, vector<1x16xf32>,
    %get3A_1260 = vector.shape_cast %get3A_1259 : vector<1x16xf32> to vector<16xf32>
    %mul3A_1261 = vector.broadcast %squeeze3A_1255 : f32 to vector<16xf32>
    %mul3A_1262 = arith.mulf %mul3A_1261, %get3A_1260 : vector<16xf32>
    %sub3A_1263 = arith.subf %add3A_1253, %mul3A_1262 : vector<16xf32>
    %slice3A_1264 = vector.extract_strided_slice %select_n3A_381 {offsets = [5], sizes = [1], strides = [1]} : vector<16xf32> to vector<1xf32>
    %squeeze3A_1265 = vector.extract %slice3A_1264[0] : f32 from vector<1xf32>
    %get3A_1266 = arith.constant 37 : i32
    %get3A_1267 = arith.index_cast %get3A_1266 : i32 to index
    %get3A_1268 = arith.constant 0 : index
    %get3A_1269 = tpu.vector_load %arg15[%get3A_1267, %get3A_1268] {strides = array<i32>} : memref<64x16xf32, #tpu.memory_space<vmem>>, vector<1x16xf32>,
    %get3A_1270 = vector.shape_cast %get3A_1269 : vector<1x16xf32> to vector<16xf32>
    %mul3A_1271 = vector.broadcast %squeeze3A_1265 : f32 to vector<16xf32>
    %mul3A_1272 = arith.mulf %mul3A_1271, %get3A_1270 : vector<16xf32>
    %add3A_1273 = arith.addf %sub3A_1263, %mul3A_1272 : vector<16xf32>
    %slice3A_1274 = vector.extract_strided_slice %select_n3A_399 {offsets = [5], sizes = [1], strides = [1]} : vector<16xf32> to vector<1xf32>
    %squeeze3A_1275 = vector.extract %slice3A_1274[0] : f32 from vector<1xf32>
    %get3A_1276 = arith.constant 37 : i32
    %get3A_1277 = arith.index_cast %get3A_1276 : i32 to index
    %get3A_1278 = arith.constant 0 : index
    %get3A_1279 = tpu.vector_load %arg16[%get3A_1277, %get3A_1278] {strides = array<i32>} : memref<64x16xf32, #tpu.memory_space<vmem>>, vector<1x16xf32>,
    %get3A_1280 = vector.shape_cast %get3A_1279 : vector<1x16xf32> to vector<16xf32>
    %mul3A_1281 = vector.broadcast %squeeze3A_1275 : f32 to vector<16xf32>
    %mul3A_1282 = arith.mulf %mul3A_1281, %get3A_1280 : vector<16xf32>
    %sub3A_1283 = arith.subf %add3A_1273, %mul3A_1282 : vector<16xf32>
    %slice3A_1284 = vector.extract_strided_slice %select_n3A_381 {offsets = [6], sizes = [1], strides = [1]} : vector<16xf32> to vector<1xf32>
    %squeeze3A_1285 = vector.extract %slice3A_1284[0] : f32 from vector<1xf32>
    %get3A_1286 = arith.constant 38 : i32
    %get3A_1287 = arith.index_cast %get3A_1286 : i32 to index
    %get3A_1288 = arith.constant 0 : index
    %get3A_1289 = tpu.vector_load %arg15[%get3A_1287, %get3A_1288] {strides = array<i32>} : memref<64x16xf32, #tpu.memory_space<vmem>>, vector<1x16xf32>,
    %get3A_1290 = vector.shape_cast %get3A_1289 : vector<1x16xf32> to vector<16xf32>
    %mul3A_1291 = vector.broadcast %squeeze3A_1285 : f32 to vector<16xf32>
    %mul3A_1292 = arith.mulf %mul3A_1291, %get3A_1290 : vector<16xf32>
    %add3A_1293 = arith.addf %sub3A_1283, %mul3A_1292 : vector<16xf32>
    %slice3A_1294 = vector.extract_strided_slice %select_n3A_399 {offsets = [6], sizes = [1], strides = [1]} : vector<16xf32> to vector<1xf32>
    %squeeze3A_1295 = vector.extract %slice3A_1294[0] : f32 from vector<1xf32>
    %get3A_1296 = arith.constant 38 : i32
    %get3A_1297 = arith.index_cast %get3A_1296 : i32 to index
    %get3A_1298 = arith.constant 0 : index
    %get3A_1299 = tpu.vector_load %arg16[%get3A_1297, %get3A_1298] {strides = array<i32>} : memref<64x16xf32, #tpu.memory_space<vmem>>, vector<1x16xf32>,
    %get3A_1300 = vector.shape_cast %get3A_1299 : vector<1x16xf32> to vector<16xf32>
    %mul3A_1301 = vector.broadcast %squeeze3A_1295 : f32 to vector<16xf32>
    %mul3A_1302 = arith.mulf %mul3A_1301, %get3A_1300 : vector<16xf32>
    %sub3A_1303 = arith.subf %add3A_1293, %mul3A_1302 : vector<16xf32>
    %slice3A_1304 = vector.extract_strided_slice %select_n3A_381 {offsets = [7], sizes = [1], strides = [1]} : vector<16xf32> to vector<1xf32>
    %squeeze3A_1305 = vector.extract %slice3A_1304[0] : f32 from vector<1xf32>
    %get3A_1306 = arith.constant 39 : i32
    %get3A_1307 = arith.index_cast %get3A_1306 : i32 to index
    %get3A_1308 = arith.constant 0 : index
    %get3A_1309 = tpu.vector_load %arg15[%get3A_1307, %get3A_1308] {strides = array<i32>} : memref<64x16xf32, #tpu.memory_space<vmem>>, vector<1x16xf32>,
    %get3A_1310 = vector.shape_cast %get3A_1309 : vector<1x16xf32> to vector<16xf32>
    %mul3A_1311 = vector.broadcast %squeeze3A_1305 : f32 to vector<16xf32>
    %mul3A_1312 = arith.mulf %mul3A_1311, %get3A_1310 : vector<16xf32>
    %add3A_1313 = arith.addf %sub3A_1303, %mul3A_1312 : vector<16xf32>
    %slice3A_1314 = vector.extract_strided_slice %select_n3A_399 {offsets = [7], sizes = [1], strides = [1]} : vector<16xf32> to vector<1xf32>
    %squeeze3A_1315 = vector.extract %slice3A_1314[0] : f32 from vector<1xf32>
    %get3A_1316 = arith.constant 39 : i32
    %get3A_1317 = arith.index_cast %get3A_1316 : i32 to index
    %get3A_1318 = arith.constant 0 : index
    %get3A_1319 = tpu.vector_load %arg16[%get3A_1317, %get3A_1318] {strides = array<i32>} : memref<64x16xf32, #tpu.memory_space<vmem>>, vector<1x16xf32>,
    %get3A_1320 = vector.shape_cast %get3A_1319 : vector<1x16xf32> to vector<16xf32>
    %mul3A_1321 = vector.broadcast %squeeze3A_1315 : f32 to vector<16xf32>
    %mul3A_1322 = arith.mulf %mul3A_1321, %get3A_1320 : vector<16xf32>
    %sub3A_1323 = arith.subf %add3A_1313, %mul3A_1322 : vector<16xf32>
    %slice3A_1324 = vector.extract_strided_slice %select_n3A_381 {offsets = [8], sizes = [1], strides = [1]} : vector<16xf32> to vector<1xf32>
    %squeeze3A_1325 = vector.extract %slice3A_1324[0] : f32 from vector<1xf32>
    %get3A_1326 = arith.constant 40 : i32
    %get3A_1327 = arith.index_cast %get3A_1326 : i32 to index
    %get3A_1328 = arith.constant 0 : index
    %get3A_1329 = tpu.vector_load %arg15[%get3A_1327, %get3A_1328] {strides = array<i32>} : memref<64x16xf32, #tpu.memory_space<vmem>>, vector<1x16xf32>,
    %get3A_1330 = vector.shape_cast %get3A_1329 : vector<1x16xf32> to vector<16xf32>
    %mul3A_1331 = vector.broadcast %squeeze3A_1325 : f32 to vector<16xf32>
    %mul3A_1332 = arith.mulf %mul3A_1331, %get3A_1330 : vector<16xf32>
    %add3A_1333 = arith.addf %sub3A_1323, %mul3A_1332 : vector<16xf32>
    %slice3A_1334 = vector.extract_strided_slice %select_n3A_399 {offsets = [8], sizes = [1], strides = [1]} : vector<16xf32> to vector<1xf32>
    %squeeze3A_1335 = vector.extract %slice3A_1334[0] : f32 from vector<1xf32>
    %get3A_1336 = arith.constant 40 : i32
    %get3A_1337 = arith.index_cast %get3A_1336 : i32 to index
    %get3A_1338 = arith.constant 0 : index
    %get3A_1339 = tpu.vector_load %arg16[%get3A_1337, %get3A_1338] {strides = array<i32>} : memref<64x16xf32, #tpu.memory_space<vmem>>, vector<1x16xf32>,
    %get3A_1340 = vector.shape_cast %get3A_1339 : vector<1x16xf32> to vector<16xf32>
    %mul3A_1341 = vector.broadcast %squeeze3A_1335 : f32 to vector<16xf32>
    %mul3A_1342 = arith.mulf %mul3A_1341, %get3A_1340 : vector<16xf32>
    %sub3A_1343 = arith.subf %add3A_1333, %mul3A_1342 : vector<16xf32>
    %slice3A_1344 = vector.extract_strided_slice %select_n3A_381 {offsets = [9], sizes = [1], strides = [1]} : vector<16xf32> to vector<1xf32>
    %squeeze3A_1345 = vector.extract %slice3A_1344[0] : f32 from vector<1xf32>
    %get3A_1346 = arith.constant 41 : i32
    %get3A_1347 = arith.index_cast %get3A_1346 : i32 to index
    %get3A_1348 = arith.constant 0 : index
    %get3A_1349 = tpu.vector_load %arg15[%get3A_1347, %get3A_1348] {strides = array<i32>} : memref<64x16xf32, #tpu.memory_space<vmem>>, vector<1x16xf32>,
    %get3A_1350 = vector.shape_cast %get3A_1349 : vector<1x16xf32> to vector<16xf32>
    %mul3A_1351 = vector.broadcast %squeeze3A_1345 : f32 to vector<16xf32>
    %mul3A_1352 = arith.mulf %mul3A_1351, %get3A_1350 : vector<16xf32>
    %add3A_1353 = arith.addf %sub3A_1343, %mul3A_1352 : vector<16xf32>
    %slice3A_1354 = vector.extract_strided_slice %select_n3A_399 {offsets = [9], sizes = [1], strides = [1]} : vector<16xf32> to vector<1xf32>
    %squeeze3A_1355 = vector.extract %slice3A_1354[0] : f32 from vector<1xf32>
    %get3A_1356 = arith.constant 41 : i32
    %get3A_1357 = arith.index_cast %get3A_1356 : i32 to index
    %get3A_1358 = arith.constant 0 : index
    %get3A_1359 = tpu.vector_load %arg16[%get3A_1357, %get3A_1358] {strides = array<i32>} : memref<64x16xf32, #tpu.memory_space<vmem>>, vector<1x16xf32>,
    %get3A_1360 = vector.shape_cast %get3A_1359 : vector<1x16xf32> to vector<16xf32>
    %mul3A_1361 = vector.broadcast %squeeze3A_1355 : f32 to vector<16xf32>
    %mul3A_1362 = arith.mulf %mul3A_1361, %get3A_1360 : vector<16xf32>
    %sub3A_1363 = arith.subf %add3A_1353, %mul3A_1362 : vector<16xf32>
    %slice3A_1364 = vector.extract_strided_slice %select_n3A_381 {offsets = [10], sizes = [1], strides = [1]} : vector<16xf32> to vector<1xf32>
    %squeeze3A_1365 = vector.extract %slice3A_1364[0] : f32 from vector<1xf32>
    %get3A_1366 = arith.constant 42 : i32
    %get3A_1367 = arith.index_cast %get3A_1366 : i32 to index
    %get3A_1368 = arith.constant 0 : index
    %get3A_1369 = tpu.vector_load %arg15[%get3A_1367, %get3A_1368] {strides = array<i32>} : memref<64x16xf32, #tpu.memory_space<vmem>>, vector<1x16xf32>,
    %get3A_1370 = vector.shape_cast %get3A_1369 : vector<1x16xf32> to vector<16xf32>
    %mul3A_1371 = vector.broadcast %squeeze3A_1365 : f32 to vector<16xf32>
    %mul3A_1372 = arith.mulf %mul3A_1371, %get3A_1370 : vector<16xf32>
    %add3A_1373 = arith.addf %sub3A_1363, %mul3A_1372 : vector<16xf32>
    %slice3A_1374 = vector.extract_strided_slice %select_n3A_399 {offsets = [10], sizes = [1], strides = [1]} : vector<16xf32> to vector<1xf32>
    %squeeze3A_1375 = vector.extract %slice3A_1374[0] : f32 from vector<1xf32>
    %get3A_1376 = arith.constant 42 : i32
    %get3A_1377 = arith.index_cast %get3A_1376 : i32 to index
    %get3A_1378 = arith.constant 0 : index
    %get3A_1379 = tpu.vector_load %arg16[%get3A_1377, %get3A_1378] {strides = array<i32>} : memref<64x16xf32, #tpu.memory_space<vmem>>, vector<1x16xf32>,
    %get3A_1380 = vector.shape_cast %get3A_1379 : vector<1x16xf32> to vector<16xf32>
    %mul3A_1381 = vector.broadcast %squeeze3A_1375 : f32 to vector<16xf32>
    %mul3A_1382 = arith.mulf %mul3A_1381, %get3A_1380 : vector<16xf32>
    %sub3A_1383 = arith.subf %add3A_1373, %mul3A_1382 : vector<16xf32>
    %slice3A_1384 = vector.extract_strided_slice %select_n3A_381 {offsets = [11], sizes = [1], strides = [1]} : vector<16xf32> to vector<1xf32>
    %squeeze3A_1385 = vector.extract %slice3A_1384[0] : f32 from vector<1xf32>
    %get3A_1386 = arith.constant 43 : i32
    %get3A_1387 = arith.index_cast %get3A_1386 : i32 to index
    %get3A_1388 = arith.constant 0 : index
    %get3A_1389 = tpu.vector_load %arg15[%get3A_1387, %get3A_1388] {strides = array<i32>} : memref<64x16xf32, #tpu.memory_space<vmem>>, vector<1x16xf32>,
    %get3A_1390 = vector.shape_cast %get3A_1389 : vector<1x16xf32> to vector<16xf32>
    %mul3A_1391 = vector.broadcast %squeeze3A_1385 : f32 to vector<16xf32>
    %mul3A_1392 = arith.mulf %mul3A_1391, %get3A_1390 : vector<16xf32>
    %add3A_1393 = arith.addf %sub3A_1383, %mul3A_1392 : vector<16xf32>
    %slice3A_1394 = vector.extract_strided_slice %select_n3A_399 {offsets = [11], sizes = [1], strides = [1]} : vector<16xf32> to vector<1xf32>
    %squeeze3A_1395 = vector.extract %slice3A_1394[0] : f32 from vector<1xf32>
    %get3A_1396 = arith.constant 43 : i32
    %get3A_1397 = arith.index_cast %get3A_1396 : i32 to index
    %get3A_1398 = arith.constant 0 : index
    %get3A_1399 = tpu.vector_load %arg16[%get3A_1397, %get3A_1398] {strides = array<i32>} : memref<64x16xf32, #tpu.memory_space<vmem>>, vector<1x16xf32>,
    %get3A_1400 = vector.shape_cast %get3A_1399 : vector<1x16xf32> to vector<16xf32>
    %mul3A_1401 = vector.broadcast %squeeze3A_1395 : f32 to vector<16xf32>
    %mul3A_1402 = arith.mulf %mul3A_1401, %get3A_1400 : vector<16xf32>
    %sub3A_1403 = arith.subf %add3A_1393, %mul3A_1402 : vector<16xf32>
    %slice3A_1404 = vector.extract_strided_slice %select_n3A_381 {offsets = [12], sizes = [1], strides = [1]} : vector<16xf32> to vector<1xf32>
    %squeeze3A_1405 = vector.extract %slice3A_1404[0] : f32 from vector<1xf32>
    %get3A_1406 = arith.constant 44 : i32
    %get3A_1407 = arith.index_cast %get3A_1406 : i32 to index
    %get3A_1408 = arith.constant 0 : index
    %get3A_1409 = tpu.vector_load %arg15[%get3A_1407, %get3A_1408] {strides = array<i32>} : memref<64x16xf32, #tpu.memory_space<vmem>>, vector<1x16xf32>,
    %get3A_1410 = vector.shape_cast %get3A_1409 : vector<1x16xf32> to vector<16xf32>
    %mul3A_1411 = vector.broadcast %squeeze3A_1405 : f32 to vector<16xf32>
    %mul3A_1412 = arith.mulf %mul3A_1411, %get3A_1410 : vector<16xf32>
    %add3A_1413 = arith.addf %sub3A_1403, %mul3A_1412 : vector<16xf32>
    %slice3A_1414 = vector.extract_strided_slice %select_n3A_399 {offsets = [12], sizes = [1], strides = [1]} : vector<16xf32> to vector<1xf32>
    %squeeze3A_1415 = vector.extract %slice3A_1414[0] : f32 from vector<1xf32>
    %get3A_1416 = arith.constant 44 : i32
    %get3A_1417 = arith.index_cast %get3A_1416 : i32 to index
    %get3A_1418 = arith.constant 0 : index
    %get3A_1419 = tpu.vector_load %arg16[%get3A_1417, %get3A_1418] {strides = array<i32>} : memref<64x16xf32, #tpu.memory_space<vmem>>, vector<1x16xf32>,
    %get3A_1420 = vector.shape_cast %get3A_1419 : vector<1x16xf32> to vector<16xf32>
    %mul3A_1421 = vector.broadcast %squeeze3A_1415 : f32 to vector<16xf32>
    %mul3A_1422 = arith.mulf %mul3A_1421, %get3A_1420 : vector<16xf32>
    %sub3A_1423 = arith.subf %add3A_1413, %mul3A_1422 : vector<16xf32>
    %slice3A_1424 = vector.extract_strided_slice %select_n3A_381 {offsets = [13], sizes = [1], strides = [1]} : vector<16xf32> to vector<1xf32>
    %squeeze3A_1425 = vector.extract %slice3A_1424[0] : f32 from vector<1xf32>
    %get3A_1426 = arith.constant 45 : i32
    %get3A_1427 = arith.index_cast %get3A_1426 : i32 to index
    %get3A_1428 = arith.constant 0 : index
    %get3A_1429 = tpu.vector_load %arg15[%get3A_1427, %get3A_1428] {strides = array<i32>} : memref<64x16xf32, #tpu.memory_space<vmem>>, vector<1x16xf32>,
    %get3A_1430 = vector.shape_cast %get3A_1429 : vector<1x16xf32> to vector<16xf32>
    %mul3A_1431 = vector.broadcast %squeeze3A_1425 : f32 to vector<16xf32>
    %mul3A_1432 = arith.mulf %mul3A_1431, %get3A_1430 : vector<16xf32>
    %add3A_1433 = arith.addf %sub3A_1423, %mul3A_1432 : vector<16xf32>
    %slice3A_1434 = vector.extract_strided_slice %select_n3A_399 {offsets = [13], sizes = [1], strides = [1]} : vector<16xf32> to vector<1xf32>
    %squeeze3A_1435 = vector.extract %slice3A_1434[0] : f32 from vector<1xf32>
    %get3A_1436 = arith.constant 45 : i32
    %get3A_1437 = arith.index_cast %get3A_1436 : i32 to index
    %get3A_1438 = arith.constant 0 : index
    %get3A_1439 = tpu.vector_load %arg16[%get3A_1437, %get3A_1438] {strides = array<i32>} : memref<64x16xf32, #tpu.memory_space<vmem>>, vector<1x16xf32>,
    %get3A_1440 = vector.shape_cast %get3A_1439 : vector<1x16xf32> to vector<16xf32>
    %mul3A_1441 = vector.broadcast %squeeze3A_1435 : f32 to vector<16xf32>
    %mul3A_1442 = arith.mulf %mul3A_1441, %get3A_1440 : vector<16xf32>
    %sub3A_1443 = arith.subf %add3A_1433, %mul3A_1442 : vector<16xf32>
    %slice3A_1444 = vector.extract_strided_slice %select_n3A_381 {offsets = [14], sizes = [1], strides = [1]} : vector<16xf32> to vector<1xf32>
    %squeeze3A_1445 = vector.extract %slice3A_1444[0] : f32 from vector<1xf32>
    %get3A_1446 = arith.constant 46 : i32
    %get3A_1447 = arith.index_cast %get3A_1446 : i32 to index
    %get3A_1448 = arith.constant 0 : index
    %get3A_1449 = tpu.vector_load %arg15[%get3A_1447, %get3A_1448] {strides = array<i32>} : memref<64x16xf32, #tpu.memory_space<vmem>>, vector<1x16xf32>,
    %get3A_1450 = vector.shape_cast %get3A_1449 : vector<1x16xf32> to vector<16xf32>
    %mul3A_1451 = vector.broadcast %squeeze3A_1445 : f32 to vector<16xf32>
    %mul3A_1452 = arith.mulf %mul3A_1451, %get3A_1450 : vector<16xf32>
    %add3A_1453 = arith.addf %sub3A_1443, %mul3A_1452 : vector<16xf32>
    %slice3A_1454 = vector.extract_strided_slice %select_n3A_399 {offsets = [14], sizes = [1], strides = [1]} : vector<16xf32> to vector<1xf32>
    %squeeze3A_1455 = vector.extract %slice3A_1454[0] : f32 from vector<1xf32>
    %get3A_1456 = arith.constant 46 : i32
    %get3A_1457 = arith.index_cast %get3A_1456 : i32 to index
    %get3A_1458 = arith.constant 0 : index
    %get3A_1459 = tpu.vector_load %arg16[%get3A_1457, %get3A_1458] {strides = array<i32>} : memref<64x16xf32, #tpu.memory_space<vmem>>, vector<1x16xf32>,
    %get3A_1460 = vector.shape_cast %get3A_1459 : vector<1x16xf32> to vector<16xf32>
    %mul3A_1461 = vector.broadcast %squeeze3A_1455 : f32 to vector<16xf32>
    %mul3A_1462 = arith.mulf %mul3A_1461, %get3A_1460 : vector<16xf32>
    %sub3A_1463 = arith.subf %add3A_1453, %mul3A_1462 : vector<16xf32>
    %slice3A_1464 = vector.extract_strided_slice %select_n3A_381 {offsets = [15], sizes = [1], strides = [1]} : vector<16xf32> to vector<1xf32>
    %squeeze3A_1465 = vector.extract %slice3A_1464[0] : f32 from vector<1xf32>
    %get3A_1466 = arith.constant 47 : i32
    %get3A_1467 = arith.index_cast %get3A_1466 : i32 to index
    %get3A_1468 = arith.constant 0 : index
    %get3A_1469 = tpu.vector_load %arg15[%get3A_1467, %get3A_1468] {strides = array<i32>} : memref<64x16xf32, #tpu.memory_space<vmem>>, vector<1x16xf32>,
    %get3A_1470 = vector.shape_cast %get3A_1469 : vector<1x16xf32> to vector<16xf32>
    %mul3A_1471 = vector.broadcast %squeeze3A_1465 : f32 to vector<16xf32>
    %mul3A_1472 = arith.mulf %mul3A_1471, %get3A_1470 : vector<16xf32>
    %add3A_1473 = arith.addf %sub3A_1463, %mul3A_1472 : vector<16xf32>
    %slice3A_1474 = vector.extract_strided_slice %select_n3A_399 {offsets = [15], sizes = [1], strides = [1]} : vector<16xf32> to vector<1xf32>
    %squeeze3A_1475 = vector.extract %slice3A_1474[0] : f32 from vector<1xf32>
    %get3A_1476 = arith.constant 47 : i32
    %get3A_1477 = arith.index_cast %get3A_1476 : i32 to index
    %get3A_1478 = arith.constant 0 : index
    %get3A_1479 = tpu.vector_load %arg16[%get3A_1477, %get3A_1478] {strides = array<i32>} : memref<64x16xf32, #tpu.memory_space<vmem>>, vector<1x16xf32>,
    %get3A_1480 = vector.shape_cast %get3A_1479 : vector<1x16xf32> to vector<16xf32>
    %mul3A_1481 = vector.broadcast %squeeze3A_1475 : f32 to vector<16xf32>
    %mul3A_1482 = arith.mulf %mul3A_1481, %get3A_1480 : vector<16xf32>
    %sub3A_1483 = arith.subf %add3A_1473, %mul3A_1482 : vector<16xf32>
    %slice3A_1484 = vector.extract_strided_slice %select_n3A_504 {offsets = [0], sizes = [1], strides = [1]} : vector<16xf32> to vector<1xf32>
    %squeeze3A_1485 = vector.extract %slice3A_1484[0] : f32 from vector<1xf32>
    %get3A_1486 = arith.constant 48 : i32
    %get3A_1487 = arith.index_cast %get3A_1486 : i32 to index
    %get3A_1488 = arith.constant 0 : index
    %get3A_1489 = tpu.vector_load %arg15[%get3A_1487, %get3A_1488] {strides = array<i32>} : memref<64x16xf32, #tpu.memory_space<vmem>>, vector<1x16xf32>,
    %get3A_1490 = vector.shape_cast %get3A_1489 : vector<1x16xf32> to vector<16xf32>
    %mul3A_1491 = vector.broadcast %squeeze3A_1485 : f32 to vector<16xf32>
    %mul3A_1492 = arith.mulf %mul3A_1491, %get3A_1490 : vector<16xf32>
    %add3A_1493 = arith.addf %sub3A_1483, %mul3A_1492 : vector<16xf32>
    %slice3A_1494 = vector.extract_strided_slice %select_n3A_522 {offsets = [0], sizes = [1], strides = [1]} : vector<16xf32> to vector<1xf32>
    %squeeze3A_1495 = vector.extract %slice3A_1494[0] : f32 from vector<1xf32>
    %get3A_1496 = arith.constant 48 : i32
    %get3A_1497 = arith.index_cast %get3A_1496 : i32 to index
    %get3A_1498 = arith.constant 0 : index
    %get3A_1499 = tpu.vector_load %arg16[%get3A_1497, %get3A_1498] {strides = array<i32>} : memref<64x16xf32, #tpu.memory_space<vmem>>, vector<1x16xf32>,
    %get3A_1500 = vector.shape_cast %get3A_1499 : vector<1x16xf32> to vector<16xf32>
    %mul3A_1501 = vector.broadcast %squeeze3A_1495 : f32 to vector<16xf32>
    %mul3A_1502 = arith.mulf %mul3A_1501, %get3A_1500 : vector<16xf32>
    %sub3A_1503 = arith.subf %add3A_1493, %mul3A_1502 : vector<16xf32>
    %slice3A_1504 = vector.extract_strided_slice %select_n3A_504 {offsets = [1], sizes = [1], strides = [1]} : vector<16xf32> to vector<1xf32>
    %squeeze3A_1505 = vector.extract %slice3A_1504[0] : f32 from vector<1xf32>
    %get3A_1506 = arith.constant 49 : i32
    %get3A_1507 = arith.index_cast %get3A_1506 : i32 to index
    %get3A_1508 = arith.constant 0 : index
    %get3A_1509 = tpu.vector_load %arg15[%get3A_1507, %get3A_1508] {strides = array<i32>} : memref<64x16xf32, #tpu.memory_space<vmem>>, vector<1x16xf32>,
    %get3A_1510 = vector.shape_cast %get3A_1509 : vector<1x16xf32> to vector<16xf32>
    %mul3A_1511 = vector.broadcast %squeeze3A_1505 : f32 to vector<16xf32>
    %mul3A_1512 = arith.mulf %mul3A_1511, %get3A_1510 : vector<16xf32>
    %add3A_1513 = arith.addf %sub3A_1503, %mul3A_1512 : vector<16xf32>
    %slice3A_1514 = vector.extract_strided_slice %select_n3A_522 {offsets = [1], sizes = [1], strides = [1]} : vector<16xf32> to vector<1xf32>
    %squeeze3A_1515 = vector.extract %slice3A_1514[0] : f32 from vector<1xf32>
    %get3A_1516 = arith.constant 49 : i32
    %get3A_1517 = arith.index_cast %get3A_1516 : i32 to index
    %get3A_1518 = arith.constant 0 : index
    %get3A_1519 = tpu.vector_load %arg16[%get3A_1517, %get3A_1518] {strides = array<i32>} : memref<64x16xf32, #tpu.memory_space<vmem>>, vector<1x16xf32>,
    %get3A_1520 = vector.shape_cast %get3A_1519 : vector<1x16xf32> to vector<16xf32>
    %mul3A_1521 = vector.broadcast %squeeze3A_1515 : f32 to vector<16xf32>
    %mul3A_1522 = arith.mulf %mul3A_1521, %get3A_1520 : vector<16xf32>
    %sub3A_1523 = arith.subf %add3A_1513, %mul3A_1522 : vector<16xf32>
    %slice3A_1524 = vector.extract_strided_slice %select_n3A_504 {offsets = [2], sizes = [1], strides = [1]} : vector<16xf32> to vector<1xf32>
    %squeeze3A_1525 = vector.extract %slice3A_1524[0] : f32 from vector<1xf32>
    %get3A_1526 = arith.constant 50 : i32
    %get3A_1527 = arith.index_cast %get3A_1526 : i32 to index
    %get3A_1528 = arith.constant 0 : index
    %get3A_1529 = tpu.vector_load %arg15[%get3A_1527, %get3A_1528] {strides = array<i32>} : memref<64x16xf32, #tpu.memory_space<vmem>>, vector<1x16xf32>,
    %get3A_1530 = vector.shape_cast %get3A_1529 : vector<1x16xf32> to vector<16xf32>
    %mul3A_1531 = vector.broadcast %squeeze3A_1525 : f32 to vector<16xf32>
    %mul3A_1532 = arith.mulf %mul3A_1531, %get3A_1530 : vector<16xf32>
    %add3A_1533 = arith.addf %sub3A_1523, %mul3A_1532 : vector<16xf32>
    %slice3A_1534 = vector.extract_strided_slice %select_n3A_522 {offsets = [2], sizes = [1], strides = [1]} : vector<16xf32> to vector<1xf32>
    %squeeze3A_1535 = vector.extract %slice3A_1534[0] : f32 from vector<1xf32>
    %get3A_1536 = arith.constant 50 : i32
    %get3A_1537 = arith.index_cast %get3A_1536 : i32 to index
    %get3A_1538 = arith.constant 0 : index
    %get3A_1539 = tpu.vector_load %arg16[%get3A_1537, %get3A_1538] {strides = array<i32>} : memref<64x16xf32, #tpu.memory_space<vmem>>, vector<1x16xf32>,
    %get3A_1540 = vector.shape_cast %get3A_1539 : vector<1x16xf32> to vector<16xf32>
    %mul3A_1541 = vector.broadcast %squeeze3A_1535 : f32 to vector<16xf32>
    %mul3A_1542 = arith.mulf %mul3A_1541, %get3A_1540 : vector<16xf32>
    %sub3A_1543 = arith.subf %add3A_1533, %mul3A_1542 : vector<16xf32>
    %slice3A_1544 = vector.extract_strided_slice %select_n3A_504 {offsets = [3], sizes = [1], strides = [1]} : vector<16xf32> to vector<1xf32>
    %squeeze3A_1545 = vector.extract %slice3A_1544[0] : f32 from vector<1xf32>
    %get3A_1546 = arith.constant 51 : i32
    %get3A_1547 = arith.index_cast %get3A_1546 : i32 to index
    %get3A_1548 = arith.constant 0 : index
    %get3A_1549 = tpu.vector_load %arg15[%get3A_1547, %get3A_1548] {strides = array<i32>} : memref<64x16xf32, #tpu.memory_space<vmem>>, vector<1x16xf32>,
    %get3A_1550 = vector.shape_cast %get3A_1549 : vector<1x16xf32> to vector<16xf32>
    %mul3A_1551 = vector.broadcast %squeeze3A_1545 : f32 to vector<16xf32>
    %mul3A_1552 = arith.mulf %mul3A_1551, %get3A_1550 : vector<16xf32>
    %add3A_1553 = arith.addf %sub3A_1543, %mul3A_1552 : vector<16xf32>
    %slice3A_1554 = vector.extract_strided_slice %select_n3A_522 {offsets = [3], sizes = [1], strides = [1]} : vector<16xf32> to vector<1xf32>
    %squeeze3A_1555 = vector.extract %slice3A_1554[0] : f32 from vector<1xf32>
    %get3A_1556 = arith.constant 51 : i32
    %get3A_1557 = arith.index_cast %get3A_1556 : i32 to index
    %get3A_1558 = arith.constant 0 : index
    %get3A_1559 = tpu.vector_load %arg16[%get3A_1557, %get3A_1558] {strides = array<i32>} : memref<64x16xf32, #tpu.memory_space<vmem>>, vector<1x16xf32>,
    %get3A_1560 = vector.shape_cast %get3A_1559 : vector<1x16xf32> to vector<16xf32>
    %mul3A_1561 = vector.broadcast %squeeze3A_1555 : f32 to vector<16xf32>
    %mul3A_1562 = arith.mulf %mul3A_1561, %get3A_1560 : vector<16xf32>
    %sub3A_1563 = arith.subf %add3A_1553, %mul3A_1562 : vector<16xf32>
    %slice3A_1564 = vector.extract_strided_slice %select_n3A_504 {offsets = [4], sizes = [1], strides = [1]} : vector<16xf32> to vector<1xf32>
    %squeeze3A_1565 = vector.extract %slice3A_1564[0] : f32 from vector<1xf32>
    %get3A_1566 = arith.constant 52 : i32
    %get3A_1567 = arith.index_cast %get3A_1566 : i32 to index
    %get3A_1568 = arith.constant 0 : index
    %get3A_1569 = tpu.vector_load %arg15[%get3A_1567, %get3A_1568] {strides = array<i32>} : memref<64x16xf32, #tpu.memory_space<vmem>>, vector<1x16xf32>,
    %get3A_1570 = vector.shape_cast %get3A_1569 : vector<1x16xf32> to vector<16xf32>
    %mul3A_1571 = vector.broadcast %squeeze3A_1565 : f32 to vector<16xf32>
    %mul3A_1572 = arith.mulf %mul3A_1571, %get3A_1570 : vector<16xf32>
    %add3A_1573 = arith.addf %sub3A_1563, %mul3A_1572 : vector<16xf32>
    %slice3A_1574 = vector.extract_strided_slice %select_n3A_522 {offsets = [4], sizes = [1], strides = [1]} : vector<16xf32> to vector<1xf32>
    %squeeze3A_1575 = vector.extract %slice3A_1574[0] : f32 from vector<1xf32>
    %get3A_1576 = arith.constant 52 : i32
    %get3A_1577 = arith.index_cast %get3A_1576 : i32 to index
    %get3A_1578 = arith.constant 0 : index
    %get3A_1579 = tpu.vector_load %arg16[%get3A_1577, %get3A_1578] {strides = array<i32>} : memref<64x16xf32, #tpu.memory_space<vmem>>, vector<1x16xf32>,
    %get3A_1580 = vector.shape_cast %get3A_1579 : vector<1x16xf32> to vector<16xf32>
    %mul3A_1581 = vector.broadcast %squeeze3A_1575 : f32 to vector<16xf32>
    %mul3A_1582 = arith.mulf %mul3A_1581, %get3A_1580 : vector<16xf32>
    %sub3A_1583 = arith.subf %add3A_1573, %mul3A_1582 : vector<16xf32>
    %slice3A_1584 = vector.extract_strided_slice %select_n3A_504 {offsets = [5], sizes = [1], strides = [1]} : vector<16xf32> to vector<1xf32>
    %squeeze3A_1585 = vector.extract %slice3A_1584[0] : f32 from vector<1xf32>
    %get3A_1586 = arith.constant 53 : i32
    %get3A_1587 = arith.index_cast %get3A_1586 : i32 to index
    %get3A_1588 = arith.constant 0 : index
    %get3A_1589 = tpu.vector_load %arg15[%get3A_1587, %get3A_1588] {strides = array<i32>} : memref<64x16xf32, #tpu.memory_space<vmem>>, vector<1x16xf32>,
    %get3A_1590 = vector.shape_cast %get3A_1589 : vector<1x16xf32> to vector<16xf32>
    %mul3A_1591 = vector.broadcast %squeeze3A_1585 : f32 to vector<16xf32>
    %mul3A_1592 = arith.mulf %mul3A_1591, %get3A_1590 : vector<16xf32>
    %add3A_1593 = arith.addf %sub3A_1583, %mul3A_1592 : vector<16xf32>
    %slice3A_1594 = vector.extract_strided_slice %select_n3A_522 {offsets = [5], sizes = [1], strides = [1]} : vector<16xf32> to vector<1xf32>
    %squeeze3A_1595 = vector.extract %slice3A_1594[0] : f32 from vector<1xf32>
    %get3A_1596 = arith.constant 53 : i32
    %get3A_1597 = arith.index_cast %get3A_1596 : i32 to index
    %get3A_1598 = arith.constant 0 : index
    %get3A_1599 = tpu.vector_load %arg16[%get3A_1597, %get3A_1598] {strides = array<i32>} : memref<64x16xf32, #tpu.memory_space<vmem>>, vector<1x16xf32>,
    %get3A_1600 = vector.shape_cast %get3A_1599 : vector<1x16xf32> to vector<16xf32>
    %mul3A_1601 = vector.broadcast %squeeze3A_1595 : f32 to vector<16xf32>
    %mul3A_1602 = arith.mulf %mul3A_1601, %get3A_1600 : vector<16xf32>
    %sub3A_1603 = arith.subf %add3A_1593, %mul3A_1602 : vector<16xf32>
    %slice3A_1604 = vector.extract_strided_slice %select_n3A_504 {offsets = [6], sizes = [1], strides = [1]} : vector<16xf32> to vector<1xf32>
    %squeeze3A_1605 = vector.extract %slice3A_1604[0] : f32 from vector<1xf32>
    %get3A_1606 = arith.constant 54 : i32
    %get3A_1607 = arith.index_cast %get3A_1606 : i32 to index
    %get3A_1608 = arith.constant 0 : index
    %get3A_1609 = tpu.vector_load %arg15[%get3A_1607, %get3A_1608] {strides = array<i32>} : memref<64x16xf32, #tpu.memory_space<vmem>>, vector<1x16xf32>,
    %get3A_1610 = vector.shape_cast %get3A_1609 : vector<1x16xf32> to vector<16xf32>
    %mul3A_1611 = vector.broadcast %squeeze3A_1605 : f32 to vector<16xf32>
    %mul3A_1612 = arith.mulf %mul3A_1611, %get3A_1610 : vector<16xf32>
    %add3A_1613 = arith.addf %sub3A_1603, %mul3A_1612 : vector<16xf32>
    %slice3A_1614 = vector.extract_strided_slice %select_n3A_522 {offsets = [6], sizes = [1], strides = [1]} : vector<16xf32> to vector<1xf32>
    %squeeze3A_1615 = vector.extract %slice3A_1614[0] : f32 from vector<1xf32>
    %get3A_1616 = arith.constant 54 : i32
    %get3A_1617 = arith.index_cast %get3A_1616 : i32 to index
    %get3A_1618 = arith.constant 0 : index
    %get3A_1619 = tpu.vector_load %arg16[%get3A_1617, %get3A_1618] {strides = array<i32>} : memref<64x16xf32, #tpu.memory_space<vmem>>, vector<1x16xf32>,
    %get3A_1620 = vector.shape_cast %get3A_1619 : vector<1x16xf32> to vector<16xf32>
    %mul3A_1621 = vector.broadcast %squeeze3A_1615 : f32 to vector<16xf32>
    %mul3A_1622 = arith.mulf %mul3A_1621, %get3A_1620 : vector<16xf32>
    %sub3A_1623 = arith.subf %add3A_1613, %mul3A_1622 : vector<16xf32>
    %slice3A_1624 = vector.extract_strided_slice %select_n3A_504 {offsets = [7], sizes = [1], strides = [1]} : vector<16xf32> to vector<1xf32>
    %squeeze3A_1625 = vector.extract %slice3A_1624[0] : f32 from vector<1xf32>
    %get3A_1626 = arith.constant 55 : i32
    %get3A_1627 = arith.index_cast %get3A_1626 : i32 to index
    %get3A_1628 = arith.constant 0 : index
    %get3A_1629 = tpu.vector_load %arg15[%get3A_1627, %get3A_1628] {strides = array<i32>} : memref<64x16xf32, #tpu.memory_space<vmem>>, vector<1x16xf32>,
    %get3A_1630 = vector.shape_cast %get3A_1629 : vector<1x16xf32> to vector<16xf32>
    %mul3A_1631 = vector.broadcast %squeeze3A_1625 : f32 to vector<16xf32>
    %mul3A_1632 = arith.mulf %mul3A_1631, %get3A_1630 : vector<16xf32>
    %add3A_1633 = arith.addf %sub3A_1623, %mul3A_1632 : vector<16xf32>
    %slice3A_1634 = vector.extract_strided_slice %select_n3A_522 {offsets = [7], sizes = [1], strides = [1]} : vector<16xf32> to vector<1xf32>
    %squeeze3A_1635 = vector.extract %slice3A_1634[0] : f32 from vector<1xf32>
    %get3A_1636 = arith.constant 55 : i32
    %get3A_1637 = arith.index_cast %get3A_1636 : i32 to index
    %get3A_1638 = arith.constant 0 : index
    %get3A_1639 = tpu.vector_load %arg16[%get3A_1637, %get3A_1638] {strides = array<i32>} : memref<64x16xf32, #tpu.memory_space<vmem>>, vector<1x16xf32>,
    %get3A_1640 = vector.shape_cast %get3A_1639 : vector<1x16xf32> to vector<16xf32>
    %mul3A_1641 = vector.broadcast %squeeze3A_1635 : f32 to vector<16xf32>
    %mul3A_1642 = arith.mulf %mul3A_1641, %get3A_1640 : vector<16xf32>
    %sub3A_1643 = arith.subf %add3A_1633, %mul3A_1642 : vector<16xf32>
    %slice3A_1644 = vector.extract_strided_slice %select_n3A_504 {offsets = [8], sizes = [1], strides = [1]} : vector<16xf32> to vector<1xf32>
    %squeeze3A_1645 = vector.extract %slice3A_1644[0] : f32 from vector<1xf32>
    %get3A_1646 = arith.constant 56 : i32
    %get3A_1647 = arith.index_cast %get3A_1646 : i32 to index
    %get3A_1648 = arith.constant 0 : index
    %get3A_1649 = tpu.vector_load %arg15[%get3A_1647, %get3A_1648] {strides = array<i32>} : memref<64x16xf32, #tpu.memory_space<vmem>>, vector<1x16xf32>,
    %get3A_1650 = vector.shape_cast %get3A_1649 : vector<1x16xf32> to vector<16xf32>
    %mul3A_1651 = vector.broadcast %squeeze3A_1645 : f32 to vector<16xf32>
    %mul3A_1652 = arith.mulf %mul3A_1651, %get3A_1650 : vector<16xf32>
    %add3A_1653 = arith.addf %sub3A_1643, %mul3A_1652 : vector<16xf32>
    %slice3A_1654 = vector.extract_strided_slice %select_n3A_522 {offsets = [8], sizes = [1], strides = [1]} : vector<16xf32> to vector<1xf32>
    %squeeze3A_1655 = vector.extract %slice3A_1654[0] : f32 from vector<1xf32>
    %get3A_1656 = arith.constant 56 : i32
    %get3A_1657 = arith.index_cast %get3A_1656 : i32 to index
    %get3A_1658 = arith.constant 0 : index
    %get3A_1659 = tpu.vector_load %arg16[%get3A_1657, %get3A_1658] {strides = array<i32>} : memref<64x16xf32, #tpu.memory_space<vmem>>, vector<1x16xf32>,
    %get3A_1660 = vector.shape_cast %get3A_1659 : vector<1x16xf32> to vector<16xf32>
    %mul3A_1661 = vector.broadcast %squeeze3A_1655 : f32 to vector<16xf32>
    %mul3A_1662 = arith.mulf %mul3A_1661, %get3A_1660 : vector<16xf32>
    %sub3A_1663 = arith.subf %add3A_1653, %mul3A_1662 : vector<16xf32>
    %slice3A_1664 = vector.extract_strided_slice %select_n3A_504 {offsets = [9], sizes = [1], strides = [1]} : vector<16xf32> to vector<1xf32>
    %squeeze3A_1665 = vector.extract %slice3A_1664[0] : f32 from vector<1xf32>
    %get3A_1666 = arith.constant 57 : i32
    %get3A_1667 = arith.index_cast %get3A_1666 : i32 to index
    %get3A_1668 = arith.constant 0 : index
    %get3A_1669 = tpu.vector_load %arg15[%get3A_1667, %get3A_1668] {strides = array<i32>} : memref<64x16xf32, #tpu.memory_space<vmem>>, vector<1x16xf32>,
    %get3A_1670 = vector.shape_cast %get3A_1669 : vector<1x16xf32> to vector<16xf32>
    %mul3A_1671 = vector.broadcast %squeeze3A_1665 : f32 to vector<16xf32>
    %mul3A_1672 = arith.mulf %mul3A_1671, %get3A_1670 : vector<16xf32>
    %add3A_1673 = arith.addf %sub3A_1663, %mul3A_1672 : vector<16xf32>
    %slice3A_1674 = vector.extract_strided_slice %select_n3A_522 {offsets = [9], sizes = [1], strides = [1]} : vector<16xf32> to vector<1xf32>
    %squeeze3A_1675 = vector.extract %slice3A_1674[0] : f32 from vector<1xf32>
    %get3A_1676 = arith.constant 57 : i32
    %get3A_1677 = arith.index_cast %get3A_1676 : i32 to index
    %get3A_1678 = arith.constant 0 : index
    %get3A_1679 = tpu.vector_load %arg16[%get3A_1677, %get3A_1678] {strides = array<i32>} : memref<64x16xf32, #tpu.memory_space<vmem>>, vector<1x16xf32>,
    %get3A_1680 = vector.shape_cast %get3A_1679 : vector<1x16xf32> to vector<16xf32>
    %mul3A_1681 = vector.broadcast %squeeze3A_1675 : f32 to vector<16xf32>
    %mul3A_1682 = arith.mulf %mul3A_1681, %get3A_1680 : vector<16xf32>
    %sub3A_1683 = arith.subf %add3A_1673, %mul3A_1682 : vector<16xf32>
    %slice3A_1684 = vector.extract_strided_slice %select_n3A_504 {offsets = [10], sizes = [1], strides = [1]} : vector<16xf32> to vector<1xf32>
    %squeeze3A_1685 = vector.extract %slice3A_1684[0] : f32 from vector<1xf32>
    %get3A_1686 = arith.constant 58 : i32
    %get3A_1687 = arith.index_cast %get3A_1686 : i32 to index
    %get3A_1688 = arith.constant 0 : index
    %get3A_1689 = tpu.vector_load %arg15[%get3A_1687, %get3A_1688] {strides = array<i32>} : memref<64x16xf32, #tpu.memory_space<vmem>>, vector<1x16xf32>,
    %get3A_1690 = vector.shape_cast %get3A_1689 : vector<1x16xf32> to vector<16xf32>
    %mul3A_1691 = vector.broadcast %squeeze3A_1685 : f32 to vector<16xf32>
    %mul3A_1692 = arith.mulf %mul3A_1691, %get3A_1690 : vector<16xf32>
    %add3A_1693 = arith.addf %sub3A_1683, %mul3A_1692 : vector<16xf32>
    %slice3A_1694 = vector.extract_strided_slice %select_n3A_522 {offsets = [10], sizes = [1], strides = [1]} : vector<16xf32> to vector<1xf32>
    %squeeze3A_1695 = vector.extract %slice3A_1694[0] : f32 from vector<1xf32>
    %get3A_1696 = arith.constant 58 : i32
    %get3A_1697 = arith.index_cast %get3A_1696 : i32 to index
    %get3A_1698 = arith.constant 0 : index
    %get3A_1699 = tpu.vector_load %arg16[%get3A_1697, %get3A_1698] {strides = array<i32>} : memref<64x16xf32, #tpu.memory_space<vmem>>, vector<1x16xf32>,
    %get3A_1700 = vector.shape_cast %get3A_1699 : vector<1x16xf32> to vector<16xf32>
    %mul3A_1701 = vector.broadcast %squeeze3A_1695 : f32 to vector<16xf32>
    %mul3A_1702 = arith.mulf %mul3A_1701, %get3A_1700 : vector<16xf32>
    %sub3A_1703 = arith.subf %add3A_1693, %mul3A_1702 : vector<16xf32>
    %slice3A_1704 = vector.extract_strided_slice %select_n3A_504 {offsets = [11], sizes = [1], strides = [1]} : vector<16xf32> to vector<1xf32>
    %squeeze3A_1705 = vector.extract %slice3A_1704[0] : f32 from vector<1xf32>
    %get3A_1706 = arith.constant 59 : i32
    %get3A_1707 = arith.index_cast %get3A_1706 : i32 to index
    %get3A_1708 = arith.constant 0 : index
    %get3A_1709 = tpu.vector_load %arg15[%get3A_1707, %get3A_1708] {strides = array<i32>} : memref<64x16xf32, #tpu.memory_space<vmem>>, vector<1x16xf32>,
    %get3A_1710 = vector.shape_cast %get3A_1709 : vector<1x16xf32> to vector<16xf32>
    %mul3A_1711 = vector.broadcast %squeeze3A_1705 : f32 to vector<16xf32>
    %mul3A_1712 = arith.mulf %mul3A_1711, %get3A_1710 : vector<16xf32>
    %add3A_1713 = arith.addf %sub3A_1703, %mul3A_1712 : vector<16xf32>
    %slice3A_1714 = vector.extract_strided_slice %select_n3A_522 {offsets = [11], sizes = [1], strides = [1]} : vector<16xf32> to vector<1xf32>
    %squeeze3A_1715 = vector.extract %slice3A_1714[0] : f32 from vector<1xf32>
    %get3A_1716 = arith.constant 59 : i32
    %get3A_1717 = arith.index_cast %get3A_1716 : i32 to index
    %get3A_1718 = arith.constant 0 : index
    %get3A_1719 = tpu.vector_load %arg16[%get3A_1717, %get3A_1718] {strides = array<i32>} : memref<64x16xf32, #tpu.memory_space<vmem>>, vector<1x16xf32>,
    %get3A_1720 = vector.shape_cast %get3A_1719 : vector<1x16xf32> to vector<16xf32>
    %mul3A_1721 = vector.broadcast %squeeze3A_1715 : f32 to vector<16xf32>
    %mul3A_1722 = arith.mulf %mul3A_1721, %get3A_1720 : vector<16xf32>
    %sub3A_1723 = arith.subf %add3A_1713, %mul3A_1722 : vector<16xf32>
    %slice3A_1724 = vector.extract_strided_slice %select_n3A_504 {offsets = [12], sizes = [1], strides = [1]} : vector<16xf32> to vector<1xf32>
    %squeeze3A_1725 = vector.extract %slice3A_1724[0] : f32 from vector<1xf32>
    %get3A_1726 = arith.constant 60 : i32
    %get3A_1727 = arith.index_cast %get3A_1726 : i32 to index
    %get3A_1728 = arith.constant 0 : index
    %get3A_1729 = tpu.vector_load %arg15[%get3A_1727, %get3A_1728] {strides = array<i32>} : memref<64x16xf32, #tpu.memory_space<vmem>>, vector<1x16xf32>,
    %get3A_1730 = vector.shape_cast %get3A_1729 : vector<1x16xf32> to vector<16xf32>
    %mul3A_1731 = vector.broadcast %squeeze3A_1725 : f32 to vector<16xf32>
    %mul3A_1732 = arith.mulf %mul3A_1731, %get3A_1730 : vector<16xf32>
    %add3A_1733 = arith.addf %sub3A_1723, %mul3A_1732 : vector<16xf32>
    %slice3A_1734 = vector.extract_strided_slice %select_n3A_522 {offsets = [12], sizes = [1], strides = [1]} : vector<16xf32> to vector<1xf32>
    %squeeze3A_1735 = vector.extract %slice3A_1734[0] : f32 from vector<1xf32>
    %get3A_1736 = arith.constant 60 : i32
    %get3A_1737 = arith.index_cast %get3A_1736 : i32 to index
    %get3A_1738 = arith.constant 0 : index
    %get3A_1739 = tpu.vector_load %arg16[%get3A_1737, %get3A_1738] {strides = array<i32>} : memref<64x16xf32, #tpu.memory_space<vmem>>, vector<1x16xf32>,
    %get3A_1740 = vector.shape_cast %get3A_1739 : vector<1x16xf32> to vector<16xf32>
    %mul3A_1741 = vector.broadcast %squeeze3A_1735 : f32 to vector<16xf32>
    %mul3A_1742 = arith.mulf %mul3A_1741, %get3A_1740 : vector<16xf32>
    %sub3A_1743 = arith.subf %add3A_1733, %mul3A_1742 : vector<16xf32>
    %slice3A_1744 = vector.extract_strided_slice %select_n3A_504 {offsets = [13], sizes = [1], strides = [1]} : vector<16xf32> to vector<1xf32>
    %squeeze3A_1745 = vector.extract %slice3A_1744[0] : f32 from vector<1xf32>
    %get3A_1746 = arith.constant 61 : i32
    %get3A_1747 = arith.index_cast %get3A_1746 : i32 to index
    %get3A_1748 = arith.constant 0 : index
    %get3A_1749 = tpu.vector_load %arg15[%get3A_1747, %get3A_1748] {strides = array<i32>} : memref<64x16xf32, #tpu.memory_space<vmem>>, vector<1x16xf32>,
    %get3A_1750 = vector.shape_cast %get3A_1749 : vector<1x16xf32> to vector<16xf32>
    %mul3A_1751 = vector.broadcast %squeeze3A_1745 : f32 to vector<16xf32>
    %mul3A_1752 = arith.mulf %mul3A_1751, %get3A_1750 : vector<16xf32>
    %add3A_1753 = arith.addf %sub3A_1743, %mul3A_1752 : vector<16xf32>
    %slice3A_1754 = vector.extract_strided_slice %select_n3A_522 {offsets = [13], sizes = [1], strides = [1]} : vector<16xf32> to vector<1xf32>
    %squeeze3A_1755 = vector.extract %slice3A_1754[0] : f32 from vector<1xf32>
    %get3A_1756 = arith.constant 61 : i32
    %get3A_1757 = arith.index_cast %get3A_1756 : i32 to index
    %get3A_1758 = arith.constant 0 : index
    %get3A_1759 = tpu.vector_load %arg16[%get3A_1757, %get3A_1758] {strides = array<i32>} : memref<64x16xf32, #tpu.memory_space<vmem>>, vector<1x16xf32>,
    %get3A_1760 = vector.shape_cast %get3A_1759 : vector<1x16xf32> to vector<16xf32>
    %mul3A_1761 = vector.broadcast %squeeze3A_1755 : f32 to vector<16xf32>
    %mul3A_1762 = arith.mulf %mul3A_1761, %get3A_1760 : vector<16xf32>
    %sub3A_1763 = arith.subf %add3A_1753, %mul3A_1762 : vector<16xf32>
    %slice3A_1764 = vector.extract_strided_slice %select_n3A_504 {offsets = [14], sizes = [1], strides = [1]} : vector<16xf32> to vector<1xf32>
    %squeeze3A_1765 = vector.extract %slice3A_1764[0] : f32 from vector<1xf32>
    %get3A_1766 = arith.constant 62 : i32
    %get3A_1767 = arith.index_cast %get3A_1766 : i32 to index
    %get3A_1768 = arith.constant 0 : index
    %get3A_1769 = tpu.vector_load %arg15[%get3A_1767, %get3A_1768] {strides = array<i32>} : memref<64x16xf32, #tpu.memory_space<vmem>>, vector<1x16xf32>,
    %get3A_1770 = vector.shape_cast %get3A_1769 : vector<1x16xf32> to vector<16xf32>
    %mul3A_1771 = vector.broadcast %squeeze3A_1765 : f32 to vector<16xf32>
    %mul3A_1772 = arith.mulf %mul3A_1771, %get3A_1770 : vector<16xf32>
    %add3A_1773 = arith.addf %sub3A_1763, %mul3A_1772 : vector<16xf32>
    %slice3A_1774 = vector.extract_strided_slice %select_n3A_522 {offsets = [14], sizes = [1], strides = [1]} : vector<16xf32> to vector<1xf32>
    %squeeze3A_1775 = vector.extract %slice3A_1774[0] : f32 from vector<1xf32>
    %get3A_1776 = arith.constant 62 : i32
    %get3A_1777 = arith.index_cast %get3A_1776 : i32 to index
    %get3A_1778 = arith.constant 0 : index
    %get3A_1779 = tpu.vector_load %arg16[%get3A_1777, %get3A_1778] {strides = array<i32>} : memref<64x16xf32, #tpu.memory_space<vmem>>, vector<1x16xf32>,
    %get3A_1780 = vector.shape_cast %get3A_1779 : vector<1x16xf32> to vector<16xf32>
    %mul3A_1781 = vector.broadcast %squeeze3A_1775 : f32 to vector<16xf32>
    %mul3A_1782 = arith.mulf %mul3A_1781, %get3A_1780 : vector<16xf32>
    %sub3A_1783 = arith.subf %add3A_1773, %mul3A_1782 : vector<16xf32>
    %slice3A_1784 = vector.extract_strided_slice %select_n3A_504 {offsets = [15], sizes = [1], strides = [1]} : vector<16xf32> to vector<1xf32>
    %squeeze3A_1785 = vector.extract %slice3A_1784[0] : f32 from vector<1xf32>
    %get3A_1786 = arith.constant 63 : i32
    %get3A_1787 = arith.index_cast %get3A_1786 : i32 to index
    %get3A_1788 = arith.constant 0 : index
    %get3A_1789 = tpu.vector_load %arg15[%get3A_1787, %get3A_1788] {strides = array<i32>} : memref<64x16xf32, #tpu.memory_space<vmem>>, vector<1x16xf32>,
    %get3A_1790 = vector.shape_cast %get3A_1789 : vector<1x16xf32> to vector<16xf32>
    %mul3A_1791 = vector.broadcast %squeeze3A_1785 : f32 to vector<16xf32>
    %mul3A_1792 = arith.mulf %mul3A_1791, %get3A_1790 : vector<16xf32>
    %add3A_1793 = arith.addf %sub3A_1783, %mul3A_1792 : vector<16xf32>
    %slice3A_1794 = vector.extract_strided_slice %select_n3A_522 {offsets = [15], sizes = [1], strides = [1]} : vector<16xf32> to vector<1xf32>
    %squeeze3A_1795 = vector.extract %slice3A_1794[0] : f32 from vector<1xf32>
    %get3A_1796 = arith.constant 63 : i32
    %get3A_1797 = arith.index_cast %get3A_1796 : i32 to index
    %get3A_1798 = arith.constant 0 : index
    %get3A_1799 = tpu.vector_load %arg16[%get3A_1797, %get3A_1798] {strides = array<i32>} : memref<64x16xf32, #tpu.memory_space<vmem>>, vector<1x16xf32>,
    %get3A_1800 = vector.shape_cast %get3A_1799 : vector<1x16xf32> to vector<16xf32>
    %mul3A_1801 = vector.broadcast %squeeze3A_1795 : f32 to vector<16xf32>
    %mul3A_1802 = arith.mulf %mul3A_1801, %get3A_1800 : vector<16xf32>
    %sub3A_1803 = arith.subf %add3A_1793, %mul3A_1802 : vector<16xf32>
    %mul3A_1804 = arith.constant 1.250000e-01 : f32
    %mul3A_1805 = vector.broadcast %mul3A_1804 : f32 to vector<16xf32>
    %mul3A_1806 = arith.mulf %sub3A_1803, %mul3A_1805 : vector<16xf32>
    %swap3A = arith.constant 0 : index
    %swap3A_1807 = tpu.vector_load %arg17[%swap3A] {strides = array<i32>} : memref<16xf32, #tpu.memory_space<vmem>>, vector<16xf32>,
    %swap3A_1808 = vector.shape_cast %swap3A_1807 : vector<16xf32> to vector<16xf32>
    %swap3A_1809 = vector.shape_cast %mul3A_1806 : vector<16xf32> to vector<16xf32>
    tpu.vector_store %arg17[%swap3A], %swap3A_1809 {strides = array<i32>} : memref<16xf32, #tpu.memory_space<vmem>>, vector<16xf32>,
    %mul3A_1810 = arith.constant 16 : i32
    %mul3A_1811 = arith.muli %mul3A_1810, %arg1 : i32
    "tpu.region"() ({
      %run_scoped3A = tpu.sem_alloc : memref<!tpu.dma_semaphore, #tpu.memory_space<semaphore_mem>>
      %dma_start3A_2542 = tpu.memref_slice %arg24[%mul3A_1811] : memref<256xf32, #tpu.memory_space<vmem_shared>> -> memref<16xf32, #tpu.memory_space<vmem_shared>>
      %dma_start3A_2543 = tpu.memref_slice %arg24[%mul3A_1811] : memref<256xf32, #tpu.memory_space<vmem_shared>> -> memref<16xf32, #tpu.memory_space<vmem_shared>>
      tpu.enqueue_dma source(%arg17 : memref<16xf32, #tpu.memory_space<vmem>>) target(%dma_start3A_2543 : memref<16xf32, #tpu.memory_space<vmem_shared>>) target_semaphore(%run_scoped3A : memref<!tpu.dma_semaphore, #tpu.memory_space<semaphore_mem>>)
      %dma_wait3A_2544 = tpu.memref_slice %arg24[%mul3A_1811] : memref<256xf32, #tpu.memory_space<vmem_shared>> -> memref<16xf32, #tpu.memory_space<vmem_shared>>
      %dma_wait3A_2545 = tpu.memref_slice %arg24[%mul3A_1811] : memref<256xf32, #tpu.memory_space<vmem_shared>> -> memref<16xf32, #tpu.memory_space<vmem_shared>>
      tpu.wait_dma2 semaphore(%run_scoped3A : memref<!tpu.dma_semaphore, #tpu.memory_space<semaphore_mem>>) src(%arg17 : memref<16xf32, #tpu.memory_space<vmem>>) dst(%dma_wait3A_2545 : memref<16xf32, #tpu.memory_space<vmem_shared>>)
      tpu.yield
    }) : () -> ()
    tpu.wait_dma2 semaphore(%arg26 : memref<!tpu.dma_semaphore, #tpu.memory_space<semaphore_mem>>) src(%arg3 : memref<1024xf32, #tpu.memory_space<hbm>>) dst(%arg19 : memref<1024xf32, #tpu.memory_space<vmem>>)
    tpu.wait_dma2 semaphore(%arg26 : memref<!tpu.dma_semaphore, #tpu.memory_space<semaphore_mem>>) src(%arg8 : memref<1024xf32, #tpu.memory_space<hbm>>) dst(%arg20 : memref<1024xf32, #tpu.memory_space<vmem>>)
    %get3A_1812 = arith.constant 0 : index
    %get3A_1813 = tpu.vector_load %arg19[%get3A_1812] {strides = array<i32>} : memref<1024xf32, #tpu.memory_space<vmem>>, vector<16xf32>,
    %get3A_1814 = vector.shape_cast %get3A_1813 : vector<16xf32> to vector<16xf32>
    %get3A_1815 = arith.constant 0 : index
    %get3A_1816 = tpu.vector_load %arg20[%get3A_1815] {strides = array<i32>} : memref<1024xf32, #tpu.memory_space<vmem>>, vector<16xf32>,
    %get3A_1817 = vector.shape_cast %get3A_1816 : vector<16xf32> to vector<16xf32>
    %sub3A_1818 = arith.subf %get3A_1814, %get3A_1817 : vector<16xf32>
    %swap3A_1819 = arith.constant 0 : index
    %swap3A_1820 = tpu.vector_load %arg21[%swap3A_1819] {strides = array<i32>} : memref<1280xf32, #tpu.memory_space<vmem>>, vector<16xf32>,
    %swap3A_1821 = vector.shape_cast %swap3A_1820 : vector<16xf32> to vector<16xf32>
    %swap3A_1822 = vector.shape_cast %sub3A_1818 : vector<16xf32> to vector<16xf32>
    tpu.vector_store %arg21[%swap3A_1819], %swap3A_1822 {strides = array<i32>} : memref<1280xf32, #tpu.memory_space<vmem>>, vector<16xf32>,
    %get3A_1823 = arith.constant 16 : index
    %get3A_1824 = tpu.vector_load %arg19[%get3A_1823] {strides = array<i32>} : memref<1024xf32, #tpu.memory_space<vmem>>, vector<16xf32>,
    %get3A_1825 = vector.shape_cast %get3A_1824 : vector<16xf32> to vector<16xf32>
    %get3A_1826 = arith.constant 16 : index
    %get3A_1827 = tpu.vector_load %arg20[%get3A_1826] {strides = array<i32>} : memref<1024xf32, #tpu.memory_space<vmem>>, vector<16xf32>,
    %get3A_1828 = vector.shape_cast %get3A_1827 : vector<16xf32> to vector<16xf32>
    %sub3A_1829 = arith.subf %get3A_1825, %get3A_1828 : vector<16xf32>
    %swap3A_1830 = arith.constant 16 : index
    %swap3A_1831 = tpu.vector_load %arg21[%swap3A_1830] {strides = array<i32>} : memref<1280xf32, #tpu.memory_space<vmem>>, vector<16xf32>,
    %swap3A_1832 = vector.shape_cast %swap3A_1831 : vector<16xf32> to vector<16xf32>
    %swap3A_1833 = vector.shape_cast %sub3A_1829 : vector<16xf32> to vector<16xf32>
    tpu.vector_store %arg21[%swap3A_1830], %swap3A_1833 {strides = array<i32>} : memref<1280xf32, #tpu.memory_space<vmem>>, vector<16xf32>,
    %get3A_1834 = arith.constant 32 : index
    %get3A_1835 = tpu.vector_load %arg19[%get3A_1834] {strides = array<i32>} : memref<1024xf32, #tpu.memory_space<vmem>>, vector<16xf32>,
    %get3A_1836 = vector.shape_cast %get3A_1835 : vector<16xf32> to vector<16xf32>
    %get3A_1837 = arith.constant 32 : index
    %get3A_1838 = tpu.vector_load %arg20[%get3A_1837] {strides = array<i32>} : memref<1024xf32, #tpu.memory_space<vmem>>, vector<16xf32>,
    %get3A_1839 = vector.shape_cast %get3A_1838 : vector<16xf32> to vector<16xf32>
    %sub3A_1840 = arith.subf %get3A_1836, %get3A_1839 : vector<16xf32>
    %swap3A_1841 = arith.constant 32 : index
    %swap3A_1842 = tpu.vector_load %arg21[%swap3A_1841] {strides = array<i32>} : memref<1280xf32, #tpu.memory_space<vmem>>, vector<16xf32>,
    %swap3A_1843 = vector.shape_cast %swap3A_1842 : vector<16xf32> to vector<16xf32>
    %swap3A_1844 = vector.shape_cast %sub3A_1840 : vector<16xf32> to vector<16xf32>
    tpu.vector_store %arg21[%swap3A_1841], %swap3A_1844 {strides = array<i32>} : memref<1280xf32, #tpu.memory_space<vmem>>, vector<16xf32>,
    %get3A_1845 = arith.constant 48 : index
    %get3A_1846 = tpu.vector_load %arg19[%get3A_1845] {strides = array<i32>} : memref<1024xf32, #tpu.memory_space<vmem>>, vector<16xf32>,
    %get3A_1847 = vector.shape_cast %get3A_1846 : vector<16xf32> to vector<16xf32>
    %get3A_1848 = arith.constant 48 : index
    %get3A_1849 = tpu.vector_load %arg20[%get3A_1848] {strides = array<i32>} : memref<1024xf32, #tpu.memory_space<vmem>>, vector<16xf32>,
    %get3A_1850 = vector.shape_cast %get3A_1849 : vector<16xf32> to vector<16xf32>
    %sub3A_1851 = arith.subf %get3A_1847, %get3A_1850 : vector<16xf32>
    %swap3A_1852 = arith.constant 48 : index
    %swap3A_1853 = tpu.vector_load %arg21[%swap3A_1852] {strides = array<i32>} : memref<1280xf32, #tpu.memory_space<vmem>>, vector<16xf32>,
    %swap3A_1854 = vector.shape_cast %swap3A_1853 : vector<16xf32> to vector<16xf32>
    %swap3A_1855 = vector.shape_cast %sub3A_1851 : vector<16xf32> to vector<16xf32>
    tpu.vector_store %arg21[%swap3A_1852], %swap3A_1855 {strides = array<i32>} : memref<1280xf32, #tpu.memory_space<vmem>>, vector<16xf32>,
    %get3A_1856 = arith.constant 64 : index
    %get3A_1857 = tpu.vector_load %arg19[%get3A_1856] {strides = array<i32>} : memref<1024xf32, #tpu.memory_space<vmem>>, vector<16xf32>,
    %get3A_1858 = vector.shape_cast %get3A_1857 : vector<16xf32> to vector<16xf32>
    %get3A_1859 = arith.constant 64 : index
    %get3A_1860 = tpu.vector_load %arg20[%get3A_1859] {strides = array<i32>} : memref<1024xf32, #tpu.memory_space<vmem>>, vector<16xf32>,
    %get3A_1861 = vector.shape_cast %get3A_1860 : vector<16xf32> to vector<16xf32>
    %sub3A_1862 = arith.subf %get3A_1858, %get3A_1861 : vector<16xf32>
    %swap3A_1863 = arith.constant 64 : index
    %swap3A_1864 = tpu.vector_load %arg21[%swap3A_1863] {strides = array<i32>} : memref<1280xf32, #tpu.memory_space<vmem>>, vector<16xf32>,
    %swap3A_1865 = vector.shape_cast %swap3A_1864 : vector<16xf32> to vector<16xf32>
    %swap3A_1866 = vector.shape_cast %sub3A_1862 : vector<16xf32> to vector<16xf32>
    tpu.vector_store %arg21[%swap3A_1863], %swap3A_1866 {strides = array<i32>} : memref<1280xf32, #tpu.memory_space<vmem>>, vector<16xf32>,
    %get3A_1867 = arith.constant 80 : index
    %get3A_1868 = tpu.vector_load %arg19[%get3A_1867] {strides = array<i32>} : memref<1024xf32, #tpu.memory_space<vmem>>, vector<16xf32>,
    %get3A_1869 = vector.shape_cast %get3A_1868 : vector<16xf32> to vector<16xf32>
    %get3A_1870 = arith.constant 80 : index
    %get3A_1871 = tpu.vector_load %arg20[%get3A_1870] {strides = array<i32>} : memref<1024xf32, #tpu.memory_space<vmem>>, vector<16xf32>,
    %get3A_1872 = vector.shape_cast %get3A_1871 : vector<16xf32> to vector<16xf32>
    %sub3A_1873 = arith.subf %get3A_1869, %get3A_1872 : vector<16xf32>
    %swap3A_1874 = arith.constant 80 : index
    %swap3A_1875 = tpu.vector_load %arg21[%swap3A_1874] {strides = array<i32>} : memref<1280xf32, #tpu.memory_space<vmem>>, vector<16xf32>,
    %swap3A_1876 = vector.shape_cast %swap3A_1875 : vector<16xf32> to vector<16xf32>
    %swap3A_1877 = vector.shape_cast %sub3A_1873 : vector<16xf32> to vector<16xf32>
    tpu.vector_store %arg21[%swap3A_1874], %swap3A_1877 {strides = array<i32>} : memref<1280xf32, #tpu.memory_space<vmem>>, vector<16xf32>,
    %get3A_1878 = arith.constant 96 : index
    %get3A_1879 = tpu.vector_load %arg19[%get3A_1878] {strides = array<i32>} : memref<1024xf32, #tpu.memory_space<vmem>>, vector<16xf32>,
    %get3A_1880 = vector.shape_cast %get3A_1879 : vector<16xf32> to vector<16xf32>
    %get3A_1881 = arith.constant 96 : index
    %get3A_1882 = tpu.vector_load %arg20[%get3A_1881] {strides = array<i32>} : memref<1024xf32, #tpu.memory_space<vmem>>, vector<16xf32>,
    %get3A_1883 = vector.shape_cast %get3A_1882 : vector<16xf32> to vector<16xf32>
    %sub3A_1884 = arith.subf %get3A_1880, %get3A_1883 : vector<16xf32>
    %swap3A_1885 = arith.constant 96 : index
    %swap3A_1886 = tpu.vector_load %arg21[%swap3A_1885] {strides = array<i32>} : memref<1280xf32, #tpu.memory_space<vmem>>, vector<16xf32>,
    %swap3A_1887 = vector.shape_cast %swap3A_1886 : vector<16xf32> to vector<16xf32>
    %swap3A_1888 = vector.shape_cast %sub3A_1884 : vector<16xf32> to vector<16xf32>
    tpu.vector_store %arg21[%swap3A_1885], %swap3A_1888 {strides = array<i32>} : memref<1280xf32, #tpu.memory_space<vmem>>, vector<16xf32>,
    %get3A_1889 = arith.constant 112 : index
    %get3A_1890 = tpu.vector_load %arg19[%get3A_1889] {strides = array<i32>} : memref<1024xf32, #tpu.memory_space<vmem>>, vector<16xf32>,
    %get3A_1891 = vector.shape_cast %get3A_1890 : vector<16xf32> to vector<16xf32>
    %get3A_1892 = arith.constant 112 : index
    %get3A_1893 = tpu.vector_load %arg20[%get3A_1892] {strides = array<i32>} : memref<1024xf32, #tpu.memory_space<vmem>>, vector<16xf32>,
    %get3A_1894 = vector.shape_cast %get3A_1893 : vector<16xf32> to vector<16xf32>
    %sub3A_1895 = arith.subf %get3A_1891, %get3A_1894 : vector<16xf32>
    %swap3A_1896 = arith.constant 112 : index
    %swap3A_1897 = tpu.vector_load %arg21[%swap3A_1896] {strides = array<i32>} : memref<1280xf32, #tpu.memory_space<vmem>>, vector<16xf32>,
    %swap3A_1898 = vector.shape_cast %swap3A_1897 : vector<16xf32> to vector<16xf32>
    %swap3A_1899 = vector.shape_cast %sub3A_1895 : vector<16xf32> to vector<16xf32>
    tpu.vector_store %arg21[%swap3A_1896], %swap3A_1899 {strides = array<i32>} : memref<1280xf32, #tpu.memory_space<vmem>>, vector<16xf32>,
    %get3A_1900 = arith.constant 128 : index
    %get3A_1901 = tpu.vector_load %arg19[%get3A_1900] {strides = array<i32>} : memref<1024xf32, #tpu.memory_space<vmem>>, vector<16xf32>,
    %get3A_1902 = vector.shape_cast %get3A_1901 : vector<16xf32> to vector<16xf32>
    %get3A_1903 = arith.constant 128 : index
    %get3A_1904 = tpu.vector_load %arg20[%get3A_1903] {strides = array<i32>} : memref<1024xf32, #tpu.memory_space<vmem>>, vector<16xf32>,
    %get3A_1905 = vector.shape_cast %get3A_1904 : vector<16xf32> to vector<16xf32>
    %sub3A_1906 = arith.subf %get3A_1902, %get3A_1905 : vector<16xf32>
    %swap3A_1907 = arith.constant 128 : index
    %swap3A_1908 = tpu.vector_load %arg21[%swap3A_1907] {strides = array<i32>} : memref<1280xf32, #tpu.memory_space<vmem>>, vector<16xf32>,
    %swap3A_1909 = vector.shape_cast %swap3A_1908 : vector<16xf32> to vector<16xf32>
    %swap3A_1910 = vector.shape_cast %sub3A_1906 : vector<16xf32> to vector<16xf32>
    tpu.vector_store %arg21[%swap3A_1907], %swap3A_1910 {strides = array<i32>} : memref<1280xf32, #tpu.memory_space<vmem>>, vector<16xf32>,
    %get3A_1911 = arith.constant 144 : index
    %get3A_1912 = tpu.vector_load %arg19[%get3A_1911] {strides = array<i32>} : memref<1024xf32, #tpu.memory_space<vmem>>, vector<16xf32>,
    %get3A_1913 = vector.shape_cast %get3A_1912 : vector<16xf32> to vector<16xf32>
    %get3A_1914 = arith.constant 144 : index
    %get3A_1915 = tpu.vector_load %arg20[%get3A_1914] {strides = array<i32>} : memref<1024xf32, #tpu.memory_space<vmem>>, vector<16xf32>,
    %get3A_1916 = vector.shape_cast %get3A_1915 : vector<16xf32> to vector<16xf32>
    %sub3A_1917 = arith.subf %get3A_1913, %get3A_1916 : vector<16xf32>
    %swap3A_1918 = arith.constant 144 : index
    %swap3A_1919 = tpu.vector_load %arg21[%swap3A_1918] {strides = array<i32>} : memref<1280xf32, #tpu.memory_space<vmem>>, vector<16xf32>,
    %swap3A_1920 = vector.shape_cast %swap3A_1919 : vector<16xf32> to vector<16xf32>
    %swap3A_1921 = vector.shape_cast %sub3A_1917 : vector<16xf32> to vector<16xf32>
    tpu.vector_store %arg21[%swap3A_1918], %swap3A_1921 {strides = array<i32>} : memref<1280xf32, #tpu.memory_space<vmem>>, vector<16xf32>,
    %get3A_1922 = arith.constant 160 : index
    %get3A_1923 = tpu.vector_load %arg19[%get3A_1922] {strides = array<i32>} : memref<1024xf32, #tpu.memory_space<vmem>>, vector<16xf32>,
    %get3A_1924 = vector.shape_cast %get3A_1923 : vector<16xf32> to vector<16xf32>
    %get3A_1925 = arith.constant 160 : index
    %get3A_1926 = tpu.vector_load %arg20[%get3A_1925] {strides = array<i32>} : memref<1024xf32, #tpu.memory_space<vmem>>, vector<16xf32>,
    %get3A_1927 = vector.shape_cast %get3A_1926 : vector<16xf32> to vector<16xf32>
    %sub3A_1928 = arith.subf %get3A_1924, %get3A_1927 : vector<16xf32>
    %swap3A_1929 = arith.constant 160 : index
    %swap3A_1930 = tpu.vector_load %arg21[%swap3A_1929] {strides = array<i32>} : memref<1280xf32, #tpu.memory_space<vmem>>, vector<16xf32>,
    %swap3A_1931 = vector.shape_cast %swap3A_1930 : vector<16xf32> to vector<16xf32>
    %swap3A_1932 = vector.shape_cast %sub3A_1928 : vector<16xf32> to vector<16xf32>
    tpu.vector_store %arg21[%swap3A_1929], %swap3A_1932 {strides = array<i32>} : memref<1280xf32, #tpu.memory_space<vmem>>, vector<16xf32>,
    %get3A_1933 = arith.constant 176 : index
    %get3A_1934 = tpu.vector_load %arg19[%get3A_1933] {strides = array<i32>} : memref<1024xf32, #tpu.memory_space<vmem>>, vector<16xf32>,
    %get3A_1935 = vector.shape_cast %get3A_1934 : vector<16xf32> to vector<16xf32>
    %get3A_1936 = arith.constant 176 : index
    %get3A_1937 = tpu.vector_load %arg20[%get3A_1936] {strides = array<i32>} : memref<1024xf32, #tpu.memory_space<vmem>>, vector<16xf32>,
    %get3A_1938 = vector.shape_cast %get3A_1937 : vector<16xf32> to vector<16xf32>
    %sub3A_1939 = arith.subf %get3A_1935, %get3A_1938 : vector<16xf32>
    %swap3A_1940 = arith.constant 176 : index
    %swap3A_1941 = tpu.vector_load %arg21[%swap3A_1940] {strides = array<i32>} : memref<1280xf32, #tpu.memory_space<vmem>>, vector<16xf32>,
    %swap3A_1942 = vector.shape_cast %swap3A_1941 : vector<16xf32> to vector<16xf32>
    %swap3A_1943 = vector.shape_cast %sub3A_1939 : vector<16xf32> to vector<16xf32>
    tpu.vector_store %arg21[%swap3A_1940], %swap3A_1943 {strides = array<i32>} : memref<1280xf32, #tpu.memory_space<vmem>>, vector<16xf32>,
    %get3A_1944 = arith.constant 192 : index
    %get3A_1945 = tpu.vector_load %arg19[%get3A_1944] {strides = array<i32>} : memref<1024xf32, #tpu.memory_space<vmem>>, vector<16xf32>,
    %get3A_1946 = vector.shape_cast %get3A_1945 : vector<16xf32> to vector<16xf32>
    %get3A_1947 = arith.constant 192 : index
    %get3A_1948 = tpu.vector_load %arg20[%get3A_1947] {strides = array<i32>} : memref<1024xf32, #tpu.memory_space<vmem>>, vector<16xf32>,
    %get3A_1949 = vector.shape_cast %get3A_1948 : vector<16xf32> to vector<16xf32>
    %sub3A_1950 = arith.subf %get3A_1946, %get3A_1949 : vector<16xf32>
    %swap3A_1951 = arith.constant 192 : index
    %swap3A_1952 = tpu.vector_load %arg21[%swap3A_1951] {strides = array<i32>} : memref<1280xf32, #tpu.memory_space<vmem>>, vector<16xf32>,
    %swap3A_1953 = vector.shape_cast %swap3A_1952 : vector<16xf32> to vector<16xf32>
    %swap3A_1954 = vector.shape_cast %sub3A_1950 : vector<16xf32> to vector<16xf32>
    tpu.vector_store %arg21[%swap3A_1951], %swap3A_1954 {strides = array<i32>} : memref<1280xf32, #tpu.memory_space<vmem>>, vector<16xf32>,
    %get3A_1955 = arith.constant 208 : index
    %get3A_1956 = tpu.vector_load %arg19[%get3A_1955] {strides = array<i32>} : memref<1024xf32, #tpu.memory_space<vmem>>, vector<16xf32>,
    %get3A_1957 = vector.shape_cast %get3A_1956 : vector<16xf32> to vector<16xf32>
    %get3A_1958 = arith.constant 208 : index
    %get3A_1959 = tpu.vector_load %arg20[%get3A_1958] {strides = array<i32>} : memref<1024xf32, #tpu.memory_space<vmem>>, vector<16xf32>,
    %get3A_1960 = vector.shape_cast %get3A_1959 : vector<16xf32> to vector<16xf32>
    %sub3A_1961 = arith.subf %get3A_1957, %get3A_1960 : vector<16xf32>
    %swap3A_1962 = arith.constant 208 : index
    %swap3A_1963 = tpu.vector_load %arg21[%swap3A_1962] {strides = array<i32>} : memref<1280xf32, #tpu.memory_space<vmem>>, vector<16xf32>,
    %swap3A_1964 = vector.shape_cast %swap3A_1963 : vector<16xf32> to vector<16xf32>
    %swap3A_1965 = vector.shape_cast %sub3A_1961 : vector<16xf32> to vector<16xf32>
    tpu.vector_store %arg21[%swap3A_1962], %swap3A_1965 {strides = array<i32>} : memref<1280xf32, #tpu.memory_space<vmem>>, vector<16xf32>,
    %get3A_1966 = arith.constant 224 : index
    %get3A_1967 = tpu.vector_load %arg19[%get3A_1966] {strides = array<i32>} : memref<1024xf32, #tpu.memory_space<vmem>>, vector<16xf32>,
    %get3A_1968 = vector.shape_cast %get3A_1967 : vector<16xf32> to vector<16xf32>
    %get3A_1969 = arith.constant 224 : index
    %get3A_1970 = tpu.vector_load %arg20[%get3A_1969] {strides = array<i32>} : memref<1024xf32, #tpu.memory_space<vmem>>, vector<16xf32>,
    %get3A_1971 = vector.shape_cast %get3A_1970 : vector<16xf32> to vector<16xf32>
    %sub3A_1972 = arith.subf %get3A_1968, %get3A_1971 : vector<16xf32>
    %swap3A_1973 = arith.constant 224 : index
    %swap3A_1974 = tpu.vector_load %arg21[%swap3A_1973] {strides = array<i32>} : memref<1280xf32, #tpu.memory_space<vmem>>, vector<16xf32>,
    %swap3A_1975 = vector.shape_cast %swap3A_1974 : vector<16xf32> to vector<16xf32>
    %swap3A_1976 = vector.shape_cast %sub3A_1972 : vector<16xf32> to vector<16xf32>
    tpu.vector_store %arg21[%swap3A_1973], %swap3A_1976 {strides = array<i32>} : memref<1280xf32, #tpu.memory_space<vmem>>, vector<16xf32>,
    %get3A_1977 = arith.constant 240 : index
    %get3A_1978 = tpu.vector_load %arg19[%get3A_1977] {strides = array<i32>} : memref<1024xf32, #tpu.memory_space<vmem>>, vector<16xf32>,
    %get3A_1979 = vector.shape_cast %get3A_1978 : vector<16xf32> to vector<16xf32>
    %get3A_1980 = arith.constant 240 : index
    %get3A_1981 = tpu.vector_load %arg20[%get3A_1980] {strides = array<i32>} : memref<1024xf32, #tpu.memory_space<vmem>>, vector<16xf32>,
    %get3A_1982 = vector.shape_cast %get3A_1981 : vector<16xf32> to vector<16xf32>
    %sub3A_1983 = arith.subf %get3A_1979, %get3A_1982 : vector<16xf32>
    %swap3A_1984 = arith.constant 240 : index
    %swap3A_1985 = tpu.vector_load %arg21[%swap3A_1984] {strides = array<i32>} : memref<1280xf32, #tpu.memory_space<vmem>>, vector<16xf32>,
    %swap3A_1986 = vector.shape_cast %swap3A_1985 : vector<16xf32> to vector<16xf32>
    %swap3A_1987 = vector.shape_cast %sub3A_1983 : vector<16xf32> to vector<16xf32>
    tpu.vector_store %arg21[%swap3A_1984], %swap3A_1987 {strides = array<i32>} : memref<1280xf32, #tpu.memory_space<vmem>>, vector<16xf32>,
    %get3A_1988 = arith.constant 256 : index
    %get3A_1989 = tpu.vector_load %arg19[%get3A_1988] {strides = array<i32>} : memref<1024xf32, #tpu.memory_space<vmem>>, vector<16xf32>,
    %get3A_1990 = vector.shape_cast %get3A_1989 : vector<16xf32> to vector<16xf32>
    %get3A_1991 = arith.constant 256 : index
    %get3A_1992 = tpu.vector_load %arg20[%get3A_1991] {strides = array<i32>} : memref<1024xf32, #tpu.memory_space<vmem>>, vector<16xf32>,
    %get3A_1993 = vector.shape_cast %get3A_1992 : vector<16xf32> to vector<16xf32>
    %sub3A_1994 = arith.subf %get3A_1990, %get3A_1993 : vector<16xf32>
    %swap3A_1995 = arith.constant 256 : index
    %swap3A_1996 = tpu.vector_load %arg21[%swap3A_1995] {strides = array<i32>} : memref<1280xf32, #tpu.memory_space<vmem>>, vector<16xf32>,
    %swap3A_1997 = vector.shape_cast %swap3A_1996 : vector<16xf32> to vector<16xf32>
    %swap3A_1998 = vector.shape_cast %sub3A_1994 : vector<16xf32> to vector<16xf32>
    tpu.vector_store %arg21[%swap3A_1995], %swap3A_1998 {strides = array<i32>} : memref<1280xf32, #tpu.memory_space<vmem>>, vector<16xf32>,
    %get3A_1999 = arith.constant 272 : index
    %get3A_2000 = tpu.vector_load %arg19[%get3A_1999] {strides = array<i32>} : memref<1024xf32, #tpu.memory_space<vmem>>, vector<16xf32>,
    %get3A_2001 = vector.shape_cast %get3A_2000 : vector<16xf32> to vector<16xf32>
    %get3A_2002 = arith.constant 272 : index
    %get3A_2003 = tpu.vector_load %arg20[%get3A_2002] {strides = array<i32>} : memref<1024xf32, #tpu.memory_space<vmem>>, vector<16xf32>,
    %get3A_2004 = vector.shape_cast %get3A_2003 : vector<16xf32> to vector<16xf32>
    %sub3A_2005 = arith.subf %get3A_2001, %get3A_2004 : vector<16xf32>
    %swap3A_2006 = arith.constant 272 : index
    %swap3A_2007 = tpu.vector_load %arg21[%swap3A_2006] {strides = array<i32>} : memref<1280xf32, #tpu.memory_space<vmem>>, vector<16xf32>,
    %swap3A_2008 = vector.shape_cast %swap3A_2007 : vector<16xf32> to vector<16xf32>
    %swap3A_2009 = vector.shape_cast %sub3A_2005 : vector<16xf32> to vector<16xf32>
    tpu.vector_store %arg21[%swap3A_2006], %swap3A_2009 {strides = array<i32>} : memref<1280xf32, #tpu.memory_space<vmem>>, vector<16xf32>,
    %get3A_2010 = arith.constant 288 : index
    %get3A_2011 = tpu.vector_load %arg19[%get3A_2010] {strides = array<i32>} : memref<1024xf32, #tpu.memory_space<vmem>>, vector<16xf32>,
    %get3A_2012 = vector.shape_cast %get3A_2011 : vector<16xf32> to vector<16xf32>
    %get3A_2013 = arith.constant 288 : index
    %get3A_2014 = tpu.vector_load %arg20[%get3A_2013] {strides = array<i32>} : memref<1024xf32, #tpu.memory_space<vmem>>, vector<16xf32>,
    %get3A_2015 = vector.shape_cast %get3A_2014 : vector<16xf32> to vector<16xf32>
    %sub3A_2016 = arith.subf %get3A_2012, %get3A_2015 : vector<16xf32>
    %swap3A_2017 = arith.constant 288 : index
    %swap3A_2018 = tpu.vector_load %arg21[%swap3A_2017] {strides = array<i32>} : memref<1280xf32, #tpu.memory_space<vmem>>, vector<16xf32>,
    %swap3A_2019 = vector.shape_cast %swap3A_2018 : vector<16xf32> to vector<16xf32>
    %swap3A_2020 = vector.shape_cast %sub3A_2016 : vector<16xf32> to vector<16xf32>
    tpu.vector_store %arg21[%swap3A_2017], %swap3A_2020 {strides = array<i32>} : memref<1280xf32, #tpu.memory_space<vmem>>, vector<16xf32>,
    %get3A_2021 = arith.constant 304 : index
    %get3A_2022 = tpu.vector_load %arg19[%get3A_2021] {strides = array<i32>} : memref<1024xf32, #tpu.memory_space<vmem>>, vector<16xf32>,
    %get3A_2023 = vector.shape_cast %get3A_2022 : vector<16xf32> to vector<16xf32>
    %get3A_2024 = arith.constant 304 : index
    %get3A_2025 = tpu.vector_load %arg20[%get3A_2024] {strides = array<i32>} : memref<1024xf32, #tpu.memory_space<vmem>>, vector<16xf32>,
    %get3A_2026 = vector.shape_cast %get3A_2025 : vector<16xf32> to vector<16xf32>
    %sub3A_2027 = arith.subf %get3A_2023, %get3A_2026 : vector<16xf32>
    %swap3A_2028 = arith.constant 304 : index
    %swap3A_2029 = tpu.vector_load %arg21[%swap3A_2028] {strides = array<i32>} : memref<1280xf32, #tpu.memory_space<vmem>>, vector<16xf32>,
    %swap3A_2030 = vector.shape_cast %swap3A_2029 : vector<16xf32> to vector<16xf32>
    %swap3A_2031 = vector.shape_cast %sub3A_2027 : vector<16xf32> to vector<16xf32>
    tpu.vector_store %arg21[%swap3A_2028], %swap3A_2031 {strides = array<i32>} : memref<1280xf32, #tpu.memory_space<vmem>>, vector<16xf32>,
    %get3A_2032 = arith.constant 320 : index
    %get3A_2033 = tpu.vector_load %arg19[%get3A_2032] {strides = array<i32>} : memref<1024xf32, #tpu.memory_space<vmem>>, vector<16xf32>,
    %get3A_2034 = vector.shape_cast %get3A_2033 : vector<16xf32> to vector<16xf32>
    %get3A_2035 = arith.constant 320 : index
    %get3A_2036 = tpu.vector_load %arg20[%get3A_2035] {strides = array<i32>} : memref<1024xf32, #tpu.memory_space<vmem>>, vector<16xf32>,
    %get3A_2037 = vector.shape_cast %get3A_2036 : vector<16xf32> to vector<16xf32>
    %sub3A_2038 = arith.subf %get3A_2034, %get3A_2037 : vector<16xf32>
    %swap3A_2039 = arith.constant 320 : index
    %swap3A_2040 = tpu.vector_load %arg21[%swap3A_2039] {strides = array<i32>} : memref<1280xf32, #tpu.memory_space<vmem>>, vector<16xf32>,
    %swap3A_2041 = vector.shape_cast %swap3A_2040 : vector<16xf32> to vector<16xf32>
    %swap3A_2042 = vector.shape_cast %sub3A_2038 : vector<16xf32> to vector<16xf32>
    tpu.vector_store %arg21[%swap3A_2039], %swap3A_2042 {strides = array<i32>} : memref<1280xf32, #tpu.memory_space<vmem>>, vector<16xf32>,
    %get3A_2043 = arith.constant 336 : index
    %get3A_2044 = tpu.vector_load %arg19[%get3A_2043] {strides = array<i32>} : memref<1024xf32, #tpu.memory_space<vmem>>, vector<16xf32>,
    %get3A_2045 = vector.shape_cast %get3A_2044 : vector<16xf32> to vector<16xf32>
    %get3A_2046 = arith.constant 336 : index
    %get3A_2047 = tpu.vector_load %arg20[%get3A_2046] {strides = array<i32>} : memref<1024xf32, #tpu.memory_space<vmem>>, vector<16xf32>,
    %get3A_2048 = vector.shape_cast %get3A_2047 : vector<16xf32> to vector<16xf32>
    %sub3A_2049 = arith.subf %get3A_2045, %get3A_2048 : vector<16xf32>
    %swap3A_2050 = arith.constant 336 : index
    %swap3A_2051 = tpu.vector_load %arg21[%swap3A_2050] {strides = array<i32>} : memref<1280xf32, #tpu.memory_space<vmem>>, vector<16xf32>,
    %swap3A_2052 = vector.shape_cast %swap3A_2051 : vector<16xf32> to vector<16xf32>
    %swap3A_2053 = vector.shape_cast %sub3A_2049 : vector<16xf32> to vector<16xf32>
    tpu.vector_store %arg21[%swap3A_2050], %swap3A_2053 {strides = array<i32>} : memref<1280xf32, #tpu.memory_space<vmem>>, vector<16xf32>,
    %get3A_2054 = arith.constant 352 : index
    %get3A_2055 = tpu.vector_load %arg19[%get3A_2054] {strides = array<i32>} : memref<1024xf32, #tpu.memory_space<vmem>>, vector<16xf32>,
    %get3A_2056 = vector.shape_cast %get3A_2055 : vector<16xf32> to vector<16xf32>
    %get3A_2057 = arith.constant 352 : index
    %get3A_2058 = tpu.vector_load %arg20[%get3A_2057] {strides = array<i32>} : memref<1024xf32, #tpu.memory_space<vmem>>, vector<16xf32>,
    %get3A_2059 = vector.shape_cast %get3A_2058 : vector<16xf32> to vector<16xf32>
    %sub3A_2060 = arith.subf %get3A_2056, %get3A_2059 : vector<16xf32>
    %swap3A_2061 = arith.constant 352 : index
    %swap3A_2062 = tpu.vector_load %arg21[%swap3A_2061] {strides = array<i32>} : memref<1280xf32, #tpu.memory_space<vmem>>, vector<16xf32>,
    %swap3A_2063 = vector.shape_cast %swap3A_2062 : vector<16xf32> to vector<16xf32>
    %swap3A_2064 = vector.shape_cast %sub3A_2060 : vector<16xf32> to vector<16xf32>
    tpu.vector_store %arg21[%swap3A_2061], %swap3A_2064 {strides = array<i32>} : memref<1280xf32, #tpu.memory_space<vmem>>, vector<16xf32>,
    %get3A_2065 = arith.constant 368 : index
    %get3A_2066 = tpu.vector_load %arg19[%get3A_2065] {strides = array<i32>} : memref<1024xf32, #tpu.memory_space<vmem>>, vector<16xf32>,
    %get3A_2067 = vector.shape_cast %get3A_2066 : vector<16xf32> to vector<16xf32>
    %get3A_2068 = arith.constant 368 : index
    %get3A_2069 = tpu.vector_load %arg20[%get3A_2068] {strides = array<i32>} : memref<1024xf32, #tpu.memory_space<vmem>>, vector<16xf32>,
    %get3A_2070 = vector.shape_cast %get3A_2069 : vector<16xf32> to vector<16xf32>
    %sub3A_2071 = arith.subf %get3A_2067, %get3A_2070 : vector<16xf32>
    %swap3A_2072 = arith.constant 368 : index
    %swap3A_2073 = tpu.vector_load %arg21[%swap3A_2072] {strides = array<i32>} : memref<1280xf32, #tpu.memory_space<vmem>>, vector<16xf32>,
    %swap3A_2074 = vector.shape_cast %swap3A_2073 : vector<16xf32> to vector<16xf32>
    %swap3A_2075 = vector.shape_cast %sub3A_2071 : vector<16xf32> to vector<16xf32>
    tpu.vector_store %arg21[%swap3A_2072], %swap3A_2075 {strides = array<i32>} : memref<1280xf32, #tpu.memory_space<vmem>>, vector<16xf32>,
    %get3A_2076 = arith.constant 384 : index
    %get3A_2077 = tpu.vector_load %arg19[%get3A_2076] {strides = array<i32>} : memref<1024xf32, #tpu.memory_space<vmem>>, vector<16xf32>,
    %get3A_2078 = vector.shape_cast %get3A_2077 : vector<16xf32> to vector<16xf32>
    %get3A_2079 = arith.constant 384 : index
    %get3A_2080 = tpu.vector_load %arg20[%get3A_2079] {strides = array<i32>} : memref<1024xf32, #tpu.memory_space<vmem>>, vector<16xf32>,
    %get3A_2081 = vector.shape_cast %get3A_2080 : vector<16xf32> to vector<16xf32>
    %sub3A_2082 = arith.subf %get3A_2078, %get3A_2081 : vector<16xf32>
    %swap3A_2083 = arith.constant 384 : index
    %swap3A_2084 = tpu.vector_load %arg21[%swap3A_2083] {strides = array<i32>} : memref<1280xf32, #tpu.memory_space<vmem>>, vector<16xf32>,
    %swap3A_2085 = vector.shape_cast %swap3A_2084 : vector<16xf32> to vector<16xf32>
    %swap3A_2086 = vector.shape_cast %sub3A_2082 : vector<16xf32> to vector<16xf32>
    tpu.vector_store %arg21[%swap3A_2083], %swap3A_2086 {strides = array<i32>} : memref<1280xf32, #tpu.memory_space<vmem>>, vector<16xf32>,
    %get3A_2087 = arith.constant 400 : index
    %get3A_2088 = tpu.vector_load %arg19[%get3A_2087] {strides = array<i32>} : memref<1024xf32, #tpu.memory_space<vmem>>, vector<16xf32>,
    %get3A_2089 = vector.shape_cast %get3A_2088 : vector<16xf32> to vector<16xf32>
    %get3A_2090 = arith.constant 400 : index
    %get3A_2091 = tpu.vector_load %arg20[%get3A_2090] {strides = array<i32>} : memref<1024xf32, #tpu.memory_space<vmem>>, vector<16xf32>,
    %get3A_2092 = vector.shape_cast %get3A_2091 : vector<16xf32> to vector<16xf32>
    %sub3A_2093 = arith.subf %get3A_2089, %get3A_2092 : vector<16xf32>
    %swap3A_2094 = arith.constant 400 : index
    %swap3A_2095 = tpu.vector_load %arg21[%swap3A_2094] {strides = array<i32>} : memref<1280xf32, #tpu.memory_space<vmem>>, vector<16xf32>,
    %swap3A_2096 = vector.shape_cast %swap3A_2095 : vector<16xf32> to vector<16xf32>
    %swap3A_2097 = vector.shape_cast %sub3A_2093 : vector<16xf32> to vector<16xf32>
    tpu.vector_store %arg21[%swap3A_2094], %swap3A_2097 {strides = array<i32>} : memref<1280xf32, #tpu.memory_space<vmem>>, vector<16xf32>,
    %get3A_2098 = arith.constant 416 : index
    %get3A_2099 = tpu.vector_load %arg19[%get3A_2098] {strides = array<i32>} : memref<1024xf32, #tpu.memory_space<vmem>>, vector<16xf32>,
    %get3A_2100 = vector.shape_cast %get3A_2099 : vector<16xf32> to vector<16xf32>
    %get3A_2101 = arith.constant 416 : index
    %get3A_2102 = tpu.vector_load %arg20[%get3A_2101] {strides = array<i32>} : memref<1024xf32, #tpu.memory_space<vmem>>, vector<16xf32>,
    %get3A_2103 = vector.shape_cast %get3A_2102 : vector<16xf32> to vector<16xf32>
    %sub3A_2104 = arith.subf %get3A_2100, %get3A_2103 : vector<16xf32>
    %swap3A_2105 = arith.constant 416 : index
    %swap3A_2106 = tpu.vector_load %arg21[%swap3A_2105] {strides = array<i32>} : memref<1280xf32, #tpu.memory_space<vmem>>, vector<16xf32>,
    %swap3A_2107 = vector.shape_cast %swap3A_2106 : vector<16xf32> to vector<16xf32>
    %swap3A_2108 = vector.shape_cast %sub3A_2104 : vector<16xf32> to vector<16xf32>
    tpu.vector_store %arg21[%swap3A_2105], %swap3A_2108 {strides = array<i32>} : memref<1280xf32, #tpu.memory_space<vmem>>, vector<16xf32>,
    %get3A_2109 = arith.constant 432 : index
    %get3A_2110 = tpu.vector_load %arg19[%get3A_2109] {strides = array<i32>} : memref<1024xf32, #tpu.memory_space<vmem>>, vector<16xf32>,
    %get3A_2111 = vector.shape_cast %get3A_2110 : vector<16xf32> to vector<16xf32>
    %get3A_2112 = arith.constant 432 : index
    %get3A_2113 = tpu.vector_load %arg20[%get3A_2112] {strides = array<i32>} : memref<1024xf32, #tpu.memory_space<vmem>>, vector<16xf32>,
    %get3A_2114 = vector.shape_cast %get3A_2113 : vector<16xf32> to vector<16xf32>
    %sub3A_2115 = arith.subf %get3A_2111, %get3A_2114 : vector<16xf32>
    %swap3A_2116 = arith.constant 432 : index
    %swap3A_2117 = tpu.vector_load %arg21[%swap3A_2116] {strides = array<i32>} : memref<1280xf32, #tpu.memory_space<vmem>>, vector<16xf32>,
    %swap3A_2118 = vector.shape_cast %swap3A_2117 : vector<16xf32> to vector<16xf32>
    %swap3A_2119 = vector.shape_cast %sub3A_2115 : vector<16xf32> to vector<16xf32>
    tpu.vector_store %arg21[%swap3A_2116], %swap3A_2119 {strides = array<i32>} : memref<1280xf32, #tpu.memory_space<vmem>>, vector<16xf32>,
    %get3A_2120 = arith.constant 448 : index
    %get3A_2121 = tpu.vector_load %arg19[%get3A_2120] {strides = array<i32>} : memref<1024xf32, #tpu.memory_space<vmem>>, vector<16xf32>,
    %get3A_2122 = vector.shape_cast %get3A_2121 : vector<16xf32> to vector<16xf32>
    %get3A_2123 = arith.constant 448 : index
    %get3A_2124 = tpu.vector_load %arg20[%get3A_2123] {strides = array<i32>} : memref<1024xf32, #tpu.memory_space<vmem>>, vector<16xf32>,
    %get3A_2125 = vector.shape_cast %get3A_2124 : vector<16xf32> to vector<16xf32>
    %sub3A_2126 = arith.subf %get3A_2122, %get3A_2125 : vector<16xf32>
    %swap3A_2127 = arith.constant 448 : index
    %swap3A_2128 = tpu.vector_load %arg21[%swap3A_2127] {strides = array<i32>} : memref<1280xf32, #tpu.memory_space<vmem>>, vector<16xf32>,
    %swap3A_2129 = vector.shape_cast %swap3A_2128 : vector<16xf32> to vector<16xf32>
    %swap3A_2130 = vector.shape_cast %sub3A_2126 : vector<16xf32> to vector<16xf32>
    tpu.vector_store %arg21[%swap3A_2127], %swap3A_2130 {strides = array<i32>} : memref<1280xf32, #tpu.memory_space<vmem>>, vector<16xf32>,
    %get3A_2131 = arith.constant 464 : index
    %get3A_2132 = tpu.vector_load %arg19[%get3A_2131] {strides = array<i32>} : memref<1024xf32, #tpu.memory_space<vmem>>, vector<16xf32>,
    %get3A_2133 = vector.shape_cast %get3A_2132 : vector<16xf32> to vector<16xf32>
    %get3A_2134 = arith.constant 464 : index
    %get3A_2135 = tpu.vector_load %arg20[%get3A_2134] {strides = array<i32>} : memref<1024xf32, #tpu.memory_space<vmem>>, vector<16xf32>,
    %get3A_2136 = vector.shape_cast %get3A_2135 : vector<16xf32> to vector<16xf32>
    %sub3A_2137 = arith.subf %get3A_2133, %get3A_2136 : vector<16xf32>
    %swap3A_2138 = arith.constant 464 : index
    %swap3A_2139 = tpu.vector_load %arg21[%swap3A_2138] {strides = array<i32>} : memref<1280xf32, #tpu.memory_space<vmem>>, vector<16xf32>,
    %swap3A_2140 = vector.shape_cast %swap3A_2139 : vector<16xf32> to vector<16xf32>
    %swap3A_2141 = vector.shape_cast %sub3A_2137 : vector<16xf32> to vector<16xf32>
    tpu.vector_store %arg21[%swap3A_2138], %swap3A_2141 {strides = array<i32>} : memref<1280xf32, #tpu.memory_space<vmem>>, vector<16xf32>,
    %get3A_2142 = arith.constant 480 : index
    %get3A_2143 = tpu.vector_load %arg19[%get3A_2142] {strides = array<i32>} : memref<1024xf32, #tpu.memory_space<vmem>>, vector<16xf32>,
    %get3A_2144 = vector.shape_cast %get3A_2143 : vector<16xf32> to vector<16xf32>
    %get3A_2145 = arith.constant 480 : index
    %get3A_2146 = tpu.vector_load %arg20[%get3A_2145] {strides = array<i32>} : memref<1024xf32, #tpu.memory_space<vmem>>, vector<16xf32>,
    %get3A_2147 = vector.shape_cast %get3A_2146 : vector<16xf32> to vector<16xf32>
    %sub3A_2148 = arith.subf %get3A_2144, %get3A_2147 : vector<16xf32>
    %swap3A_2149 = arith.constant 480 : index
    %swap3A_2150 = tpu.vector_load %arg21[%swap3A_2149] {strides = array<i32>} : memref<1280xf32, #tpu.memory_space<vmem>>, vector<16xf32>,
    %swap3A_2151 = vector.shape_cast %swap3A_2150 : vector<16xf32> to vector<16xf32>
    %swap3A_2152 = vector.shape_cast %sub3A_2148 : vector<16xf32> to vector<16xf32>
    tpu.vector_store %arg21[%swap3A_2149], %swap3A_2152 {strides = array<i32>} : memref<1280xf32, #tpu.memory_space<vmem>>, vector<16xf32>,
    %get3A_2153 = arith.constant 496 : index
    %get3A_2154 = tpu.vector_load %arg19[%get3A_2153] {strides = array<i32>} : memref<1024xf32, #tpu.memory_space<vmem>>, vector<16xf32>,
    %get3A_2155 = vector.shape_cast %get3A_2154 : vector<16xf32> to vector<16xf32>
    %get3A_2156 = arith.constant 496 : index
    %get3A_2157 = tpu.vector_load %arg20[%get3A_2156] {strides = array<i32>} : memref<1024xf32, #tpu.memory_space<vmem>>, vector<16xf32>,
    %get3A_2158 = vector.shape_cast %get3A_2157 : vector<16xf32> to vector<16xf32>
    %sub3A_2159 = arith.subf %get3A_2155, %get3A_2158 : vector<16xf32>
    %swap3A_2160 = arith.constant 496 : index
    %swap3A_2161 = tpu.vector_load %arg21[%swap3A_2160] {strides = array<i32>} : memref<1280xf32, #tpu.memory_space<vmem>>, vector<16xf32>,
    %swap3A_2162 = vector.shape_cast %swap3A_2161 : vector<16xf32> to vector<16xf32>
    %swap3A_2163 = vector.shape_cast %sub3A_2159 : vector<16xf32> to vector<16xf32>
    tpu.vector_store %arg21[%swap3A_2160], %swap3A_2163 {strides = array<i32>} : memref<1280xf32, #tpu.memory_space<vmem>>, vector<16xf32>,
    %get3A_2164 = arith.constant 512 : index
    %get3A_2165 = tpu.vector_load %arg19[%get3A_2164] {strides = array<i32>} : memref<1024xf32, #tpu.memory_space<vmem>>, vector<16xf32>,
    %get3A_2166 = vector.shape_cast %get3A_2165 : vector<16xf32> to vector<16xf32>
    %get3A_2167 = arith.constant 512 : index
    %get3A_2168 = tpu.vector_load %arg20[%get3A_2167] {strides = array<i32>} : memref<1024xf32, #tpu.memory_space<vmem>>, vector<16xf32>,
    %get3A_2169 = vector.shape_cast %get3A_2168 : vector<16xf32> to vector<16xf32>
    %sub3A_2170 = arith.subf %get3A_2166, %get3A_2169 : vector<16xf32>
    %swap3A_2171 = arith.constant 512 : index
    %swap3A_2172 = tpu.vector_load %arg21[%swap3A_2171] {strides = array<i32>} : memref<1280xf32, #tpu.memory_space<vmem>>, vector<16xf32>,
    %swap3A_2173 = vector.shape_cast %swap3A_2172 : vector<16xf32> to vector<16xf32>
    %swap3A_2174 = vector.shape_cast %sub3A_2170 : vector<16xf32> to vector<16xf32>
    tpu.vector_store %arg21[%swap3A_2171], %swap3A_2174 {strides = array<i32>} : memref<1280xf32, #tpu.memory_space<vmem>>, vector<16xf32>,
    %get3A_2175 = arith.constant 528 : index
    %get3A_2176 = tpu.vector_load %arg19[%get3A_2175] {strides = array<i32>} : memref<1024xf32, #tpu.memory_space<vmem>>, vector<16xf32>,
    %get3A_2177 = vector.shape_cast %get3A_2176 : vector<16xf32> to vector<16xf32>
    %get3A_2178 = arith.constant 528 : index
    %get3A_2179 = tpu.vector_load %arg20[%get3A_2178] {strides = array<i32>} : memref<1024xf32, #tpu.memory_space<vmem>>, vector<16xf32>,
    %get3A_2180 = vector.shape_cast %get3A_2179 : vector<16xf32> to vector<16xf32>
    %sub3A_2181 = arith.subf %get3A_2177, %get3A_2180 : vector<16xf32>
    %swap3A_2182 = arith.constant 528 : index
    %swap3A_2183 = tpu.vector_load %arg21[%swap3A_2182] {strides = array<i32>} : memref<1280xf32, #tpu.memory_space<vmem>>, vector<16xf32>,
    %swap3A_2184 = vector.shape_cast %swap3A_2183 : vector<16xf32> to vector<16xf32>
    %swap3A_2185 = vector.shape_cast %sub3A_2181 : vector<16xf32> to vector<16xf32>
    tpu.vector_store %arg21[%swap3A_2182], %swap3A_2185 {strides = array<i32>} : memref<1280xf32, #tpu.memory_space<vmem>>, vector<16xf32>,
    %get3A_2186 = arith.constant 544 : index
    %get3A_2187 = tpu.vector_load %arg19[%get3A_2186] {strides = array<i32>} : memref<1024xf32, #tpu.memory_space<vmem>>, vector<16xf32>,
    %get3A_2188 = vector.shape_cast %get3A_2187 : vector<16xf32> to vector<16xf32>
    %get3A_2189 = arith.constant 544 : index
    %get3A_2190 = tpu.vector_load %arg20[%get3A_2189] {strides = array<i32>} : memref<1024xf32, #tpu.memory_space<vmem>>, vector<16xf32>,
    %get3A_2191 = vector.shape_cast %get3A_2190 : vector<16xf32> to vector<16xf32>
    %sub3A_2192 = arith.subf %get3A_2188, %get3A_2191 : vector<16xf32>
    %swap3A_2193 = arith.constant 544 : index
    %swap3A_2194 = tpu.vector_load %arg21[%swap3A_2193] {strides = array<i32>} : memref<1280xf32, #tpu.memory_space<vmem>>, vector<16xf32>,
    %swap3A_2195 = vector.shape_cast %swap3A_2194 : vector<16xf32> to vector<16xf32>
    %swap3A_2196 = vector.shape_cast %sub3A_2192 : vector<16xf32> to vector<16xf32>
    tpu.vector_store %arg21[%swap3A_2193], %swap3A_2196 {strides = array<i32>} : memref<1280xf32, #tpu.memory_space<vmem>>, vector<16xf32>,
    %get3A_2197 = arith.constant 560 : index
    %get3A_2198 = tpu.vector_load %arg19[%get3A_2197] {strides = array<i32>} : memref<1024xf32, #tpu.memory_space<vmem>>, vector<16xf32>,
    %get3A_2199 = vector.shape_cast %get3A_2198 : vector<16xf32> to vector<16xf32>
    %get3A_2200 = arith.constant 560 : index
    %get3A_2201 = tpu.vector_load %arg20[%get3A_2200] {strides = array<i32>} : memref<1024xf32, #tpu.memory_space<vmem>>, vector<16xf32>,
    %get3A_2202 = vector.shape_cast %get3A_2201 : vector<16xf32> to vector<16xf32>
    %sub3A_2203 = arith.subf %get3A_2199, %get3A_2202 : vector<16xf32>
    %swap3A_2204 = arith.constant 560 : index
    %swap3A_2205 = tpu.vector_load %arg21[%swap3A_2204] {strides = array<i32>} : memref<1280xf32, #tpu.memory_space<vmem>>, vector<16xf32>,
    %swap3A_2206 = vector.shape_cast %swap3A_2205 : vector<16xf32> to vector<16xf32>
    %swap3A_2207 = vector.shape_cast %sub3A_2203 : vector<16xf32> to vector<16xf32>
    tpu.vector_store %arg21[%swap3A_2204], %swap3A_2207 {strides = array<i32>} : memref<1280xf32, #tpu.memory_space<vmem>>, vector<16xf32>,
    %get3A_2208 = arith.constant 576 : index
    %get3A_2209 = tpu.vector_load %arg19[%get3A_2208] {strides = array<i32>} : memref<1024xf32, #tpu.memory_space<vmem>>, vector<16xf32>,
    %get3A_2210 = vector.shape_cast %get3A_2209 : vector<16xf32> to vector<16xf32>
    %get3A_2211 = arith.constant 576 : index
    %get3A_2212 = tpu.vector_load %arg20[%get3A_2211] {strides = array<i32>} : memref<1024xf32, #tpu.memory_space<vmem>>, vector<16xf32>,
    %get3A_2213 = vector.shape_cast %get3A_2212 : vector<16xf32> to vector<16xf32>
    %sub3A_2214 = arith.subf %get3A_2210, %get3A_2213 : vector<16xf32>
    %swap3A_2215 = arith.constant 576 : index
    %swap3A_2216 = tpu.vector_load %arg21[%swap3A_2215] {strides = array<i32>} : memref<1280xf32, #tpu.memory_space<vmem>>, vector<16xf32>,
    %swap3A_2217 = vector.shape_cast %swap3A_2216 : vector<16xf32> to vector<16xf32>
    %swap3A_2218 = vector.shape_cast %sub3A_2214 : vector<16xf32> to vector<16xf32>
    tpu.vector_store %arg21[%swap3A_2215], %swap3A_2218 {strides = array<i32>} : memref<1280xf32, #tpu.memory_space<vmem>>, vector<16xf32>,
    %get3A_2219 = arith.constant 592 : index
    %get3A_2220 = tpu.vector_load %arg19[%get3A_2219] {strides = array<i32>} : memref<1024xf32, #tpu.memory_space<vmem>>, vector<16xf32>,
    %get3A_2221 = vector.shape_cast %get3A_2220 : vector<16xf32> to vector<16xf32>
    %get3A_2222 = arith.constant 592 : index
    %get3A_2223 = tpu.vector_load %arg20[%get3A_2222] {strides = array<i32>} : memref<1024xf32, #tpu.memory_space<vmem>>, vector<16xf32>,
    %get3A_2224 = vector.shape_cast %get3A_2223 : vector<16xf32> to vector<16xf32>
    %sub3A_2225 = arith.subf %get3A_2221, %get3A_2224 : vector<16xf32>
    %swap3A_2226 = arith.constant 592 : index
    %swap3A_2227 = tpu.vector_load %arg21[%swap3A_2226] {strides = array<i32>} : memref<1280xf32, #tpu.memory_space<vmem>>, vector<16xf32>,
    %swap3A_2228 = vector.shape_cast %swap3A_2227 : vector<16xf32> to vector<16xf32>
    %swap3A_2229 = vector.shape_cast %sub3A_2225 : vector<16xf32> to vector<16xf32>
    tpu.vector_store %arg21[%swap3A_2226], %swap3A_2229 {strides = array<i32>} : memref<1280xf32, #tpu.memory_space<vmem>>, vector<16xf32>,
    %get3A_2230 = arith.constant 608 : index
    %get3A_2231 = tpu.vector_load %arg19[%get3A_2230] {strides = array<i32>} : memref<1024xf32, #tpu.memory_space<vmem>>, vector<16xf32>,
    %get3A_2232 = vector.shape_cast %get3A_2231 : vector<16xf32> to vector<16xf32>
    %get3A_2233 = arith.constant 608 : index
    %get3A_2234 = tpu.vector_load %arg20[%get3A_2233] {strides = array<i32>} : memref<1024xf32, #tpu.memory_space<vmem>>, vector<16xf32>,
    %get3A_2235 = vector.shape_cast %get3A_2234 : vector<16xf32> to vector<16xf32>
    %sub3A_2236 = arith.subf %get3A_2232, %get3A_2235 : vector<16xf32>
    %swap3A_2237 = arith.constant 608 : index
    %swap3A_2238 = tpu.vector_load %arg21[%swap3A_2237] {strides = array<i32>} : memref<1280xf32, #tpu.memory_space<vmem>>, vector<16xf32>,
    %swap3A_2239 = vector.shape_cast %swap3A_2238 : vector<16xf32> to vector<16xf32>
    %swap3A_2240 = vector.shape_cast %sub3A_2236 : vector<16xf32> to vector<16xf32>
    tpu.vector_store %arg21[%swap3A_2237], %swap3A_2240 {strides = array<i32>} : memref<1280xf32, #tpu.memory_space<vmem>>, vector<16xf32>,
    %get3A_2241 = arith.constant 624 : index
    %get3A_2242 = tpu.vector_load %arg19[%get3A_2241] {strides = array<i32>} : memref<1024xf32, #tpu.memory_space<vmem>>, vector<16xf32>,
    %get3A_2243 = vector.shape_cast %get3A_2242 : vector<16xf32> to vector<16xf32>
    %get3A_2244 = arith.constant 624 : index
    %get3A_2245 = tpu.vector_load %arg20[%get3A_2244] {strides = array<i32>} : memref<1024xf32, #tpu.memory_space<vmem>>, vector<16xf32>,
    %get3A_2246 = vector.shape_cast %get3A_2245 : vector<16xf32> to vector<16xf32>
    %sub3A_2247 = arith.subf %get3A_2243, %get3A_2246 : vector<16xf32>
    %swap3A_2248 = arith.constant 624 : index
    %swap3A_2249 = tpu.vector_load %arg21[%swap3A_2248] {strides = array<i32>} : memref<1280xf32, #tpu.memory_space<vmem>>, vector<16xf32>,
    %swap3A_2250 = vector.shape_cast %swap3A_2249 : vector<16xf32> to vector<16xf32>
    %swap3A_2251 = vector.shape_cast %sub3A_2247 : vector<16xf32> to vector<16xf32>
    tpu.vector_store %arg21[%swap3A_2248], %swap3A_2251 {strides = array<i32>} : memref<1280xf32, #tpu.memory_space<vmem>>, vector<16xf32>,
    %get3A_2252 = arith.constant 640 : index
    %get3A_2253 = tpu.vector_load %arg19[%get3A_2252] {strides = array<i32>} : memref<1024xf32, #tpu.memory_space<vmem>>, vector<16xf32>,
    %get3A_2254 = vector.shape_cast %get3A_2253 : vector<16xf32> to vector<16xf32>
    %get3A_2255 = arith.constant 640 : index
    %get3A_2256 = tpu.vector_load %arg20[%get3A_2255] {strides = array<i32>} : memref<1024xf32, #tpu.memory_space<vmem>>, vector<16xf32>,
    %get3A_2257 = vector.shape_cast %get3A_2256 : vector<16xf32> to vector<16xf32>
    %sub3A_2258 = arith.subf %get3A_2254, %get3A_2257 : vector<16xf32>
    %swap3A_2259 = arith.constant 640 : index
    %swap3A_2260 = tpu.vector_load %arg21[%swap3A_2259] {strides = array<i32>} : memref<1280xf32, #tpu.memory_space<vmem>>, vector<16xf32>,
    %swap3A_2261 = vector.shape_cast %swap3A_2260 : vector<16xf32> to vector<16xf32>
    %swap3A_2262 = vector.shape_cast %sub3A_2258 : vector<16xf32> to vector<16xf32>
    tpu.vector_store %arg21[%swap3A_2259], %swap3A_2262 {strides = array<i32>} : memref<1280xf32, #tpu.memory_space<vmem>>, vector<16xf32>,
    %get3A_2263 = arith.constant 656 : index
    %get3A_2264 = tpu.vector_load %arg19[%get3A_2263] {strides = array<i32>} : memref<1024xf32, #tpu.memory_space<vmem>>, vector<16xf32>,
    %get3A_2265 = vector.shape_cast %get3A_2264 : vector<16xf32> to vector<16xf32>
    %get3A_2266 = arith.constant 656 : index
    %get3A_2267 = tpu.vector_load %arg20[%get3A_2266] {strides = array<i32>} : memref<1024xf32, #tpu.memory_space<vmem>>, vector<16xf32>,
    %get3A_2268 = vector.shape_cast %get3A_2267 : vector<16xf32> to vector<16xf32>
    %sub3A_2269 = arith.subf %get3A_2265, %get3A_2268 : vector<16xf32>
    %swap3A_2270 = arith.constant 656 : index
    %swap3A_2271 = tpu.vector_load %arg21[%swap3A_2270] {strides = array<i32>} : memref<1280xf32, #tpu.memory_space<vmem>>, vector<16xf32>,
    %swap3A_2272 = vector.shape_cast %swap3A_2271 : vector<16xf32> to vector<16xf32>
    %swap3A_2273 = vector.shape_cast %sub3A_2269 : vector<16xf32> to vector<16xf32>
    tpu.vector_store %arg21[%swap3A_2270], %swap3A_2273 {strides = array<i32>} : memref<1280xf32, #tpu.memory_space<vmem>>, vector<16xf32>,
    %get3A_2274 = arith.constant 672 : index
    %get3A_2275 = tpu.vector_load %arg19[%get3A_2274] {strides = array<i32>} : memref<1024xf32, #tpu.memory_space<vmem>>, vector<16xf32>,
    %get3A_2276 = vector.shape_cast %get3A_2275 : vector<16xf32> to vector<16xf32>
    %get3A_2277 = arith.constant 672 : index
    %get3A_2278 = tpu.vector_load %arg20[%get3A_2277] {strides = array<i32>} : memref<1024xf32, #tpu.memory_space<vmem>>, vector<16xf32>,
    %get3A_2279 = vector.shape_cast %get3A_2278 : vector<16xf32> to vector<16xf32>
    %sub3A_2280 = arith.subf %get3A_2276, %get3A_2279 : vector<16xf32>
    %swap3A_2281 = arith.constant 672 : index
    %swap3A_2282 = tpu.vector_load %arg21[%swap3A_2281] {strides = array<i32>} : memref<1280xf32, #tpu.memory_space<vmem>>, vector<16xf32>,
    %swap3A_2283 = vector.shape_cast %swap3A_2282 : vector<16xf32> to vector<16xf32>
    %swap3A_2284 = vector.shape_cast %sub3A_2280 : vector<16xf32> to vector<16xf32>
    tpu.vector_store %arg21[%swap3A_2281], %swap3A_2284 {strides = array<i32>} : memref<1280xf32, #tpu.memory_space<vmem>>, vector<16xf32>,
    %get3A_2285 = arith.constant 688 : index
    %get3A_2286 = tpu.vector_load %arg19[%get3A_2285] {strides = array<i32>} : memref<1024xf32, #tpu.memory_space<vmem>>, vector<16xf32>,
    %get3A_2287 = vector.shape_cast %get3A_2286 : vector<16xf32> to vector<16xf32>
    %get3A_2288 = arith.constant 688 : index
    %get3A_2289 = tpu.vector_load %arg20[%get3A_2288] {strides = array<i32>} : memref<1024xf32, #tpu.memory_space<vmem>>, vector<16xf32>,
    %get3A_2290 = vector.shape_cast %get3A_2289 : vector<16xf32> to vector<16xf32>
    %sub3A_2291 = arith.subf %get3A_2287, %get3A_2290 : vector<16xf32>
    %swap3A_2292 = arith.constant 688 : index
    %swap3A_2293 = tpu.vector_load %arg21[%swap3A_2292] {strides = array<i32>} : memref<1280xf32, #tpu.memory_space<vmem>>, vector<16xf32>,
    %swap3A_2294 = vector.shape_cast %swap3A_2293 : vector<16xf32> to vector<16xf32>
    %swap3A_2295 = vector.shape_cast %sub3A_2291 : vector<16xf32> to vector<16xf32>
    tpu.vector_store %arg21[%swap3A_2292], %swap3A_2295 {strides = array<i32>} : memref<1280xf32, #tpu.memory_space<vmem>>, vector<16xf32>,
    %get3A_2296 = arith.constant 704 : index
    %get3A_2297 = tpu.vector_load %arg19[%get3A_2296] {strides = array<i32>} : memref<1024xf32, #tpu.memory_space<vmem>>, vector<16xf32>,
    %get3A_2298 = vector.shape_cast %get3A_2297 : vector<16xf32> to vector<16xf32>
    %get3A_2299 = arith.constant 704 : index
    %get3A_2300 = tpu.vector_load %arg20[%get3A_2299] {strides = array<i32>} : memref<1024xf32, #tpu.memory_space<vmem>>, vector<16xf32>,
    %get3A_2301 = vector.shape_cast %get3A_2300 : vector<16xf32> to vector<16xf32>
    %sub3A_2302 = arith.subf %get3A_2298, %get3A_2301 : vector<16xf32>
    %swap3A_2303 = arith.constant 704 : index
    %swap3A_2304 = tpu.vector_load %arg21[%swap3A_2303] {strides = array<i32>} : memref<1280xf32, #tpu.memory_space<vmem>>, vector<16xf32>,
    %swap3A_2305 = vector.shape_cast %swap3A_2304 : vector<16xf32> to vector<16xf32>
    %swap3A_2306 = vector.shape_cast %sub3A_2302 : vector<16xf32> to vector<16xf32>
    tpu.vector_store %arg21[%swap3A_2303], %swap3A_2306 {strides = array<i32>} : memref<1280xf32, #tpu.memory_space<vmem>>, vector<16xf32>,
    %get3A_2307 = arith.constant 720 : index
    %get3A_2308 = tpu.vector_load %arg19[%get3A_2307] {strides = array<i32>} : memref<1024xf32, #tpu.memory_space<vmem>>, vector<16xf32>,
    %get3A_2309 = vector.shape_cast %get3A_2308 : vector<16xf32> to vector<16xf32>
    %get3A_2310 = arith.constant 720 : index
    %get3A_2311 = tpu.vector_load %arg20[%get3A_2310] {strides = array<i32>} : memref<1024xf32, #tpu.memory_space<vmem>>, vector<16xf32>,
    %get3A_2312 = vector.shape_cast %get3A_2311 : vector<16xf32> to vector<16xf32>
    %sub3A_2313 = arith.subf %get3A_2309, %get3A_2312 : vector<16xf32>
    %swap3A_2314 = arith.constant 720 : index
    %swap3A_2315 = tpu.vector_load %arg21[%swap3A_2314] {strides = array<i32>} : memref<1280xf32, #tpu.memory_space<vmem>>, vector<16xf32>,
    %swap3A_2316 = vector.shape_cast %swap3A_2315 : vector<16xf32> to vector<16xf32>
    %swap3A_2317 = vector.shape_cast %sub3A_2313 : vector<16xf32> to vector<16xf32>
    tpu.vector_store %arg21[%swap3A_2314], %swap3A_2317 {strides = array<i32>} : memref<1280xf32, #tpu.memory_space<vmem>>, vector<16xf32>,
    %get3A_2318 = arith.constant 736 : index
    %get3A_2319 = tpu.vector_load %arg19[%get3A_2318] {strides = array<i32>} : memref<1024xf32, #tpu.memory_space<vmem>>, vector<16xf32>,
    %get3A_2320 = vector.shape_cast %get3A_2319 : vector<16xf32> to vector<16xf32>
    %get3A_2321 = arith.constant 736 : index
    %get3A_2322 = tpu.vector_load %arg20[%get3A_2321] {strides = array<i32>} : memref<1024xf32, #tpu.memory_space<vmem>>, vector<16xf32>,
    %get3A_2323 = vector.shape_cast %get3A_2322 : vector<16xf32> to vector<16xf32>
    %sub3A_2324 = arith.subf %get3A_2320, %get3A_2323 : vector<16xf32>
    %swap3A_2325 = arith.constant 736 : index
    %swap3A_2326 = tpu.vector_load %arg21[%swap3A_2325] {strides = array<i32>} : memref<1280xf32, #tpu.memory_space<vmem>>, vector<16xf32>,
    %swap3A_2327 = vector.shape_cast %swap3A_2326 : vector<16xf32> to vector<16xf32>
    %swap3A_2328 = vector.shape_cast %sub3A_2324 : vector<16xf32> to vector<16xf32>
    tpu.vector_store %arg21[%swap3A_2325], %swap3A_2328 {strides = array<i32>} : memref<1280xf32, #tpu.memory_space<vmem>>, vector<16xf32>,
    %get3A_2329 = arith.constant 752 : index
    %get3A_2330 = tpu.vector_load %arg19[%get3A_2329] {strides = array<i32>} : memref<1024xf32, #tpu.memory_space<vmem>>, vector<16xf32>,
    %get3A_2331 = vector.shape_cast %get3A_2330 : vector<16xf32> to vector<16xf32>
    %get3A_2332 = arith.constant 752 : index
    %get3A_2333 = tpu.vector_load %arg20[%get3A_2332] {strides = array<i32>} : memref<1024xf32, #tpu.memory_space<vmem>>, vector<16xf32>,
    %get3A_2334 = vector.shape_cast %get3A_2333 : vector<16xf32> to vector<16xf32>
    %sub3A_2335 = arith.subf %get3A_2331, %get3A_2334 : vector<16xf32>
    %swap3A_2336 = arith.constant 752 : index
    %swap3A_2337 = tpu.vector_load %arg21[%swap3A_2336] {strides = array<i32>} : memref<1280xf32, #tpu.memory_space<vmem>>, vector<16xf32>,
    %swap3A_2338 = vector.shape_cast %swap3A_2337 : vector<16xf32> to vector<16xf32>
    %swap3A_2339 = vector.shape_cast %sub3A_2335 : vector<16xf32> to vector<16xf32>
    tpu.vector_store %arg21[%swap3A_2336], %swap3A_2339 {strides = array<i32>} : memref<1280xf32, #tpu.memory_space<vmem>>, vector<16xf32>,
    %get3A_2340 = arith.constant 768 : index
    %get3A_2341 = tpu.vector_load %arg19[%get3A_2340] {strides = array<i32>} : memref<1024xf32, #tpu.memory_space<vmem>>, vector<16xf32>,
    %get3A_2342 = vector.shape_cast %get3A_2341 : vector<16xf32> to vector<16xf32>
    %get3A_2343 = arith.constant 768 : index
    %get3A_2344 = tpu.vector_load %arg20[%get3A_2343] {strides = array<i32>} : memref<1024xf32, #tpu.memory_space<vmem>>, vector<16xf32>,
    %get3A_2345 = vector.shape_cast %get3A_2344 : vector<16xf32> to vector<16xf32>
    %sub3A_2346 = arith.subf %get3A_2342, %get3A_2345 : vector<16xf32>
    %swap3A_2347 = arith.constant 768 : index
    %swap3A_2348 = tpu.vector_load %arg21[%swap3A_2347] {strides = array<i32>} : memref<1280xf32, #tpu.memory_space<vmem>>, vector<16xf32>,
    %swap3A_2349 = vector.shape_cast %swap3A_2348 : vector<16xf32> to vector<16xf32>
    %swap3A_2350 = vector.shape_cast %sub3A_2346 : vector<16xf32> to vector<16xf32>
    tpu.vector_store %arg21[%swap3A_2347], %swap3A_2350 {strides = array<i32>} : memref<1280xf32, #tpu.memory_space<vmem>>, vector<16xf32>,
    %get3A_2351 = arith.constant 784 : index
    %get3A_2352 = tpu.vector_load %arg19[%get3A_2351] {strides = array<i32>} : memref<1024xf32, #tpu.memory_space<vmem>>, vector<16xf32>,
    %get3A_2353 = vector.shape_cast %get3A_2352 : vector<16xf32> to vector<16xf32>
    %get3A_2354 = arith.constant 784 : index
    %get3A_2355 = tpu.vector_load %arg20[%get3A_2354] {strides = array<i32>} : memref<1024xf32, #tpu.memory_space<vmem>>, vector<16xf32>,
    %get3A_2356 = vector.shape_cast %get3A_2355 : vector<16xf32> to vector<16xf32>
    %sub3A_2357 = arith.subf %get3A_2353, %get3A_2356 : vector<16xf32>
    %swap3A_2358 = arith.constant 784 : index
    %swap3A_2359 = tpu.vector_load %arg21[%swap3A_2358] {strides = array<i32>} : memref<1280xf32, #tpu.memory_space<vmem>>, vector<16xf32>,
    %swap3A_2360 = vector.shape_cast %swap3A_2359 : vector<16xf32> to vector<16xf32>
    %swap3A_2361 = vector.shape_cast %sub3A_2357 : vector<16xf32> to vector<16xf32>
    tpu.vector_store %arg21[%swap3A_2358], %swap3A_2361 {strides = array<i32>} : memref<1280xf32, #tpu.memory_space<vmem>>, vector<16xf32>,
    %get3A_2362 = arith.constant 800 : index
    %get3A_2363 = tpu.vector_load %arg19[%get3A_2362] {strides = array<i32>} : memref<1024xf32, #tpu.memory_space<vmem>>, vector<16xf32>,
    %get3A_2364 = vector.shape_cast %get3A_2363 : vector<16xf32> to vector<16xf32>
    %get3A_2365 = arith.constant 800 : index
    %get3A_2366 = tpu.vector_load %arg20[%get3A_2365] {strides = array<i32>} : memref<1024xf32, #tpu.memory_space<vmem>>, vector<16xf32>,
    %get3A_2367 = vector.shape_cast %get3A_2366 : vector<16xf32> to vector<16xf32>
    %sub3A_2368 = arith.subf %get3A_2364, %get3A_2367 : vector<16xf32>
    %swap3A_2369 = arith.constant 800 : index
    %swap3A_2370 = tpu.vector_load %arg21[%swap3A_2369] {strides = array<i32>} : memref<1280xf32, #tpu.memory_space<vmem>>, vector<16xf32>,
    %swap3A_2371 = vector.shape_cast %swap3A_2370 : vector<16xf32> to vector<16xf32>
    %swap3A_2372 = vector.shape_cast %sub3A_2368 : vector<16xf32> to vector<16xf32>
    tpu.vector_store %arg21[%swap3A_2369], %swap3A_2372 {strides = array<i32>} : memref<1280xf32, #tpu.memory_space<vmem>>, vector<16xf32>,
    %get3A_2373 = arith.constant 816 : index
    %get3A_2374 = tpu.vector_load %arg19[%get3A_2373] {strides = array<i32>} : memref<1024xf32, #tpu.memory_space<vmem>>, vector<16xf32>,
    %get3A_2375 = vector.shape_cast %get3A_2374 : vector<16xf32> to vector<16xf32>
    %get3A_2376 = arith.constant 816 : index
    %get3A_2377 = tpu.vector_load %arg20[%get3A_2376] {strides = array<i32>} : memref<1024xf32, #tpu.memory_space<vmem>>, vector<16xf32>,
    %get3A_2378 = vector.shape_cast %get3A_2377 : vector<16xf32> to vector<16xf32>
    %sub3A_2379 = arith.subf %get3A_2375, %get3A_2378 : vector<16xf32>
    %swap3A_2380 = arith.constant 816 : index
    %swap3A_2381 = tpu.vector_load %arg21[%swap3A_2380] {strides = array<i32>} : memref<1280xf32, #tpu.memory_space<vmem>>, vector<16xf32>,
    %swap3A_2382 = vector.shape_cast %swap3A_2381 : vector<16xf32> to vector<16xf32>
    %swap3A_2383 = vector.shape_cast %sub3A_2379 : vector<16xf32> to vector<16xf32>
    tpu.vector_store %arg21[%swap3A_2380], %swap3A_2383 {strides = array<i32>} : memref<1280xf32, #tpu.memory_space<vmem>>, vector<16xf32>,
    %get3A_2384 = arith.constant 832 : index
    %get3A_2385 = tpu.vector_load %arg19[%get3A_2384] {strides = array<i32>} : memref<1024xf32, #tpu.memory_space<vmem>>, vector<16xf32>,
    %get3A_2386 = vector.shape_cast %get3A_2385 : vector<16xf32> to vector<16xf32>
    %get3A_2387 = arith.constant 832 : index
    %get3A_2388 = tpu.vector_load %arg20[%get3A_2387] {strides = array<i32>} : memref<1024xf32, #tpu.memory_space<vmem>>, vector<16xf32>,
    %get3A_2389 = vector.shape_cast %get3A_2388 : vector<16xf32> to vector<16xf32>
    %sub3A_2390 = arith.subf %get3A_2386, %get3A_2389 : vector<16xf32>
    %swap3A_2391 = arith.constant 832 : index
    %swap3A_2392 = tpu.vector_load %arg21[%swap3A_2391] {strides = array<i32>} : memref<1280xf32, #tpu.memory_space<vmem>>, vector<16xf32>,
    %swap3A_2393 = vector.shape_cast %swap3A_2392 : vector<16xf32> to vector<16xf32>
    %swap3A_2394 = vector.shape_cast %sub3A_2390 : vector<16xf32> to vector<16xf32>
    tpu.vector_store %arg21[%swap3A_2391], %swap3A_2394 {strides = array<i32>} : memref<1280xf32, #tpu.memory_space<vmem>>, vector<16xf32>,
    %get3A_2395 = arith.constant 848 : index
    %get3A_2396 = tpu.vector_load %arg19[%get3A_2395] {strides = array<i32>} : memref<1024xf32, #tpu.memory_space<vmem>>, vector<16xf32>,
    %get3A_2397 = vector.shape_cast %get3A_2396 : vector<16xf32> to vector<16xf32>
    %get3A_2398 = arith.constant 848 : index
    %get3A_2399 = tpu.vector_load %arg20[%get3A_2398] {strides = array<i32>} : memref<1024xf32, #tpu.memory_space<vmem>>, vector<16xf32>,
    %get3A_2400 = vector.shape_cast %get3A_2399 : vector<16xf32> to vector<16xf32>
    %sub3A_2401 = arith.subf %get3A_2397, %get3A_2400 : vector<16xf32>
    %swap3A_2402 = arith.constant 848 : index
    %swap3A_2403 = tpu.vector_load %arg21[%swap3A_2402] {strides = array<i32>} : memref<1280xf32, #tpu.memory_space<vmem>>, vector<16xf32>,
    %swap3A_2404 = vector.shape_cast %swap3A_2403 : vector<16xf32> to vector<16xf32>
    %swap3A_2405 = vector.shape_cast %sub3A_2401 : vector<16xf32> to vector<16xf32>
    tpu.vector_store %arg21[%swap3A_2402], %swap3A_2405 {strides = array<i32>} : memref<1280xf32, #tpu.memory_space<vmem>>, vector<16xf32>,
    %get3A_2406 = arith.constant 864 : index
    %get3A_2407 = tpu.vector_load %arg19[%get3A_2406] {strides = array<i32>} : memref<1024xf32, #tpu.memory_space<vmem>>, vector<16xf32>,
    %get3A_2408 = vector.shape_cast %get3A_2407 : vector<16xf32> to vector<16xf32>
    %get3A_2409 = arith.constant 864 : index
    %get3A_2410 = tpu.vector_load %arg20[%get3A_2409] {strides = array<i32>} : memref<1024xf32, #tpu.memory_space<vmem>>, vector<16xf32>,
    %get3A_2411 = vector.shape_cast %get3A_2410 : vector<16xf32> to vector<16xf32>
    %sub3A_2412 = arith.subf %get3A_2408, %get3A_2411 : vector<16xf32>
    %swap3A_2413 = arith.constant 864 : index
    %swap3A_2414 = tpu.vector_load %arg21[%swap3A_2413] {strides = array<i32>} : memref<1280xf32, #tpu.memory_space<vmem>>, vector<16xf32>,
    %swap3A_2415 = vector.shape_cast %swap3A_2414 : vector<16xf32> to vector<16xf32>
    %swap3A_2416 = vector.shape_cast %sub3A_2412 : vector<16xf32> to vector<16xf32>
    tpu.vector_store %arg21[%swap3A_2413], %swap3A_2416 {strides = array<i32>} : memref<1280xf32, #tpu.memory_space<vmem>>, vector<16xf32>,
    %get3A_2417 = arith.constant 880 : index
    %get3A_2418 = tpu.vector_load %arg19[%get3A_2417] {strides = array<i32>} : memref<1024xf32, #tpu.memory_space<vmem>>, vector<16xf32>,
    %get3A_2419 = vector.shape_cast %get3A_2418 : vector<16xf32> to vector<16xf32>
    %get3A_2420 = arith.constant 880 : index
    %get3A_2421 = tpu.vector_load %arg20[%get3A_2420] {strides = array<i32>} : memref<1024xf32, #tpu.memory_space<vmem>>, vector<16xf32>,
    %get3A_2422 = vector.shape_cast %get3A_2421 : vector<16xf32> to vector<16xf32>
    %sub3A_2423 = arith.subf %get3A_2419, %get3A_2422 : vector<16xf32>
    %swap3A_2424 = arith.constant 880 : index
    %swap3A_2425 = tpu.vector_load %arg21[%swap3A_2424] {strides = array<i32>} : memref<1280xf32, #tpu.memory_space<vmem>>, vector<16xf32>,
    %swap3A_2426 = vector.shape_cast %swap3A_2425 : vector<16xf32> to vector<16xf32>
    %swap3A_2427 = vector.shape_cast %sub3A_2423 : vector<16xf32> to vector<16xf32>
    tpu.vector_store %arg21[%swap3A_2424], %swap3A_2427 {strides = array<i32>} : memref<1280xf32, #tpu.memory_space<vmem>>, vector<16xf32>,
    %get3A_2428 = arith.constant 896 : index
    %get3A_2429 = tpu.vector_load %arg19[%get3A_2428] {strides = array<i32>} : memref<1024xf32, #tpu.memory_space<vmem>>, vector<16xf32>,
    %get3A_2430 = vector.shape_cast %get3A_2429 : vector<16xf32> to vector<16xf32>
    %get3A_2431 = arith.constant 896 : index
    %get3A_2432 = tpu.vector_load %arg20[%get3A_2431] {strides = array<i32>} : memref<1024xf32, #tpu.memory_space<vmem>>, vector<16xf32>,
    %get3A_2433 = vector.shape_cast %get3A_2432 : vector<16xf32> to vector<16xf32>
    %sub3A_2434 = arith.subf %get3A_2430, %get3A_2433 : vector<16xf32>
    %swap3A_2435 = arith.constant 896 : index
    %swap3A_2436 = tpu.vector_load %arg21[%swap3A_2435] {strides = array<i32>} : memref<1280xf32, #tpu.memory_space<vmem>>, vector<16xf32>,
    %swap3A_2437 = vector.shape_cast %swap3A_2436 : vector<16xf32> to vector<16xf32>
    %swap3A_2438 = vector.shape_cast %sub3A_2434 : vector<16xf32> to vector<16xf32>
    tpu.vector_store %arg21[%swap3A_2435], %swap3A_2438 {strides = array<i32>} : memref<1280xf32, #tpu.memory_space<vmem>>, vector<16xf32>,
    %get3A_2439 = arith.constant 912 : index
    %get3A_2440 = tpu.vector_load %arg19[%get3A_2439] {strides = array<i32>} : memref<1024xf32, #tpu.memory_space<vmem>>, vector<16xf32>,
    %get3A_2441 = vector.shape_cast %get3A_2440 : vector<16xf32> to vector<16xf32>
    %get3A_2442 = arith.constant 912 : index
    %get3A_2443 = tpu.vector_load %arg20[%get3A_2442] {strides = array<i32>} : memref<1024xf32, #tpu.memory_space<vmem>>, vector<16xf32>,
    %get3A_2444 = vector.shape_cast %get3A_2443 : vector<16xf32> to vector<16xf32>
    %sub3A_2445 = arith.subf %get3A_2441, %get3A_2444 : vector<16xf32>
    %swap3A_2446 = arith.constant 912 : index
    %swap3A_2447 = tpu.vector_load %arg21[%swap3A_2446] {strides = array<i32>} : memref<1280xf32, #tpu.memory_space<vmem>>, vector<16xf32>,
    %swap3A_2448 = vector.shape_cast %swap3A_2447 : vector<16xf32> to vector<16xf32>
    %swap3A_2449 = vector.shape_cast %sub3A_2445 : vector<16xf32> to vector<16xf32>
    tpu.vector_store %arg21[%swap3A_2446], %swap3A_2449 {strides = array<i32>} : memref<1280xf32, #tpu.memory_space<vmem>>, vector<16xf32>,
    %get3A_2450 = arith.constant 928 : index
    %get3A_2451 = tpu.vector_load %arg19[%get3A_2450] {strides = array<i32>} : memref<1024xf32, #tpu.memory_space<vmem>>, vector<16xf32>,
    %get3A_2452 = vector.shape_cast %get3A_2451 : vector<16xf32> to vector<16xf32>
    %get3A_2453 = arith.constant 928 : index
    %get3A_2454 = tpu.vector_load %arg20[%get3A_2453] {strides = array<i32>} : memref<1024xf32, #tpu.memory_space<vmem>>, vector<16xf32>,
    %get3A_2455 = vector.shape_cast %get3A_2454 : vector<16xf32> to vector<16xf32>
    %sub3A_2456 = arith.subf %get3A_2452, %get3A_2455 : vector<16xf32>
    %swap3A_2457 = arith.constant 928 : index
    %swap3A_2458 = tpu.vector_load %arg21[%swap3A_2457] {strides = array<i32>} : memref<1280xf32, #tpu.memory_space<vmem>>, vector<16xf32>,
    %swap3A_2459 = vector.shape_cast %swap3A_2458 : vector<16xf32> to vector<16xf32>
    %swap3A_2460 = vector.shape_cast %sub3A_2456 : vector<16xf32> to vector<16xf32>
    tpu.vector_store %arg21[%swap3A_2457], %swap3A_2460 {strides = array<i32>} : memref<1280xf32, #tpu.memory_space<vmem>>, vector<16xf32>,
    %get3A_2461 = arith.constant 944 : index
    %get3A_2462 = tpu.vector_load %arg19[%get3A_2461] {strides = array<i32>} : memref<1024xf32, #tpu.memory_space<vmem>>, vector<16xf32>,
    %get3A_2463 = vector.shape_cast %get3A_2462 : vector<16xf32> to vector<16xf32>
    %get3A_2464 = arith.constant 944 : index
    %get3A_2465 = tpu.vector_load %arg20[%get3A_2464] {strides = array<i32>} : memref<1024xf32, #tpu.memory_space<vmem>>, vector<16xf32>,
    %get3A_2466 = vector.shape_cast %get3A_2465 : vector<16xf32> to vector<16xf32>
    %sub3A_2467 = arith.subf %get3A_2463, %get3A_2466 : vector<16xf32>
    %swap3A_2468 = arith.constant 944 : index
    %swap3A_2469 = tpu.vector_load %arg21[%swap3A_2468] {strides = array<i32>} : memref<1280xf32, #tpu.memory_space<vmem>>, vector<16xf32>,
    %swap3A_2470 = vector.shape_cast %swap3A_2469 : vector<16xf32> to vector<16xf32>
    %swap3A_2471 = vector.shape_cast %sub3A_2467 : vector<16xf32> to vector<16xf32>
    tpu.vector_store %arg21[%swap3A_2468], %swap3A_2471 {strides = array<i32>} : memref<1280xf32, #tpu.memory_space<vmem>>, vector<16xf32>,
    %get3A_2472 = arith.constant 960 : index
    %get3A_2473 = tpu.vector_load %arg19[%get3A_2472] {strides = array<i32>} : memref<1024xf32, #tpu.memory_space<vmem>>, vector<16xf32>,
    %get3A_2474 = vector.shape_cast %get3A_2473 : vector<16xf32> to vector<16xf32>
    %get3A_2475 = arith.constant 960 : index
    %get3A_2476 = tpu.vector_load %arg20[%get3A_2475] {strides = array<i32>} : memref<1024xf32, #tpu.memory_space<vmem>>, vector<16xf32>,
    %get3A_2477 = vector.shape_cast %get3A_2476 : vector<16xf32> to vector<16xf32>
    %sub3A_2478 = arith.subf %get3A_2474, %get3A_2477 : vector<16xf32>
    %swap3A_2479 = arith.constant 960 : index
    %swap3A_2480 = tpu.vector_load %arg21[%swap3A_2479] {strides = array<i32>} : memref<1280xf32, #tpu.memory_space<vmem>>, vector<16xf32>,
    %swap3A_2481 = vector.shape_cast %swap3A_2480 : vector<16xf32> to vector<16xf32>
    %swap3A_2482 = vector.shape_cast %sub3A_2478 : vector<16xf32> to vector<16xf32>
    tpu.vector_store %arg21[%swap3A_2479], %swap3A_2482 {strides = array<i32>} : memref<1280xf32, #tpu.memory_space<vmem>>, vector<16xf32>,
    %get3A_2483 = arith.constant 976 : index
    %get3A_2484 = tpu.vector_load %arg19[%get3A_2483] {strides = array<i32>} : memref<1024xf32, #tpu.memory_space<vmem>>, vector<16xf32>,
    %get3A_2485 = vector.shape_cast %get3A_2484 : vector<16xf32> to vector<16xf32>
    %get3A_2486 = arith.constant 976 : index
    %get3A_2487 = tpu.vector_load %arg20[%get3A_2486] {strides = array<i32>} : memref<1024xf32, #tpu.memory_space<vmem>>, vector<16xf32>,
    %get3A_2488 = vector.shape_cast %get3A_2487 : vector<16xf32> to vector<16xf32>
    %sub3A_2489 = arith.subf %get3A_2485, %get3A_2488 : vector<16xf32>
    %swap3A_2490 = arith.constant 976 : index
    %swap3A_2491 = tpu.vector_load %arg21[%swap3A_2490] {strides = array<i32>} : memref<1280xf32, #tpu.memory_space<vmem>>, vector<16xf32>,
    %swap3A_2492 = vector.shape_cast %swap3A_2491 : vector<16xf32> to vector<16xf32>
    %swap3A_2493 = vector.shape_cast %sub3A_2489 : vector<16xf32> to vector<16xf32>
    tpu.vector_store %arg21[%swap3A_2490], %swap3A_2493 {strides = array<i32>} : memref<1280xf32, #tpu.memory_space<vmem>>, vector<16xf32>,
    %get3A_2494 = arith.constant 992 : index
    %get3A_2495 = tpu.vector_load %arg19[%get3A_2494] {strides = array<i32>} : memref<1024xf32, #tpu.memory_space<vmem>>, vector<16xf32>,
    %get3A_2496 = vector.shape_cast %get3A_2495 : vector<16xf32> to vector<16xf32>
    %get3A_2497 = arith.constant 992 : index
    %get3A_2498 = tpu.vector_load %arg20[%get3A_2497] {strides = array<i32>} : memref<1024xf32, #tpu.memory_space<vmem>>, vector<16xf32>,
    %get3A_2499 = vector.shape_cast %get3A_2498 : vector<16xf32> to vector<16xf32>
    %sub3A_2500 = arith.subf %get3A_2496, %get3A_2499 : vector<16xf32>
    %swap3A_2501 = arith.constant 992 : index
    %swap3A_2502 = tpu.vector_load %arg21[%swap3A_2501] {strides = array<i32>} : memref<1280xf32, #tpu.memory_space<vmem>>, vector<16xf32>,
    %swap3A_2503 = vector.shape_cast %swap3A_2502 : vector<16xf32> to vector<16xf32>
    %swap3A_2504 = vector.shape_cast %sub3A_2500 : vector<16xf32> to vector<16xf32>
    tpu.vector_store %arg21[%swap3A_2501], %swap3A_2504 {strides = array<i32>} : memref<1280xf32, #tpu.memory_space<vmem>>, vector<16xf32>,
    %get3A_2505 = arith.constant 1008 : index
    %get3A_2506 = tpu.vector_load %arg19[%get3A_2505] {strides = array<i32>} : memref<1024xf32, #tpu.memory_space<vmem>>, vector<16xf32>,
    %get3A_2507 = vector.shape_cast %get3A_2506 : vector<16xf32> to vector<16xf32>
    %get3A_2508 = arith.constant 1008 : index
    %get3A_2509 = tpu.vector_load %arg20[%get3A_2508] {strides = array<i32>} : memref<1024xf32, #tpu.memory_space<vmem>>, vector<16xf32>,
    %get3A_2510 = vector.shape_cast %get3A_2509 : vector<16xf32> to vector<16xf32>
    %sub3A_2511 = arith.subf %get3A_2507, %get3A_2510 : vector<16xf32>
    %swap3A_2512 = arith.constant 1008 : index
    %swap3A_2513 = tpu.vector_load %arg21[%swap3A_2512] {strides = array<i32>} : memref<1280xf32, #tpu.memory_space<vmem>>, vector<16xf32>,
    %swap3A_2514 = vector.shape_cast %swap3A_2513 : vector<16xf32> to vector<16xf32>
    %swap3A_2515 = vector.shape_cast %sub3A_2511 : vector<16xf32> to vector<16xf32>
    tpu.vector_store %arg21[%swap3A_2512], %swap3A_2515 {strides = array<i32>} : memref<1280xf32, #tpu.memory_space<vmem>>, vector<16xf32>,
    %barrier3A = arith.constant 0 : index
    tpu.barrier barrier_id(%barrier3A)
    "tpu.region"() ({
      %run_scoped3A = tpu.sem_alloc : memref<!tpu.dma_semaphore, #tpu.memory_space<semaphore_mem>>
      %dma_start3A_2542 = arith.constant 1024 : i32
      %dma_start3A_2543 = tpu.memref_slice %arg21[%dma_start3A_2542] : memref<1280xf32, #tpu.memory_space<vmem>> -> memref<256xf32, #tpu.memory_space<vmem>>
      %dma_start3A_2544 = arith.constant 1024 : i32
      %dma_start3A_2545 = tpu.memref_slice %arg21[%dma_start3A_2544] : memref<1280xf32, #tpu.memory_space<vmem>> -> memref<256xf32, #tpu.memory_space<vmem>>
      tpu.enqueue_dma source(%arg24 : memref<256xf32, #tpu.memory_space<vmem_shared>>) target(%dma_start3A_2545 : memref<256xf32, #tpu.memory_space<vmem>>) target_semaphore(%run_scoped3A : memref<!tpu.dma_semaphore, #tpu.memory_space<semaphore_mem>>)
      %dma_wait3A_2546 = arith.constant 1024 : i32
      %dma_wait3A_2547 = tpu.memref_slice %arg21[%dma_wait3A_2546] : memref<1280xf32, #tpu.memory_space<vmem>> -> memref<256xf32, #tpu.memory_space<vmem>>
      %dma_wait3A_2548 = arith.constant 1024 : i32
      %dma_wait3A_2549 = tpu.memref_slice %arg21[%dma_wait3A_2548] : memref<1280xf32, #tpu.memory_space<vmem>> -> memref<256xf32, #tpu.memory_space<vmem>>
      tpu.wait_dma2 semaphore(%run_scoped3A : memref<!tpu.dma_semaphore, #tpu.memory_space<semaphore_mem>>) src(%arg24 : memref<256xf32, #tpu.memory_space<vmem_shared>>) dst(%dma_wait3A_2549 : memref<256xf32, #tpu.memory_space<vmem>>)
      tpu.yield
    }) : () -> ()
    %dma_wait3A_2516 = arith.constant 0 : i32
    %dma_wait3A_2517 = tpu.memref_slice %arg9[%dma_wait3A_2516, %mul3A_19] : memref<1280x256xf32, #tpu.memory_space<hbm>> -> memref<1280x16xf32, #tpu.memory_space<hbm>>
    %dma_wait3A_2518 = arith.constant 0 : i32
    %dma_wait3A_2519 = tpu.memref_slice %arg9[%dma_wait3A_2518, %mul3A_19] : memref<1280x256xf32, #tpu.memory_space<hbm>> -> memref<1280x16xf32, #tpu.memory_space<hbm>>
    tpu.wait_dma2 semaphore(%arg26 : memref<!tpu.dma_semaphore, #tpu.memory_space<semaphore_mem>>) src(%dma_wait3A_2519 : memref<1280x16xf32, #tpu.memory_space<hbm>>) dst(%arg22 : memref<1280x16xf32, #tpu.memory_space<vmem>>)
    %broadcast_in_dim3A_2520 = arith.constant 0.000000e+00 : f32
    %broadcast_in_dim3A_2521 = vector.broadcast %broadcast_in_dim3A_2520 : f32 to vector<16xf32>
    %scan3A = arith.constant 0 : i32
    %scan3A_2522 = arith.constant 80 : i32
    %scan3A_2523 = arith.addi %scan3A, %scan3A_2522 : i32
    %scan3A_2524 = arith.constant 1 : i32
    %scan3A_2525 = scf.for %scan3A_2542 = %scan3A to %scan3A_2523 step %scan3A_2524 iter_args(%scan3A_2543 = %broadcast_in_dim3A_2521) -> (vector<16xf32>)  : i32 {
      %mul3A_2544 = arith.constant 16 : i32
      %mul3A_2545 = arith.muli %mul3A_2544, %scan3A_2542 : i32
      %get3A_2546 = arith.index_cast %mul3A_2545 : i32 to index
      %get3A_2547 = tpu.vector_load %arg21[%get3A_2546] {strides = array<i32>} : memref<1280xf32, #tpu.memory_space<vmem>>, vector<16xf32>,
      %get3A_2548 = vector.shape_cast %get3A_2547 : vector<16xf32> to vector<16xf32>
      %broadcast_in_dim3A_2549 = arith.constant 0 : i32
      %broadcast_in_dim3A_2550 = vector.broadcast %broadcast_in_dim3A_2549 : i32 to vector<16x1xi32>
      %gather3A = vector.shape_cast %broadcast_in_dim3A_2550 : vector<16x1xi32> to vector<16xi32>
      %gather3A_2551 = tpu.dynamic_gather %get3A_2548[%gather3A] in [0] : vector<16xf32>, vector<16xi32> -> vector<16xf32>
      %mul3A_2552 = arith.constant 16 : i32
      %mul3A_2553 = arith.muli %mul3A_2552, %scan3A_2542 : i32
      %add3A_2554 = arith.constant 0 : i32
      %add3A_2555 = arith.addi %mul3A_2553, %add3A_2554 : i32
      %get3A_2556 = arith.index_cast %add3A_2555 : i32 to index
      %get3A_2557 = arith.constant 0 : index
      %get3A_2558 = tpu.vector_load %arg22[%get3A_2556, %get3A_2557] {strides = array<i32>} : memref<1280x16xf32, #tpu.memory_space<vmem>>, vector<1x16xf32>,
      %get3A_2559 = vector.shape_cast %get3A_2558 : vector<1x16xf32> to vector<16xf32>
      %mul3A_2560 = arith.mulf %gather3A_2551, %get3A_2559 : vector<16xf32>
      %add3A_2561 = arith.addf %scan3A_2543, %mul3A_2560 : vector<16xf32>
      %broadcast_in_dim3A_2562 = arith.constant 1 : i32
      %broadcast_in_dim3A_2563 = vector.broadcast %broadcast_in_dim3A_2562 : i32 to vector<16x1xi32>
      %gather3A_2564 = vector.shape_cast %broadcast_in_dim3A_2563 : vector<16x1xi32> to vector<16xi32>
      %gather3A_2565 = tpu.dynamic_gather %get3A_2548[%gather3A_2564] in [0] : vector<16xf32>, vector<16xi32> -> vector<16xf32>
      %mul3A_2566 = arith.constant 16 : i32
      %mul3A_2567 = arith.muli %mul3A_2566, %scan3A_2542 : i32
      %add3A_2568 = arith.constant 1 : i32
      %add3A_2569 = arith.addi %mul3A_2567, %add3A_2568 : i32
      %get3A_2570 = arith.index_cast %add3A_2569 : i32 to index
      %get3A_2571 = arith.constant 0 : index
      %get3A_2572 = tpu.vector_load %arg22[%get3A_2570, %get3A_2571] {strides = array<i32>} : memref<1280x16xf32, #tpu.memory_space<vmem>>, vector<1x16xf32>,
      %get3A_2573 = vector.shape_cast %get3A_2572 : vector<1x16xf32> to vector<16xf32>
      %mul3A_2574 = arith.mulf %gather3A_2565, %get3A_2573 : vector<16xf32>
      %add3A_2575 = arith.addf %add3A_2561, %mul3A_2574 : vector<16xf32>
      %broadcast_in_dim3A_2576 = arith.constant 2 : i32
      %broadcast_in_dim3A_2577 = vector.broadcast %broadcast_in_dim3A_2576 : i32 to vector<16x1xi32>
      %gather3A_2578 = vector.shape_cast %broadcast_in_dim3A_2577 : vector<16x1xi32> to vector<16xi32>
      %gather3A_2579 = tpu.dynamic_gather %get3A_2548[%gather3A_2578] in [0] : vector<16xf32>, vector<16xi32> -> vector<16xf32>
      %mul3A_2580 = arith.constant 16 : i32
      %mul3A_2581 = arith.muli %mul3A_2580, %scan3A_2542 : i32
      %add3A_2582 = arith.constant 2 : i32
      %add3A_2583 = arith.addi %mul3A_2581, %add3A_2582 : i32
      %get3A_2584 = arith.index_cast %add3A_2583 : i32 to index
      %get3A_2585 = arith.constant 0 : index
      %get3A_2586 = tpu.vector_load %arg22[%get3A_2584, %get3A_2585] {strides = array<i32>} : memref<1280x16xf32, #tpu.memory_space<vmem>>, vector<1x16xf32>,
      %get3A_2587 = vector.shape_cast %get3A_2586 : vector<1x16xf32> to vector<16xf32>
      %mul3A_2588 = arith.mulf %gather3A_2579, %get3A_2587 : vector<16xf32>
      %add3A_2589 = arith.addf %add3A_2575, %mul3A_2588 : vector<16xf32>
      %broadcast_in_dim3A_2590 = arith.constant 3 : i32
      %broadcast_in_dim3A_2591 = vector.broadcast %broadcast_in_dim3A_2590 : i32 to vector<16x1xi32>
      %gather3A_2592 = vector.shape_cast %broadcast_in_dim3A_2591 : vector<16x1xi32> to vector<16xi32>
      %gather3A_2593 = tpu.dynamic_gather %get3A_2548[%gather3A_2592] in [0] : vector<16xf32>, vector<16xi32> -> vector<16xf32>
      %mul3A_2594 = arith.constant 16 : i32
      %mul3A_2595 = arith.muli %mul3A_2594, %scan3A_2542 : i32
      %add3A_2596 = arith.constant 3 : i32
      %add3A_2597 = arith.addi %mul3A_2595, %add3A_2596 : i32
      %get3A_2598 = arith.index_cast %add3A_2597 : i32 to index
      %get3A_2599 = arith.constant 0 : index
      %get3A_2600 = tpu.vector_load %arg22[%get3A_2598, %get3A_2599] {strides = array<i32>} : memref<1280x16xf32, #tpu.memory_space<vmem>>, vector<1x16xf32>,
      %get3A_2601 = vector.shape_cast %get3A_2600 : vector<1x16xf32> to vector<16xf32>
      %mul3A_2602 = arith.mulf %gather3A_2593, %get3A_2601 : vector<16xf32>
      %add3A_2603 = arith.addf %add3A_2589, %mul3A_2602 : vector<16xf32>
      %broadcast_in_dim3A_2604 = arith.constant 4 : i32
      %broadcast_in_dim3A_2605 = vector.broadcast %broadcast_in_dim3A_2604 : i32 to vector<16x1xi32>
      %gather3A_2606 = vector.shape_cast %broadcast_in_dim3A_2605 : vector<16x1xi32> to vector<16xi32>
      %gather3A_2607 = tpu.dynamic_gather %get3A_2548[%gather3A_2606] in [0] : vector<16xf32>, vector<16xi32> -> vector<16xf32>
      %mul3A_2608 = arith.constant 16 : i32
      %mul3A_2609 = arith.muli %mul3A_2608, %scan3A_2542 : i32
      %add3A_2610 = arith.constant 4 : i32
      %add3A_2611 = arith.addi %mul3A_2609, %add3A_2610 : i32
      %get3A_2612 = arith.index_cast %add3A_2611 : i32 to index
      %get3A_2613 = arith.constant 0 : index
      %get3A_2614 = tpu.vector_load %arg22[%get3A_2612, %get3A_2613] {strides = array<i32>} : memref<1280x16xf32, #tpu.memory_space<vmem>>, vector<1x16xf32>,
      %get3A_2615 = vector.shape_cast %get3A_2614 : vector<1x16xf32> to vector<16xf32>
      %mul3A_2616 = arith.mulf %gather3A_2607, %get3A_2615 : vector<16xf32>
      %add3A_2617 = arith.addf %add3A_2603, %mul3A_2616 : vector<16xf32>
      %broadcast_in_dim3A_2618 = arith.constant 5 : i32
      %broadcast_in_dim3A_2619 = vector.broadcast %broadcast_in_dim3A_2618 : i32 to vector<16x1xi32>
      %gather3A_2620 = vector.shape_cast %broadcast_in_dim3A_2619 : vector<16x1xi32> to vector<16xi32>
      %gather3A_2621 = tpu.dynamic_gather %get3A_2548[%gather3A_2620] in [0] : vector<16xf32>, vector<16xi32> -> vector<16xf32>
      %mul3A_2622 = arith.constant 16 : i32
      %mul3A_2623 = arith.muli %mul3A_2622, %scan3A_2542 : i32
      %add3A_2624 = arith.constant 5 : i32
      %add3A_2625 = arith.addi %mul3A_2623, %add3A_2624 : i32
      %get3A_2626 = arith.index_cast %add3A_2625 : i32 to index
      %get3A_2627 = arith.constant 0 : index
      %get3A_2628 = tpu.vector_load %arg22[%get3A_2626, %get3A_2627] {strides = array<i32>} : memref<1280x16xf32, #tpu.memory_space<vmem>>, vector<1x16xf32>,
      %get3A_2629 = vector.shape_cast %get3A_2628 : vector<1x16xf32> to vector<16xf32>
      %mul3A_2630 = arith.mulf %gather3A_2621, %get3A_2629 : vector<16xf32>
      %add3A_2631 = arith.addf %add3A_2617, %mul3A_2630 : vector<16xf32>
      %broadcast_in_dim3A_2632 = arith.constant 6 : i32
      %broadcast_in_dim3A_2633 = vector.broadcast %broadcast_in_dim3A_2632 : i32 to vector<16x1xi32>
      %gather3A_2634 = vector.shape_cast %broadcast_in_dim3A_2633 : vector<16x1xi32> to vector<16xi32>
      %gather3A_2635 = tpu.dynamic_gather %get3A_2548[%gather3A_2634] in [0] : vector<16xf32>, vector<16xi32> -> vector<16xf32>
      %mul3A_2636 = arith.constant 16 : i32
      %mul3A_2637 = arith.muli %mul3A_2636, %scan3A_2542 : i32
      %add3A_2638 = arith.constant 6 : i32
      %add3A_2639 = arith.addi %mul3A_2637, %add3A_2638 : i32
      %get3A_2640 = arith.index_cast %add3A_2639 : i32 to index
      %get3A_2641 = arith.constant 0 : index
      %get3A_2642 = tpu.vector_load %arg22[%get3A_2640, %get3A_2641] {strides = array<i32>} : memref<1280x16xf32, #tpu.memory_space<vmem>>, vector<1x16xf32>,
      %get3A_2643 = vector.shape_cast %get3A_2642 : vector<1x16xf32> to vector<16xf32>
      %mul3A_2644 = arith.mulf %gather3A_2635, %get3A_2643 : vector<16xf32>
      %add3A_2645 = arith.addf %add3A_2631, %mul3A_2644 : vector<16xf32>
      %broadcast_in_dim3A_2646 = arith.constant 7 : i32
      %broadcast_in_dim3A_2647 = vector.broadcast %broadcast_in_dim3A_2646 : i32 to vector<16x1xi32>
      %gather3A_2648 = vector.shape_cast %broadcast_in_dim3A_2647 : vector<16x1xi32> to vector<16xi32>
      %gather3A_2649 = tpu.dynamic_gather %get3A_2548[%gather3A_2648] in [0] : vector<16xf32>, vector<16xi32> -> vector<16xf32>
      %mul3A_2650 = arith.constant 16 : i32
      %mul3A_2651 = arith.muli %mul3A_2650, %scan3A_2542 : i32
      %add3A_2652 = arith.constant 7 : i32
      %add3A_2653 = arith.addi %mul3A_2651, %add3A_2652 : i32
      %get3A_2654 = arith.index_cast %add3A_2653 : i32 to index
      %get3A_2655 = arith.constant 0 : index
      %get3A_2656 = tpu.vector_load %arg22[%get3A_2654, %get3A_2655] {strides = array<i32>} : memref<1280x16xf32, #tpu.memory_space<vmem>>, vector<1x16xf32>,
      %get3A_2657 = vector.shape_cast %get3A_2656 : vector<1x16xf32> to vector<16xf32>
      %mul3A_2658 = arith.mulf %gather3A_2649, %get3A_2657 : vector<16xf32>
      %add3A_2659 = arith.addf %add3A_2645, %mul3A_2658 : vector<16xf32>
      %broadcast_in_dim3A_2660 = arith.constant 8 : i32
      %broadcast_in_dim3A_2661 = vector.broadcast %broadcast_in_dim3A_2660 : i32 to vector<16x1xi32>
      %gather3A_2662 = vector.shape_cast %broadcast_in_dim3A_2661 : vector<16x1xi32> to vector<16xi32>
      %gather3A_2663 = tpu.dynamic_gather %get3A_2548[%gather3A_2662] in [0] : vector<16xf32>, vector<16xi32> -> vector<16xf32>
      %mul3A_2664 = arith.constant 16 : i32
      %mul3A_2665 = arith.muli %mul3A_2664, %scan3A_2542 : i32
      %add3A_2666 = arith.constant 8 : i32
      %add3A_2667 = arith.addi %mul3A_2665, %add3A_2666 : i32
      %get3A_2668 = arith.index_cast %add3A_2667 : i32 to index
      %get3A_2669 = arith.constant 0 : index
      %get3A_2670 = tpu.vector_load %arg22[%get3A_2668, %get3A_2669] {strides = array<i32>} : memref<1280x16xf32, #tpu.memory_space<vmem>>, vector<1x16xf32>,
      %get3A_2671 = vector.shape_cast %get3A_2670 : vector<1x16xf32> to vector<16xf32>
      %mul3A_2672 = arith.mulf %gather3A_2663, %get3A_2671 : vector<16xf32>
      %add3A_2673 = arith.addf %add3A_2659, %mul3A_2672 : vector<16xf32>
      %broadcast_in_dim3A_2674 = arith.constant 9 : i32
      %broadcast_in_dim3A_2675 = vector.broadcast %broadcast_in_dim3A_2674 : i32 to vector<16x1xi32>
      %gather3A_2676 = vector.shape_cast %broadcast_in_dim3A_2675 : vector<16x1xi32> to vector<16xi32>
      %gather3A_2677 = tpu.dynamic_gather %get3A_2548[%gather3A_2676] in [0] : vector<16xf32>, vector<16xi32> -> vector<16xf32>
      %mul3A_2678 = arith.constant 16 : i32
      %mul3A_2679 = arith.muli %mul3A_2678, %scan3A_2542 : i32
      %add3A_2680 = arith.constant 9 : i32
      %add3A_2681 = arith.addi %mul3A_2679, %add3A_2680 : i32
      %get3A_2682 = arith.index_cast %add3A_2681 : i32 to index
      %get3A_2683 = arith.constant 0 : index
      %get3A_2684 = tpu.vector_load %arg22[%get3A_2682, %get3A_2683] {strides = array<i32>} : memref<1280x16xf32, #tpu.memory_space<vmem>>, vector<1x16xf32>,
      %get3A_2685 = vector.shape_cast %get3A_2684 : vector<1x16xf32> to vector<16xf32>
      %mul3A_2686 = arith.mulf %gather3A_2677, %get3A_2685 : vector<16xf32>
      %add3A_2687 = arith.addf %add3A_2673, %mul3A_2686 : vector<16xf32>
      %broadcast_in_dim3A_2688 = arith.constant 10 : i32
      %broadcast_in_dim3A_2689 = vector.broadcast %broadcast_in_dim3A_2688 : i32 to vector<16x1xi32>
      %gather3A_2690 = vector.shape_cast %broadcast_in_dim3A_2689 : vector<16x1xi32> to vector<16xi32>
      %gather3A_2691 = tpu.dynamic_gather %get3A_2548[%gather3A_2690] in [0] : vector<16xf32>, vector<16xi32> -> vector<16xf32>
      %mul3A_2692 = arith.constant 16 : i32
      %mul3A_2693 = arith.muli %mul3A_2692, %scan3A_2542 : i32
      %add3A_2694 = arith.constant 10 : i32
      %add3A_2695 = arith.addi %mul3A_2693, %add3A_2694 : i32
      %get3A_2696 = arith.index_cast %add3A_2695 : i32 to index
      %get3A_2697 = arith.constant 0 : index
      %get3A_2698 = tpu.vector_load %arg22[%get3A_2696, %get3A_2697] {strides = array<i32>} : memref<1280x16xf32, #tpu.memory_space<vmem>>, vector<1x16xf32>,
      %get3A_2699 = vector.shape_cast %get3A_2698 : vector<1x16xf32> to vector<16xf32>
      %mul3A_2700 = arith.mulf %gather3A_2691, %get3A_2699 : vector<16xf32>
      %add3A_2701 = arith.addf %add3A_2687, %mul3A_2700 : vector<16xf32>
      %broadcast_in_dim3A_2702 = arith.constant 11 : i32
      %broadcast_in_dim3A_2703 = vector.broadcast %broadcast_in_dim3A_2702 : i32 to vector<16x1xi32>
      %gather3A_2704 = vector.shape_cast %broadcast_in_dim3A_2703 : vector<16x1xi32> to vector<16xi32>
      %gather3A_2705 = tpu.dynamic_gather %get3A_2548[%gather3A_2704] in [0] : vector<16xf32>, vector<16xi32> -> vector<16xf32>
      %mul3A_2706 = arith.constant 16 : i32
      %mul3A_2707 = arith.muli %mul3A_2706, %scan3A_2542 : i32
      %add3A_2708 = arith.constant 11 : i32
      %add3A_2709 = arith.addi %mul3A_2707, %add3A_2708 : i32
      %get3A_2710 = arith.index_cast %add3A_2709 : i32 to index
      %get3A_2711 = arith.constant 0 : index
      %get3A_2712 = tpu.vector_load %arg22[%get3A_2710, %get3A_2711] {strides = array<i32>} : memref<1280x16xf32, #tpu.memory_space<vmem>>, vector<1x16xf32>,
      %get3A_2713 = vector.shape_cast %get3A_2712 : vector<1x16xf32> to vector<16xf32>
      %mul3A_2714 = arith.mulf %gather3A_2705, %get3A_2713 : vector<16xf32>
      %add3A_2715 = arith.addf %add3A_2701, %mul3A_2714 : vector<16xf32>
      %broadcast_in_dim3A_2716 = arith.constant 12 : i32
      %broadcast_in_dim3A_2717 = vector.broadcast %broadcast_in_dim3A_2716 : i32 to vector<16x1xi32>
      %gather3A_2718 = vector.shape_cast %broadcast_in_dim3A_2717 : vector<16x1xi32> to vector<16xi32>
      %gather3A_2719 = tpu.dynamic_gather %get3A_2548[%gather3A_2718] in [0] : vector<16xf32>, vector<16xi32> -> vector<16xf32>
      %mul3A_2720 = arith.constant 16 : i32
      %mul3A_2721 = arith.muli %mul3A_2720, %scan3A_2542 : i32
      %add3A_2722 = arith.constant 12 : i32
      %add3A_2723 = arith.addi %mul3A_2721, %add3A_2722 : i32
      %get3A_2724 = arith.index_cast %add3A_2723 : i32 to index
      %get3A_2725 = arith.constant 0 : index
      %get3A_2726 = tpu.vector_load %arg22[%get3A_2724, %get3A_2725] {strides = array<i32>} : memref<1280x16xf32, #tpu.memory_space<vmem>>, vector<1x16xf32>,
      %get3A_2727 = vector.shape_cast %get3A_2726 : vector<1x16xf32> to vector<16xf32>
      %mul3A_2728 = arith.mulf %gather3A_2719, %get3A_2727 : vector<16xf32>
      %add3A_2729 = arith.addf %add3A_2715, %mul3A_2728 : vector<16xf32>
      %broadcast_in_dim3A_2730 = arith.constant 13 : i32
      %broadcast_in_dim3A_2731 = vector.broadcast %broadcast_in_dim3A_2730 : i32 to vector<16x1xi32>
      %gather3A_2732 = vector.shape_cast %broadcast_in_dim3A_2731 : vector<16x1xi32> to vector<16xi32>
      %gather3A_2733 = tpu.dynamic_gather %get3A_2548[%gather3A_2732] in [0] : vector<16xf32>, vector<16xi32> -> vector<16xf32>
      %mul3A_2734 = arith.constant 16 : i32
      %mul3A_2735 = arith.muli %mul3A_2734, %scan3A_2542 : i32
      %add3A_2736 = arith.constant 13 : i32
      %add3A_2737 = arith.addi %mul3A_2735, %add3A_2736 : i32
      %get3A_2738 = arith.index_cast %add3A_2737 : i32 to index
      %get3A_2739 = arith.constant 0 : index
      %get3A_2740 = tpu.vector_load %arg22[%get3A_2738, %get3A_2739] {strides = array<i32>} : memref<1280x16xf32, #tpu.memory_space<vmem>>, vector<1x16xf32>,
      %get3A_2741 = vector.shape_cast %get3A_2740 : vector<1x16xf32> to vector<16xf32>
      %mul3A_2742 = arith.mulf %gather3A_2733, %get3A_2741 : vector<16xf32>
      %add3A_2743 = arith.addf %add3A_2729, %mul3A_2742 : vector<16xf32>
      %broadcast_in_dim3A_2744 = arith.constant 14 : i32
      %broadcast_in_dim3A_2745 = vector.broadcast %broadcast_in_dim3A_2744 : i32 to vector<16x1xi32>
      %gather3A_2746 = vector.shape_cast %broadcast_in_dim3A_2745 : vector<16x1xi32> to vector<16xi32>
      %gather3A_2747 = tpu.dynamic_gather %get3A_2548[%gather3A_2746] in [0] : vector<16xf32>, vector<16xi32> -> vector<16xf32>
      %mul3A_2748 = arith.constant 16 : i32
      %mul3A_2749 = arith.muli %mul3A_2748, %scan3A_2542 : i32
      %add3A_2750 = arith.constant 14 : i32
      %add3A_2751 = arith.addi %mul3A_2749, %add3A_2750 : i32
      %get3A_2752 = arith.index_cast %add3A_2751 : i32 to index
      %get3A_2753 = arith.constant 0 : index
      %get3A_2754 = tpu.vector_load %arg22[%get3A_2752, %get3A_2753] {strides = array<i32>} : memref<1280x16xf32, #tpu.memory_space<vmem>>, vector<1x16xf32>,
      %get3A_2755 = vector.shape_cast %get3A_2754 : vector<1x16xf32> to vector<16xf32>
      %mul3A_2756 = arith.mulf %gather3A_2747, %get3A_2755 : vector<16xf32>
      %add3A_2757 = arith.addf %add3A_2743, %mul3A_2756 : vector<16xf32>
      %broadcast_in_dim3A_2758 = arith.constant 15 : i32
      %broadcast_in_dim3A_2759 = vector.broadcast %broadcast_in_dim3A_2758 : i32 to vector<16x1xi32>
      %gather3A_2760 = vector.shape_cast %broadcast_in_dim3A_2759 : vector<16x1xi32> to vector<16xi32>
      %gather3A_2761 = tpu.dynamic_gather %get3A_2548[%gather3A_2760] in [0] : vector<16xf32>, vector<16xi32> -> vector<16xf32>
      %mul3A_2762 = arith.constant 16 : i32
      %mul3A_2763 = arith.muli %mul3A_2762, %scan3A_2542 : i32
      %add3A_2764 = arith.constant 15 : i32
      %add3A_2765 = arith.addi %mul3A_2763, %add3A_2764 : i32
      %get3A_2766 = arith.index_cast %add3A_2765 : i32 to index
      %get3A_2767 = arith.constant 0 : index
      %get3A_2768 = tpu.vector_load %arg22[%get3A_2766, %get3A_2767] {strides = array<i32>} : memref<1280x16xf32, #tpu.memory_space<vmem>>, vector<1x16xf32>,
      %get3A_2769 = vector.shape_cast %get3A_2768 : vector<1x16xf32> to vector<16xf32>
      %mul3A_2770 = arith.mulf %gather3A_2761, %get3A_2769 : vector<16xf32>
      %add3A_2771 = arith.addf %add3A_2757, %mul3A_2770 : vector<16xf32>
      scf.yield %add3A_2771 : vector<16xf32>
    }
    %scan3A_2526 = arith.constant 80 : i32
    %get3A_2527 = arith.constant 0 : index
    %get3A_2528 = tpu.vector_load %arg18[%get3A_2527] {strides = array<i32>} : memref<16xf32, #tpu.memory_space<vmem>>, vector<16xf32>,
    %get3A_2529 = vector.shape_cast %get3A_2528 : vector<16xf32> to vector<16xf32>
    %add3A_2530 = arith.addf %mul3A_1806, %get3A_2529 : vector<16xf32>
    %abs3A = math.absf %scan3A_2525 : vector<16xf32>
    %add3A_2531 = arith.constant 1.000000e+00 : f32
    %add3A_2532 = vector.broadcast %add3A_2531 : f32 to vector<16xf32>
    %add3A_2533 = arith.addf %abs3A, %add3A_2532 : vector<16xf32>
    %div3A_2534 = arith.divf %scan3A_2525, %add3A_2533 : vector<16xf32>
    %add3A_2535 = arith.addf %add3A_2530, %div3A_2534 : vector<16xf32>
    %swap3A_2536 = arith.constant 0 : index
    %swap3A_2537 = tpu.vector_load %arg23[%swap3A_2536] {strides = array<i32>} : memref<16xf32, #tpu.memory_space<vmem>>, vector<16xf32>,
    %swap3A_2538 = vector.shape_cast %swap3A_2537 : vector<16xf32> to vector<16xf32>
    %swap3A_2539 = vector.shape_cast %add3A_2535 : vector<16xf32> to vector<16xf32>
    tpu.vector_store %arg23[%swap3A_2536], %swap3A_2539 {strides = array<i32>} : memref<16xf32, #tpu.memory_space<vmem>>, vector<16xf32>,
    %mul3A_2540 = arith.constant 16 : i32
    %mul3A_2541 = arith.muli %mul3A_2540, %arg1 : i32
    "tpu.region"() ({
      %run_scoped3A = tpu.sem_alloc : memref<!tpu.dma_semaphore, #tpu.memory_space<semaphore_mem>>
      %dma_start3A_2542 = tpu.memref_slice %arg11[%mul3A_2541] : memref<256xf32, #tpu.memory_space<hbm>> -> memref<16xf32, #tpu.memory_space<hbm>>
      %dma_start3A_2543 = tpu.memref_slice %arg11[%mul3A_2541] : memref<256xf32, #tpu.memory_space<hbm>> -> memref<16xf32, #tpu.memory_space<hbm>>
      tpu.enqueue_dma source(%arg23 : memref<16xf32, #tpu.memory_space<vmem>>) target(%dma_start3A_2543 : memref<16xf32, #tpu.memory_space<hbm>>) target_semaphore(%run_scoped3A : memref<!tpu.dma_semaphore, #tpu.memory_space<semaphore_mem>>)
      %dma_wait3A_2544 = tpu.memref_slice %arg11[%mul3A_2541] : memref<256xf32, #tpu.memory_space<hbm>> -> memref<16xf32, #tpu.memory_space<hbm>>
      %dma_wait3A_2545 = tpu.memref_slice %arg11[%mul3A_2541] : memref<256xf32, #tpu.memory_space<hbm>> -> memref<16xf32, #tpu.memory_space<hbm>>
      tpu.wait_dma2 semaphore(%run_scoped3A : memref<!tpu.dma_semaphore, #tpu.memory_space<semaphore_mem>>) src(%arg23 : memref<16xf32, #tpu.memory_space<vmem>>) dst(%dma_wait3A_2545 : memref<16xf32, #tpu.memory_space<hbm>>)
      tpu.yield
    }) : () -> ()
    return
  }
}

</mosaic_0001>

<sc_bundles>
// kernel: kernel.3.cloned.1.call-start
scs
__scs_entry_jumppad:
0x0: {  	(pc) =	sbr.rel $0x88, $3  }
0x1: {  	(tag) =	ssettag $0x0;
	lr =	simm.s32 $0x1  }
0x2: {  	[smem:$0x3F99] =	sst lr;
	_ =	strace $0xD0000000  }
0x3: {  	_ = 	snop  }
0x4: {  	_ = 	snop  }
0x5: {  	_ = 	snop  }
0x6: {  	_ = 	snop  }
0x7: {  	_ = 	snop  }
__scs_overlays_trampoline_lowered:
0x8: {  	[smem:$0x3FA8] =	sst s0  }
0x9: {  	[smem:$0x3FA9] =	sst s1  }
0xa: {  	[smem:$0x3FAA] =	sst s2  }
0xb: {  	[smem:$0x3FAB] =	sst s3  }
0xc: {  	[smem:$0x3FAC] =	sst s4  }
0xd: {  	[smem:$0x3FAD] =	sst s5  }
0xe: {  	[smem:$0x3FAE] =	sst s6  }
0xf: {  	[smem:$0x3FAF] =	sst s7  }
0x10: {  	[smem:$0x3FB0] =	sst s8  }
0x11: {  	[smem:$0x3FB1] =	sst s9;
	s0 =	simm.s32 @!p0 $0x0  }
0x12: {  	s1 =	sld [smem:$0x3F97];
	s0 =	simm.s32 @p0 $0x1  }
0x13: {  	[smem:$0x3FB2] =	sst s0;
	s0 =	simm.s32 @!p1 $0x0  }
0x14: {  	s2 =	sld [smem:$0x3F96];
	s0 =	simm.s32 @p1 $0x1  }
0x15: {  	[smem:$0x3FB3] =	sst s0;
	s0 =	simm.s32 @!p2 $0x0  }
0x16: {  	s3 =	sld [smem:$0x3FDB];
	s0 =	simm.s32 @p2 $0x1  }
0x17: {  	s4 =	simm.s32 $0x1BF5;
	[smem:$0x3FB5] =	sst s0  }
0x18: {  	s0 =	sld [smem:$0x3F98];
	_ =	swait.ge [sflag:s4], $0x0  }
0x19: {  	s7 =	sld [smem:$0x3F99]  }
0x1a: {  	s8 =	sadd.s32 $0xFFFFE003, lr  }
0x1b: {  	s9 =	sadd.s32 $0xFFFFFEF7, lr;
	s5 =	simm.s32 $0xFFFFFFFF;
	p2 =	slt.u32 s8, $0xFFFFF086  }
0x1c: {  	p1 =	slt.u32 s9, $0xF7A;
	s5 =	simm.s32 @!p2 $0x0  }
0x1d: {  	s5 =	simm.s32 @p1 $0x1;
	p0 =	seq.s32 s7, s2  }
0x1e: {  	s7 =	smul.u32 @!p0 $0xF7A, s2;
	p2 =	seq.s32 @!p0 s5, $0x0  }
0x1f: {  	s9 =	smul.u32 $0xF7A, s1;
	s8 =	simm.s32 @!p0 $0x1BF5;
	p2 =	por !p2, p0  }
0x20: {  	[sflag:s8] =	ssyncset.s32 @!p0 $0xFFFFF086;
	s6 =	sadd.s32 @!p0 s3, s7;
	s7 =	simm.s32 @!p0 $0x108  }
0x21: {  	s3 =	sadd.s32 s3, s9;
	s6 =	sadd.s32 @!p0 $0x88, s6;
	s7 =	simm.s32 @p2 $0x1082  }
0x22: {  	[simem:s7], [sflag:s8] =	dma.local @!p0 [hbm:s6], $0xF7A  }
0x23: {  	s9 =	sor.u32 $0xD0000000, s2;
	s6 =	simm.s32 $0x108;
	_ =	swait.ge @!p0 [sflag:s8], $0x0  }
0x24: {  	s3 =	sadd.s32 $0x88, s3;
	s6 =	simm.s32 @!p1 $0x1082;
	[sflag:s4] =	ssyncset.s32 $0xFFFFF086  }
0x25: {  	[simem:s6], [sflag:s4] =	dma.local [hbm:s3], $0xF7A  }
0x26: {  	[smem:$0x3F99] =	sst s1;
	(tag) =	ssettag s2;
	_ =	strace s9  }
0x27: {  	s1 =	sld [smem:$0x3FA9]  }
0x28: {  	s2 =	sld [smem:$0x3FAA]  }
0x29: {  	s4 =	sld [smem:$0x3FAC]  }
0x2a: {  	p0 =	seq.s32 s5, $0x0;
	s5 =	sld [smem:$0x3FAD]  }
0x2b: {  	s6 =	sld [smem:$0x3FAE]  }
0x2c: {  	s7 =	sld [smem:$0x3FAF]  }
0x2d: {  	s3 =	simm.s32 $0x108;
	s8 =	sld [smem:$0x3FB0]  }
0x2e: {  	s3 =	simm.s32 @!p0 $0x1082;
	s9 =	sld [smem:$0x3FB1]  }
0x2f: {  	lr =	sadd.s32 s0, s3;
	s0 =	sld [smem:$0x3FA8]  }
0x30: {  	s3 =	sld [smem:$0x3FAB]  }
0x31: {  	[smem:$0x3FB4] =	sst s10  }
0x32: {  	s10 =	sld [smem:$0x3FB2];
	_ =	sdelay $0x3  }
0x33: {  	p0 =	seq.s32 s10, $0x1;
	s10 =	sld [smem:$0x3FB4];
	_ =	sdelay $0x3  }
0x34: {  	[smem:$0x3FB4] =	sst s10  }
0x35: {  	s10 =	sld [smem:$0x3FB3];
	_ =	sdelay $0x3  }
0x36: {  	p1 =	seq.s32 s10, $0x1;
	s10 =	sld [smem:$0x3FB4];
	_ =	sdelay $0x3  }
0x37: {  	[smem:$0x3FB4] =	sst s10  }
0x38: {  	s10 =	sld [smem:$0x3FB5]  }
0x39: {  	_ = 	snop;
	(pc) =	sbr.ind lr, $3  }
0x3a: {  	_ = 	snop  }
0x3b: {  	_ = 	snop  }
0x3c: {  	p2 =	seq.s32 s10, $0x1;
	s10 =	sld [smem:$0x3FB4]  }
0x3d: {  	_ =	shalt  }
0x3e: {  	_ =	shalt  }
0x3f: {  	_ =	shalt  }
0x40: {  	_ =	shalt  }
0x41: {  	_ =	shalt  }
0x42: {  	_ =	shalt  }
0x43: {  	_ =	shalt  }
0x44: {  	_ =	shalt  }
0x45: {  	_ =	shalt  }
0x46: {  	_ =	shalt  }
0x47: {  	_ =	shalt  }
0x48: {  	_ =	shalt  }
0x49: {  	_ =	shalt  }
0x4a: {  	_ =	shalt  }
0x4b: {  	_ =	shalt  }
0x4c: {  	_ =	shalt  }
0x4d: {  	_ =	shalt  }
0x4e: {  	_ =	shalt  }
0x4f: {  	_ =	shalt  }
0x50: {  	_ =	shalt  }
0x51: {  	_ =	shalt  }
0x52: {  	_ =	shalt  }
0x53: {  	_ =	shalt  }
0x54: {  	_ =	shalt  }
0x55: {  	_ =	shalt  }
0x56: {  	_ =	shalt  }
0x57: {  	_ =	shalt  }
0x58: {  	_ =	shalt  }
0x59: {  	_ =	shalt  }
0x5a: {  	_ =	shalt  }
0x5b: {  	_ =	shalt  }
0x5c: {  	_ =	shalt  }
0x5d: {  	_ =	shalt  }
0x5e: {  	_ =	shalt  }
0x5f: {  	_ =	shalt  }
0x60: {  	_ =	shalt  }
0x61: {  	_ =	shalt  }
0x62: {  	_ =	shalt  }
0x63: {  	_ =	shalt  }
0x64: {  	_ =	shalt  }
0x65: {  	_ =	shalt  }
0x66: {  	_ =	shalt  }
0x67: {  	_ =	shalt  }
0x68: {  	_ =	shalt  }
0x69: {  	_ =	shalt  }
0x6a: {  	_ =	shalt  }
0x6b: {  	_ =	shalt  }
0x6c: {  	_ =	shalt  }
0x6d: {  	_ =	shalt  }
0x6e: {  	_ =	shalt  }
0x6f: {  	_ =	shalt  }
0x70: {  	_ =	shalt  }
0x71: {  	_ =	shalt  }
0x72: {  	_ =	shalt  }
0x73: {  	_ =	shalt  }
0x74: {  	_ =	shalt  }
0x75: {  	_ =	shalt  }
0x76: {  	_ =	shalt  }
0x77: {  	_ =	shalt  }
0x78: {  	_ =	shalt  }
0x79: {  	_ =	shalt  }
0x7a: {  	_ =	shalt  }
0x7b: {  	_ =	shalt  }
0x7c: {  	_ =	shalt  }
0x7d: {  	_ =	shalt  }
0x7e: {  	_ =	shalt  }
0x7f: {  	_ =	shalt  }
0x80: {  	_ =	shalt  }
0x81: {  	_ =	shalt  }
0x82: {  	_ =	shalt  }
0x83: {  	_ =	shalt  }
0x84: {  	_ =	shalt  }
0x85: {  	_ =	shalt  }
0x86: {  	_ =	shalt  }
0x87: {  	_ =	shalt  }
.Lfunc_end0:
.L_simem_size_0:
called_computation_lowered:
.L_overlay_start_0:
0x88: {  	s0 =	sld [smem:$0x3FD9]  }
0x89: {  	s1 =	sld [smem:$0x3FFE];
	_ =	sdelay $0x3  }
0x8a: {  	s0 =	sadd.s32 s1, s0  }
0x8b: {  	[smem:$0x3FC0] =	sst s0  }
0x8c: {  	_ = 	snop  }
0x8d: {  	s0 =	sld [smem:$0x3FC9]  }
0x8e: {  	s16 =	sld [smem:$0x3FC8]  }
0x8f: {  	s2 =	sld [smem:$0x3FC6]  }
0x90: {  	s3 =	sld [smem:$0x3FC5]  }
0x91: {  	s4 =	sld [smem:$0x3FC4]  }
0x92: {  	s5 =	sld [smem:$0x3FC2]  }
0x93: {  	s6 =	sld [smem:$0x3FD0];
	(tm) =	ssettm $0x1  }
0x94: {  	s7 =	sld [smem:$0x3FFB];
	_ =	sdelay $0x3  }
0x95: {  	_ =	strace s7  }
0x96: {  	s7 =	sld [smem:$0x3FFC];
	_ =	sdelay $0x3  }
0x97: {  	_ =	strace s7  }
0x98: {  	s7 =	sld [smem:$0x3FFD];
	_ =	sdelay $0x3  }
0x99: {  	_ =	strace s7  }
0x9a: {  	_ =	strace $0x8FFFFFFF  }
0x9b: {  	s17 =	sld [smem:$0x3FDB];
	_ =	sdelay $0x1  }
0x9c: {  	s8 =	simm.s32 $_scs_section_size  }
0x9d: {  	s9 =	simm.s32 $_size__tile_overlayer_lowered;
	s10 =	simm.s32 $_tile_overlayer_lowered  }
0x9e: {  	s20 =	simm.s32 $0x1BFF;
	s19 =	sshll.u32 s10, $0x1;
	s7 =	sadd.s32 s8, s17  }
0x9f: {  	s11 =	simm.s32 $0x0;
	s18 =	sshll.u32 s9, $0x1;
	s9 =	sadd.s32 s19, s7  }
0xa0: {  	[timem:s11], [sflag:s20] =	dma.local [hbm:s9], s18  }
0xa1: {  	_ =	swait.ge [sflag:s20], s18  }
0xa2: {  	s8 =	ssub.s32 $0x0, s18;
	[sflag:s20] =	ssyncset.done $0x0  }
0xa3: {  	[sflag:s20] =	ssyncadd.s32 s8;
	_ =	sdelay $0x1  }
0xa4: {  	s21 =	simm.s32 $0x1B8B  }
0xa5: {  	_ =	swait.ge [sflag:s21], $0x1  }
0xa6: {  	[sflag:s21] =	ssyncset.done $0x0  }
0xa7: {  	s23 =	simm.s32 $0x1B8E;
	s22 =	sld [smem:$0x3FFE];
	[sflag:s21] =	ssyncadd.s32 $0xFFFFFFFF  }
0xa8: {  	s24 =	simm.s32 $execute0_lowered;
	[smem:$0x3FD2] =	sst s23  }
0xa9: {  	s9 =	sshll.u32 s24, $0x1;
	_ =	strace $0x80000046;
	[dreg:$0x1] =	wrdreg $0xFFFFFFFF  }
0xaa: {  	s25 =	simm.s32 $_size_execute0_lowered;
	s7 =	sadd.s32 s7, s9;
	[dreg:$0x0] =	wrdreg $0x0  }
0xab: {  	s9 =	sshll.u32 s25, $0x1;
	[dreg:$0x2] =	wrdreg s7  }
0xac: {  	[dreg:$0x3] =	wrdreg s9  }
0xad: {  	[dreg:$0x4] =	wrdreg $0xC0  }
0xae: {  	_ =	task [dreg:s11], $0x5FFFF  }
0xaf: {  	[dreg:$0x1] =	wrdreg $0xFFFFFFFF  }
0xb0: {  	[dreg:$0x0] =	wrdreg $0x60  }
0xb1: {  	[dreg:$0x2] =	wrdreg s0  }
0xb2: {  	[dreg:$0x3] =	wrdreg s16  }
0xb3: {  	[dreg:$0x4] =	wrdreg s22  }
0xb4: {  	[dreg:$0x5] =	wrdreg s2  }
0xb5: {  	[dreg:$0x6] =	wrdreg s3  }
0xb6: {  	[dreg:$0x7] =	wrdreg s4  }
0xb7: {  	[dreg:$0x8] =	wrdreg s5  }
0xb8: {  	[dreg:$0x9] =	wrdreg s6  }
0xb9: {  	[dreg:$0xa] =	wrdreg $0x65C00  }
0xba: {  	[dreg:$0xb] =	wrdreg $0x9  }
0xbb: {  	_ =	task.clear_ibuf [dreg:s11], $0xCFFFF;
	_ =	strace $0x90000046  }
0xbc: {  	s26 =	simm.s32 $0x9;
	_ =	strace $0x80000048  }
0xbd: {  	_ =	swait.ge [sflag:s26], $0x1  }
0xbe: {  	[sflag:s26] =	ssyncadd.s32 $0xFFFFFFFF  }
0xbf: {  	_ =	strace $0x90000048  }
0xc0: {  	_ =	sfence  }
0xc1: {  	s28 =	sld [smem:$0x0];
	_ =	sdelay $0x1  }
0xc2: {  	s29 =	srdreg.scid  }
0xc3: {  	s30 =	sshll.u32 s29, $0xD;
	s31 =	sshrl.u32 s29, $0x2  }
0xc4: {  	s1 =	sand.u32 $0x1, s29;
	s2 =	sand.u32 $0x4000, s30;
	s0 =	sadd.s32 s31, s28  }
0xc5: {  	s1 =	sor.u32 s2, s1;
	s0 =	sshll.u32 s0, $0x11  }
0xc6: {  	s0 =	sor.u32 s0, s1  }
0xc7: {  	s0 =	sadd.s32 $0x8F2B, s0  }
0xc8: {  	[sflag:s0] =	ssyncadd.remote.s32 $0x1  }
0xc9: {  	_ =	sfence.sel $0xFFFF  }
0xca: {  	[dreg:$0x0] =	wrdreg $0xFFFFFFFF;
	(pc) =	sbr.abs _section_cstart, $3  }
0xcb: {  	[dreg:$0x1] =	wrdreg $0xFFFFFFFF  }
0xcc: {  	_ =	task.clear_ibuf [dreg:s11], $0x2FFFF;
	_ =	strace $0x9FFFFFFF  }
0xcd: {  	(tm) =	ssettm $0x7FFFFFFF  }
tec
execute0_lowered:
.L_overlay_start_1:
0x0: {  	(tag) =	ssettag $0x1  }
0x1: {  	s3 =	rddreg [dreg:$0x0]  }
0x2: {  	s5 =	rddreg [dreg:$0x1]  }
0x3: {  	s6 =	rddreg [dreg:$0x2]  }
0x4: {  	s7 =	rddreg [dreg:$0x3]  }
0x5: {  	s8 =	rddreg [dreg:$0x4]  }
0x6: {  	s9 =	rddreg [dreg:$0x5]  }
0x7: {  	s10 =	rddreg [dreg:$0x6]  }
0x8: {  	s2 =	rddreg [dreg:$0x7]  }
0x9: {  	s4 =	rddreg [dreg:$0x8];
	s11 =	simm.s32 $0x0  }
0xa: {  	[smem:$0x7FF] =	sst s11  }
0xb: {  	s0 =	rddreg [dreg:$0x9];
	s1 =	stileid.u32;
	_ =	strace $0x80000047  }
0xc: {  	[tilespmem:s11], [sflag:$0x1] =	stream.linear.gather [hbm4b:s3+s11], $0x1, $0x38;
	[tilespmem:$0x65D0] =	vst v63  }
0xd: {  	s12 =	simm.s32 $0x10;
	s3 =	sshll.u32 s1, $0x1  }
0xe: {  	[tilespmem:s12], [sflag:$0x1] =	stream.linear.gather [hbm4b:s7+s11], $0x40, $0x38;
	[tilespmem:$0x65D0] =	vst v63  }
0xf: {  	s13 =	simm.s32 $0x50;
	s6 =	sadd.s32 s3, s6  }
0x10: {  	[tilespmem:s13], [sflag:$0x1] =	stream.linear.gather [hbm4b:s10+s11], $0x40, $0x38;
	[tilespmem:$0x65D0] =	vst v63  }
0x11: {  	s15 =	simm.s32 $0x100;
	s14 =	sadd.s32 $0xC00, s6;
	s13 =	simm.s32 $0x90  }
0x12: {  	[tilespmem:s13], [sflag:$0x1] =	stream.strided.gather [hbm4b:s14+s12], $0x400, s15, s12, $0x38;
	[tilespmem:$0x65D0] =	vst v63  }
0x13: {  	s17 =	simm.s32 $0x490;
	s16 =	sadd.s32 $0x400, s6  }
0x14: {  	[tilespmem:s17], [sflag:$0x1] =	stream.strided.gather [hbm4b:s16+s12], $0x400, s15, s12, $0x38;
	[tilespmem:$0x65D0] =	vst v63  }
0x15: {  	s19 =	simm.s32 $0x8A0;
	s18 =	sadd.s32 s8, s3  }
0x16: {  	[tilespmem:s19], [sflag:$0x1] =	stream.linear.gather [hbm4b:s18+s11], $0x10, $0x38;
	[tilespmem:$0x65D0] =	vst v63  }
0x17: {  	s20 =	simm.s32 $0x15B0;
	s6 =	sadd.s32 $0x1400, s6  }
0x18: {  	[tilespmem:s20], [sflag:$0x2] =	stream.strided.gather [hbm4b:s6+s12], $0x5000, s15, s12, $0x38;
	[tilespmem:$0x65D0] =	vst v63  }
0x19: {  	s21 =	simm.s32 $0x8B0  }
0x1a: {  	[tilespmem:s21], [sflag:$0x2] =	stream.linear.gather [hbm4b:s5+s11], $0x400, $0x38;
	[tilespmem:$0x65D0] =	vst v63  }
0x1b: {  	s22 =	simm.s32 $0xCB0;
	s23 =	simm.s32 $0x1  }
0x1c: {  	[tilespmem:s22], [sflag:$0x2] =	stream.linear.gather [hbm4b:s9+s11], $0x400, $0x38;
	[tilespmem:$0x65D0] =	vst v63  }
0x1d: {  	_ =	swait.ge [sflag:s23], $0x1  }
0x1e: {  	[sflag:s23] =	ssyncset.done $0x0  }
0x1f: {  	[sflag:s23] =	ssyncadd.s32 $0xFFFFFFFF  }
0x20: {  	_ =	swait.ge [sflag:s23], $0x40  }
0x21: {  	[sflag:s23] =	ssyncset.done $0x0  }
0x22: {  	[sflag:s23] =	ssyncadd.s32 $0xFFFFFFC0  }
0x23: {  	_ =	swait.ge [sflag:s23], $0x40  }
0x24: {  	[sflag:s23] =	ssyncset.done $0x0  }
0x25: {  	[sflag:s23] =	ssyncadd.s32 $0xFFFFFFC0  }
0x26: {  	_ =	swait.ge [sflag:s23], $0x400  }
0x27: {  	[sflag:s23] =	ssyncset.done $0x0  }
0x28: {  	[sflag:s23] =	ssyncadd.s32 $0xFFFFFC00  }
0x29: {  	_ =	swait.ge [sflag:s23], $0x400  }
0x2a: {  	[sflag:s23] =	ssyncset.done $0x0  }
0x2b: {  	[sflag:s23] =	ssyncadd.s32 $0xFFFFFC00  }
0x2c: {  	_ =	swait.ge [sflag:s23], $0x10  }
0x2d: {  	[sflag:s23] =	ssyncset.done $0x0  }
0x2e: {  	[sflag:s23] =	ssyncadd.s32 $0xFFFFFFF0  }
0x2f: {  	v0 =	vld [tilespmem:$0x10];
	_ =	sdelay $0x4  }
0x30: {  	v0 =	vadd.f32 v0, v0;
	_ =	sdelay $0x1  }
0x31: {  	v0 =	vmul.f32 $1.442695020e+00, v0;
	_ =	sdelay $0x1  }
0x32: {  	(erf) = vpow2.f32 v0;
	_ =	sdelay $0x8  }
0x33: {  	v0 =	vpop (erf)  }
0x34: {  	v0 =	vadd.f32 $1.000000000e+00, v0;
	_ =	sdelay $0x1  }
0x35: {  	(erf) = vrcp.f32 v0;
	_ =	sdelay $0x8  }
0x36: {  	v0 =	vld [tilespmem:$0x50];
	v1 =	vpop (erf)  }
0x37: {  	v1 =	vadd.f32 v1, v1;
	_ =	sdelay $0x1  }
0x38: {  	v1 =	vsub.f32 $1.000000000e+00, v1;
	_ =	sdelay $0x1  }
0x39: {  	v0 =	vadd.f32 v1, v0;
	_ =	sdelay $0x1  }
0x3a: {  	v0 =	vsub.f32 $0.0e+00, v0;
	_ =	sdelay $0x1  }
0x3b: {  	v0 =	vmul.f32 $1.442695020e+00, v0;
	_ =	sdelay $0x1  }
0x3c: {  	(erf) = vpow2.f32 v0  }
0x3d: {  	v0 =	vld [tilespmem:$0x0];
	_ =	sdelay $0x4  }
0x3e: {  	(v2sf) =	vpush v0, $0x0;
	_ =	sdelay $0x2  }
0x3f: {  	v0 =	vpop (erf)  }
0x40: {  	v0 =	vadd.f32 $1.000000000e+00, v0;
	_ =	sdelay $0x1  }
0x41: {  	(erf) = vrcp.f32 v0;
	_ =	sdelay $0x7  }
0x42: {  	v0 =	vld [tilespmem:$0x20]  }
0x43: {  	s24 =	spop (v2sf);
	v1 =	vpop (erf)  }
0x44: {  	s5 =	scvt.s32.f32 s24;
	v1 =	vmul.f32 $5.000000000e-01, v1;
	_ =	sdelay $0x1  }
0x45: {  	v1 =	vmul.f32 s5, v1  }
0x46: {  	v0 =	vadd.f32 v0, v0  }
0x47: {  	v2 =	vtrunc.f32 v1  }
0x48: {  	v0 =	vmul.f32 $1.442695020e+00, v0;
	v2 =	vcvt.f32.s32 v2;
	_ =	sdelay $0x1  }
0x49: {  	(erf) = vpow2.f32 v0;
	v0 =	vcvt.s32.f32 v2;
	_ =	sdelay $0x1  }
0x4a: {  	v0 =	vsub.f32 v1, v0;
	_ =	sdelay $0x1  }
0x4b: {  	v1 =	vmul.f32 $4.000000000e+00, v0;
	_ =	sdelay $0x1  }
0x4c: {  	v1 =	vadd.f32 $5.000000000e-01, v1;
	_ =	sdelay $0x1  }
0x4d: {  	v1 =	vtrunc.f32 v1  }
0x4e: {  	v2 =	vpop (erf);
	v1 =	vcvt.f32.s32 v1  }
0x4f: {  	v2 =	vadd.f32 $1.000000000e+00, v2  }
0x50: {  	v3 =	vcvt.s32.f32 v1  }
0x51: {  	(erf) = vrcp.f32 v2  }
0x52: {  	v2 =	vmul.f32 $2.500000000e-01, v3;
	_ =	sdelay $0x1  }
0x53: {  	v0 =	vsub.f32 v0, v2;
	_ =	sdelay $0x1  }
0x54: {  	v0 =	vmul.f32 $6.283185480e+00, v0;
	_ =	sdelay $0x1  }
0x55: {  	v2 =	vmul.f32 v0, v0;
	_ =	sdelay $0x1  }
0x56: {  	v3 =	vld [tilespmem:$0x60];
	v4 =	vpop (erf);
	v5 =	vmul.f32 $2.480158760e-05, v2  }
0x57: {  	v4 =	vadd.f32 v4, v4  }
0x58: {  	v5 =	vadd.f32 $-1.388888920e-03, v5  }
0x59: {  	v4 =	vsub.f32 $1.000000000e+00, v4  }
0x5a: {  	v6 =	vmul.f32 $1.984127010e-04, v2;
	v5 =	vmul.f32 v5, v2  }
0x5b: {  	v3 =	vadd.f32 v4, v3  }
0x5c: {  	v4 =	vsub.f32 $8.333333770e-03, v6;
	v5 =	vadd.f32 $4.166666790e-02, v5  }
0x5d: {  	v3 =	vsub.f32 $0.0e+00, v3  }
0x5e: {  	v4 =	vmul.f32 v4, v2;
	v5 =	vmul.f32 v5, v2  }
0x5f: {  	v3 =	vmul.f32 $1.442695020e+00, v3  }
0x60: {  	v4 =	vadd.f32 $-1.666666720e-01, v4;
	v5 =	vadd.f32 $-5.000000000e-01, v5  }
0x61: {  	(erf) = vpow2.f32 v3  }
0x62: {  	v3 =	vmul.f32 v4, v2;
	v2 =	vmul.f32 v5, v2;
	_ =	sdelay $0x1  }
0x63: {  	v3 =	vadd.f32 $1.000000000e+00, v3;
	v2 =	vadd.f32 $1.000000000e+00, v2;
	_ =	sdelay $0x1  }
0x64: {  	v1 =	vand.u32 $0x3, v1;
	v0 =	vmul.f32 v3, v0;
	v3 =	vsub.f32 $0.0e+00, v2  }
0x65: {  	vm0 =	veq.s32 v1, $0x2  }
0x66: {  	v5 =	vsel vm0, v3, v0  }
0x67: {  	v4 =	vsub.f32 $0.0e+00, v0  }
0x68: {  	vm1 =	veq.s32 v1, $0x1;
	v6 =	vld [tilespmem:$0x90]  }
0x69: {  	vm2 =	veq.s32 v1, $0x0;
	v1 =	vsel vm1, v4, v5;
	v5 =	vpop (erf)  }
0x6a: {  	v3 =	vsel vm0, v4, v3;
	v1 =	vsel vm2, v2, v1;
	v4 =	vadd.f32 $1.000000000e+00, v5;
	v5 =	vld [tilespmem:$0x490]  }
0x6b: {  	v2 =	vsel vm1, v2, v3;
	v3 =	vbroadcast v1, $0x0  }
0x6c: {  	v0 =	vsel vm2, v0, v2;
	v2 =	vld [tilespmem:$0xA0];
	(erf) = vrcp.f32 v4  }
0x6d: {  	v3 =	vmul.f32 v3, v6;
	v4 =	vbroadcast v0, $0x0  }
0x6e: {  	v6 =	vld [tilespmem:$0x4A0]  }
0x6f: {  	v3 =	vadd.f32 $0.0e+00, v3;
	v4 =	vmul.f32 v4, v5;
	v5 =	vbroadcast v1, $0x1  }
0x70: {  	v7 =	vld [tilespmem:$0xB0]  }
0x71: {  	v3 =	vsub.f32 v3, v4;
	v2 =	vmul.f32 v5, v2;
	v4 =	vbroadcast v0, $0x1  }
0x72: {  	v5 =	vld [tilespmem:$0x4B0]  }
0x73: {  	v2 =	vadd.f32 v3, v2;
	v3 =	vmul.f32 v4, v6;
	v4 =	vbroadcast v1, $0x2  }
0x74: {  	v6 =	vld [tilespmem:$0xC0]  }
0x75: {  	v9 =	vld [tilespmem:$0x30];
	v8 =	vpop (erf);
	v2 =	vsub.f32 v2, v3;
	v3 =	vmul.f32 v4, v7;
	v4 =	vbroadcast v0, $0x2  }
0x76: {  	v7 =	vmul.f32 $5.000000000e-01, v8;
	v8 =	vld [tilespmem:$0x4C0]  }
0x77: {  	v2 =	vadd.f32 v2, v3;
	v3 =	vmul.f32 v4, v5;
	v4 =	vbroadcast v1, $0x3  }
0x78: {  	v5 =	vmul.f32 s5, v7;
	v7 =	vld [tilespmem:$0xD0]  }
0x79: {  	v2 =	vsub.f32 v2, v3;
	v3 =	vmul.f32 v4, v6;
	v4 =	vbroadcast v0, $0x3  }
0x7a: {  	v10 =	vld [tilespmem:$0x4D0];
	v9 =	vadd.f32 v9, v9;
	v6 =	vtrunc.f32 v5  }
0x7b: {  	v2 =	vadd.f32 v2, v3;
	v3 =	vmul.f32 v4, v8;
	v4 =	vbroadcast v1, $0x4  }
0x7c: {  	v6 =	vcvt.f32.s32 v6;
	v8 =	vmul.f32 $1.442695020e+00, v9;
	v9 =	vld [tilespmem:$0xE0]  }
0x7d: {  	v2 =	vsub.f32 v2, v3;
	v3 =	vmul.f32 v4, v7;
	v4 =	vbroadcast v0, $0x4  }
0x7e: {  	v6 =	vcvt.s32.f32 v6;
	(erf) = vpow2.f32 v8;
	v7 =	vld [tilespmem:$0x4E0]  }
0x7f: {  	v2 =	vadd.f32 v2, v3;
	v3 =	vmul.f32 v4, v10;
	v4 =	vbroadcast v1, $0x5  }
0x80: {  	v5 =	vsub.f32 v5, v6;
	v6 =	vld [tilespmem:$0xF0]  }
0x81: {  	v2 =	vsub.f32 v2, v3;
	v3 =	vmul.f32 v4, v9;
	v4 =	vbroadcast v0, $0x5  }
0x82: {  	v8 =	vmul.f32 $4.000000000e+00, v5;
	v9 =	vld [tilespmem:$0x4F0]  }
0x83: {  	v2 =	vadd.f32 v2, v3;
	v3 =	vmul.f32 v4, v7;
	v4 =	vbroadcast v1, $0x6  }
0x84: {  	v7 =	vadd.f32 $5.000000000e-01, v8;
	v8 =	vld [tilespmem:$0x100]  }
0x85: {  	v2 =	vsub.f32 v2, v3;
	v3 =	vmul.f32 v4, v6;
	v4 =	vbroadcast v0, $0x6  }
0x86: {  	v6 =	vtrunc.f32 v7;
	v7 =	vld [tilespmem:$0x500]  }
0x87: {  	v10 =	vpop (erf);
	v2 =	vadd.f32 v2, v3;
	v3 =	vmul.f32 v4, v9;
	v4 =	vbroadcast v1, $0x7  }
0x88: {  	v6 =	vcvt.f32.s32 v6;
	v9 =	vadd.f32 $1.000000000e+00, v10;
	v10 =	vld [tilespmem:$0x110]  }
0x89: {  	v2 =	vsub.f32 v2, v3;
	v3 =	vmul.f32 v4, v8;
	v4 =	vbroadcast v0, $0x7  }
0x8a: {  	v8 =	vcvt.s32.f32 v6;
	(erf) = vrcp.f32 v9;
	v9 =	vld [tilespmem:$0x510]  }
0x8b: {  	v2 =	vadd.f32 v2, v3;
	v3 =	vmul.f32 v4, v7;
	v4 =	vbroadcast v1, $0x8  }
0x8c: {  	v7 =	vmul.f32 $2.500000000e-01, v8;
	v8 =	vld [tilespmem:$0x120]  }
0x8d: {  	v2 =	vsub.f32 v2, v3;
	v3 =	vmul.f32 v4, v10;
	v4 =	vbroadcast v0, $0x8  }
0x8e: {  	v5 =	vsub.f32 v5, v7;
	v7 =	vld [tilespmem:$0x520]  }
0x8f: {  	v2 =	vadd.f32 v2, v3;
	v3 =	vmul.f32 v4, v9;
	v4 =	vbroadcast v1, $0x9  }
0x90: {  	v5 =	vmul.f32 $6.283185480e+00, v5;
	v9 =	vld [tilespmem:$0x130]  }
0x91: {  	v2 =	vsub.f32 v2, v3;
	v3 =	vmul.f32 v4, v8;
	v4 =	vbroadcast v0, $0x9  }
0x92: {  	v10 =	vld [tilespmem:$0x530];
	v8 =	vmul.f32 v5, v5  }
0x93: {  	v11 =	vld [tilespmem:$0x70];
	v12 =	vpop (erf);
	v2 =	vadd.f32 v2, v3;
	v3 =	vmul.f32 v4, v7;
	v4 =	vbroadcast v1, $0xA  }
0x94: {  	v13 =	vld [tilespmem:$0x140];
	v7 =	vmul.f32 $2.480158760e-05, v8;
	v12 =	vadd.f32 v12, v12  }
0x95: {  	v2 =	vsub.f32 v2, v3;
	v3 =	vmul.f32 v4, v9;
	v4 =	vbroadcast v0, $0xA  }
0x96: {  	v14 =	vld [tilespmem:$0x540];
	v7 =	vadd.f32 $-1.388888920e-03, v7;
	v9 =	vmul.f32 $1.984127010e-04, v8;
	v12 =	vsub.f32 $1.000000000e+00, v12  }
0x97: {  	v2 =	vadd.f32 v2, v3;
	v3 =	vmul.f32 v4, v10;
	v4 =	vbroadcast v1, $0xB  }
0x98: {  	v7 =	vmul.f32 v7, v8;
	v9 =	vsub.f32 $8.333333770e-03, v9;
	v10 =	vadd.f32 v12, v11;
	v11 =	vld [tilespmem:$0x150]  }
0x99: {  	v2 =	vsub.f32 v2, v3;
	v3 =	vmul.f32 v4, v13;
	v4 =	vbroadcast v0, $0xB  }
0x9a: {  	v12 =	vld [tilespmem:$0x550];
	v7 =	vadd.f32 $4.166666790e-02, v7;
	v9 =	vmul.f32 v9, v8;
	v10 =	vsub.f32 $0.0e+00, v10  }
0x9b: {  	v2 =	vadd.f32 v2, v3;
	v3 =	vmul.f32 v4, v14;
	v4 =	vbroadcast v1, $0xC  }
0x9c: {  	v13 =	vld [tilespmem:$0x160];
	v7 =	vmul.f32 v7, v8;
	v9 =	vadd.f32 $-1.666666720e-01, v9;
	v10 =	vmul.f32 $1.442695020e+00, v10  }
0x9d: {  	v2 =	vsub.f32 v2, v3;
	v3 =	vmul.f32 v4, v11;
	v4 =	vbroadcast v0, $0xC  }
0x9e: {  	v7 =	vadd.f32 $-5.000000000e-01, v7;
	v9 =	vmul.f32 v9, v8;
	(erf) = vpow2.f32 v10;
	v10 =	vld [tilespmem:$0x560]  }
0x9f: {  	v2 =	vadd.f32 v2, v3;
	v3 =	vmul.f32 v4, v12;
	v4 =	vbroadcast v1, $0xD  }
0xa0: {  	v7 =	vmul.f32 v7, v8;
	v8 =	vadd.f32 $1.000000000e+00, v9;
	v9 =	vld [tilespmem:$0x170]  }
0xa1: {  	v2 =	vsub.f32 v2, v3;
	v3 =	vmul.f32 v4, v13;
	v4 =	vbroadcast v0, $0xD  }
0xa2: {  	v6 =	vand.u32 $0x3, v6;
	v7 =	vadd.f32 $1.000000000e+00, v7;
	v5 =	vmul.f32 v8, v5;
	v8 =	vld [tilespmem:$0x570]  }
0xa3: {  	v2 =	vadd.f32 v2, v3;
	v3 =	vmul.f32 v4, v10;
	v4 =	vbroadcast v1, $0xE  }
0xa4: {  	vm7 =	veq.s32 v6, $0x0;
	vm8 =	veq.s32 v6, $0x2;
	v11 =	vld [tilespmem:$0x180];
	v10 =	vsub.f32 $0.0e+00, v7  }
0xa5: {  	v2 =	vsub.f32 v2, v3;
	v3 =	vmul.f32 v4, v9;
	v4 =	vbroadcast v0, $0xE  }
0xa6: {  	vm9 =	veq.s32 v6, $0x1;
	v12 =	vld [tilespmem:$0x580];
	v6 =	vsub.f32 $0.0e+00, v5;
	v1 =	vbroadcast v1, $0xF  }
0xa7: {  	v9 =	vsel vm8, v10, v5;
	v13 =	vpop (erf);
	v2 =	vadd.f32 v2, v3;
	v3 =	vmul.f32 v4, v8  }
0xa8: {  	v0 =	vbroadcast v0, $0xF;
	v4 =	vsel vm9, v6, v9;
	v8 =	vadd.f32 $1.000000000e+00, v13;
	v9 =	vld [tilespmem:$0x190]  }
0xa9: {  	v6 =	vsel vm8, v6, v10;
	v2 =	vsub.f32 v2, v3;
	v3 =	vmul.f32 v1, v11  }
0xaa: {  	v1 =	vsel vm7, v7, v4;
	v4 =	vsel vm9, v7, v6;
	(erf) = vrcp.f32 v8;
	v6 =	vld [tilespmem:$0x590]  }
0xab: {  	v7 =	vbroadcast v1, $0x0;
	v2 =	vadd.f32 v2, v3;
	v3 =	vmul.f32 v12, v0  }
0xac: {  	v0 =	vsel vm7, v5, v4;
	v4 =	vld [tilespmem:$0x1A0]  }
0xad: {  	v5 =	vbroadcast v0, $0x0;
	v2 =	vsub.f32 v2, v3;
	v3 =	vmul.f32 v7, v9  }
0xae: {  	v7 =	vld [tilespmem:$0x5A0]  }
0xaf: {  	v2 =	vadd.f32 v2, v3;
	v3 =	vmul.f32 v6, v5;
	v5 =	vbroadcast v1, $0x1  }
0xb0: {  	v6 =	vld [tilespmem:$0x1B0]  }
0xb1: {  	v2 =	vsub.f32 v2, v3;
	v3 =	vmul.f32 v4, v5;
	v4 =	vbroadcast v0, $0x1  }
0xb2: {  	v5 =	vld [tilespmem:$0x5B0]  }
0xb3: {  	v8 =	vpop (erf);
	v2 =	vadd.f32 v2, v3;
	v3 =	vmul.f32 v7, v4;
	v4 =	vbroadcast v1, $0x2  }
0xb4: {  	v7 =	vmul.f32 $5.000000000e-01, v8;
	v8 =	vld [tilespmem:$0x1C0]  }
0xb5: {  	v2 =	vsub.f32 v2, v3;
	v3 =	vmul.f32 v6, v4;
	v4 =	vbroadcast v0, $0x2  }
0xb6: {  	v6 =	vmul.f32 s5, v7;
	v7 =	vld [tilespmem:$0x5C0]  }
0xb7: {  	v9 =	vld [tilespmem:$0x40];
	v2 =	vadd.f32 v2, v3;
	v3 =	vmul.f32 v5, v4;
	v4 =	vbroadcast v1, $0x3  }
0xb8: {  	v10 =	vld [tilespmem:$0x1D0];
	v5 =	vtrunc.f32 v6  }
0xb9: {  	v2 =	vsub.f32 v2, v3;
	v3 =	vmul.f32 v8, v4;
	v4 =	vbroadcast v0, $0x3  }
0xba: {  	v5 =	vcvt.f32.s32 v5;
	v8 =	vld [tilespmem:$0x5D0]  }
0xbb: {  	v2 =	vadd.f32 v2, v3;
	v3 =	vmul.f32 v7, v4;
	v4 =	vbroadcast v1, $0x4  }
0xbc: {  	v5 =	vcvt.s32.f32 v5;
	v7 =	vadd.f32 v9, v9;
	v9 =	vld [tilespmem:$0x1E0]  }
0xbd: {  	v2 =	vsub.f32 v2, v3;
	v3 =	vmul.f32 v10, v4;
	v4 =	vbroadcast v0, $0x4  }
0xbe: {  	v5 =	vsub.f32 v6, v5;
	v6 =	vmul.f32 $1.442695020e+00, v7;
	v7 =	vld [tilespmem:$0x5E0]  }
0xbf: {  	v2 =	vadd.f32 v2, v3;
	v3 =	vmul.f32 v8, v4;
	v4 =	vbroadcast v1, $0x5  }
0xc0: {  	v8 =	vmul.f32 $4.000000000e+00, v5;
	(erf) = vpow2.f32 v6;
	v6 =	vld [tilespmem:$0x1F0]  }
0xc1: {  	v2 =	vsub.f32 v2, v3;
	v3 =	vmul.f32 v9, v4;
	v4 =	vbroadcast v0, $0x5  }
0xc2: {  	v8 =	vadd.f32 $5.000000000e-01, v8;
	v9 =	vld [tilespmem:$0x5F0]  }
0xc3: {  	v2 =	vadd.f32 v2, v3;
	v3 =	vmul.f32 v7, v4;
	v4 =	vbroadcast v1, $0x6  }
0xc4: {  	v7 =	vtrunc.f32 v8;
	v8 =	vld [tilespmem:$0x200]  }
0xc5: {  	v2 =	vsub.f32 v2, v3;
	v3 =	vmul.f32 v6, v4;
	v4 =	vbroadcast v0, $0x6  }
0xc6: {  	v6 =	vcvt.f32.s32 v7;
	v7 =	vld [tilespmem:$0x600]  }
0xc7: {  	v2 =	vadd.f32 v2, v3;
	v3 =	vmul.f32 v9, v4;
	v4 =	vbroadcast v1, $0x7  }
0xc8: {  	v10 =	vld [tilespmem:$0x210];
	v9 =	vcvt.s32.f32 v6  }
0xc9: {  	v11 =	vpop (erf);
	v2 =	vsub.f32 v2, v3;
	v3 =	vmul.f32 v8, v4;
	v4 =	vbroadcast v0, $0x7  }
0xca: {  	v8 =	vmul.f32 $2.500000000e-01, v9;
	v9 =	vadd.f32 $1.000000000e+00, v11;
	v11 =	vld [tilespmem:$0x610]  }
0xcb: {  	v2 =	vadd.f32 v2, v3;
	v3 =	vmul.f32 v7, v4;
	v4 =	vbroadcast v1, $0x8  }
0xcc: {  	v5 =	vsub.f32 v5, v8;
	(erf) = vrcp.f32 v9;
	v7 =	vld [tilespmem:$0x220]  }
0xcd: {  	v2 =	vsub.f32 v2, v3;
	v3 =	vmul.f32 v10, v4;
	v4 =	vbroadcast v0, $0x8  }
0xce: {  	v8 =	vld [tilespmem:$0x620];
	v5 =	vmul.f32 $6.283185480e+00, v5  }
0xcf: {  	v2 =	vadd.f32 v2, v3;
	v3 =	vmul.f32 v11, v4;
	v4 =	vbroadcast v1, $0x9  }
0xd0: {  	v10 =	vld [tilespmem:$0x230];
	v9 =	vmul.f32 v5, v5  }
0xd1: {  	v2 =	vsub.f32 v2, v3;
	v3 =	vmul.f32 v7, v4;
	v4 =	vbroadcast v0, $0x9  }
0xd2: {  	v11 =	vld [tilespmem:$0x630];
	v7 =	vmul.f32 $2.480158760e-05, v9  }
0xd3: {  	v2 =	vadd.f32 v2, v3;
	v3 =	vmul.f32 v8, v4;
	v4 =	vbroadcast v1, $0xA  }
0xd4: {  	v7 =	vadd.f32 $-1.388888920e-03, v7;
	v8 =	vld [tilespmem:$0x240]  }
0xd5: {  	v12 =	vld [tilespmem:$0x80];
	v13 =	vpop (erf);
	v2 =	vsub.f32 v2, v3;
	v3 =	vmul.f32 v10, v4;
	v4 =	vbroadcast v0, $0xA  }
0xd6: {  	v7 =	vmul.f32 v7, v9;
	v10 =	vadd.f32 v13, v13;
	v13 =	vld [tilespmem:$0x640]  }
0xd7: {  	v2 =	vadd.f32 v2, v3;
	v3 =	vmul.f32 v11, v4;
	v4 =	vbroadcast v1, $0xB  }
0xd8: {  	v14 =	vld [tilespmem:$0x250];
	v7 =	vadd.f32 $4.166666790e-02, v7;
	v11 =	vmul.f32 $1.984127010e-04, v9;
	v10 =	vsub.f32 $1.000000000e+00, v10  }
0xd9: {  	v2 =	vsub.f32 v2, v3;
	v3 =	vmul.f32 v8, v4;
	v4 =	vbroadcast v0, $0xB  }
0xda: {  	v7 =	vmul.f32 v7, v9;
	v8 =	vsub.f32 $8.333333770e-03, v11;
	v10 =	vadd.f32 v10, v12;
	v11 =	vld [tilespmem:$0x650]  }
0xdb: {  	v2 =	vadd.f32 v2, v3;
	v3 =	vmul.f32 v13, v4;
	v4 =	vbroadcast v1, $0xC  }
0xdc: {  	v12 =	vld [tilespmem:$0x260];
	v7 =	vadd.f32 $-5.000000000e-01, v7;
	v8 =	vmul.f32 v8, v9;
	v10 =	vsub.f32 $0.0e+00, v10  }
0xdd: {  	v2 =	vsub.f32 v2, v3;
	v3 =	vmul.f32 v14, v4;
	v4 =	vbroadcast v0, $0xC  }
0xde: {  	v13 =	vld [tilespmem:$0x660];
	v7 =	vmul.f32 v7, v9;
	v8 =	vadd.f32 $-1.666666720e-01, v8;
	v10 =	vmul.f32 $1.442695020e+00, v10  }
0xdf: {  	v2 =	vadd.f32 v2, v3;
	v3 =	vmul.f32 v11, v4;
	v4 =	vbroadcast v1, $0xD  }
0xe0: {  	v8 =	vmul.f32 v8, v9;
	(erf) = vpow2.f32 v10  }
0xe1: {  	v9 =	vld [tilespmem:$0x270];
	v2 =	vsub.f32 v2, v3;
	v3 =	vmul.f32 v12, v4;
	v4 =	vbroadcast v0, $0xD  }
0xe2: {  	v8 =	vadd.f32 $1.000000000e+00, v8  }
0xe3: {  	v10 =	vld [tilespmem:$0x670];
	v2 =	vadd.f32 v2, v3;
	v3 =	vmul.f32 v13, v4  }
0xe4: {  	v6 =	vand.u32 $0x3, v6;
	v11 =	vld [tilespmem:$0x280];
	v4 =	vbroadcast v1, $0xE;
	v5 =	vmul.f32 v8, v5  }
0xe5: {  	vm10 =	veq.s32 v6, $0x2;
	v7 =	vadd.f32 $1.000000000e+00, v7;
	v2 =	vsub.f32 v2, v3  }
0xe6: {  	v3 =	vmul.f32 v9, v4;
	v4 =	vbroadcast v0, $0xE;
	v9 =	vsub.f32 $0.0e+00, v5  }
0xe7: {  	vm11 =	veq.s32 v6, $0x1;
	v8 =	vsub.f32 $0.0e+00, v7;
	v13 =	vld [tilespmem:$0x680];
	v1 =	vbroadcast v1, $0xF  }
0xe8: {  	vm12 =	veq.s32 v6, $0x0;
	v2 =	vadd.f32 v2, v3;
	v3 =	vmul.f32 v10, v4  }
0xe9: {  	v12 =	vsel vm10, v8, v5;
	v1 =	vmul.f32 v11, v1;
	v6 =	vsel vm10, v9, v8;
	v8 =	vld [tilespmem:$0x290]  }
0xea: {  	v4 =	vsel vm11, v9, v12;
	v9 =	vpop (erf);
	v2 =	vsub.f32 v2, v3;
	v3 =	vbroadcast v0, $0xF  }
0xeb: {  	v0 =	vsel vm12, v7, v4;
	v4 =	vsel vm11, v7, v6;
	v7 =	vld [tilespmem:$0x690];
	v6 =	vadd.f32 $1.000000000e+00, v9  }
0xec: {  	v9 =	vbroadcast v0, $0x0;
	v2 =	vadd.f32 v2, v1;
	v3 =	vmul.f32 v13, v3  }
0xed: {  	v1 =	vsel vm12, v5, v4;
	v4 =	vld [tilespmem:$0x2A0];
	(erf) = vrcp.f32 v6  }
0xee: {  	v5 =	vbroadcast v1, $0x0;
	v2 =	vsub.f32 v2, v3;
	v3 =	vmul.f32 v8, v9  }
0xef: {  	v6 =	vld [tilespmem:$0x6A0]  }
0xf0: {  	v2 =	vadd.f32 v2, v3;
	v3 =	vmul.f32 v7, v5;
	v5 =	vbroadcast v0, $0x1  }
0xf1: {  	v7 =	vld [tilespmem:$0x2B0]  }
0xf2: {  	v2 =	vsub.f32 v2, v3;
	v3 =	vmul.f32 v4, v5;
	v4 =	vbroadcast v1, $0x1  }
0xf3: {  	v5 =	vld [tilespmem:$0x6B0]  }
0xf4: {  	v2 =	vadd.f32 v2, v3;
	v3 =	vmul.f32 v6, v4;
	v4 =	vbroadcast v0, $0x2  }
0xf5: {  	v6 =	vld [tilespmem:$0x2C0]  }
0xf6: {  	v8 =	vpop (erf);
	v2 =	vsub.f32 v2, v3;
	v3 =	vmul.f32 v7, v4;
	v4 =	vbroadcast v1, $0x2  }
0xf7: {  	v7 =	vmul.f32 $5.000000000e-01, v8;
	v8 =	vld [tilespmem:$0x6C0]  }
0xf8: {  	v2 =	vadd.f32 v2, v3;
	v3 =	vmul.f32 v5, v4;
	v4 =	vbroadcast v0, $0x3  }
0xf9: {  	v5 =	vmul.f32 s5, v7;
	v7 =	vld [tilespmem:$0x2D0]  }
0xfa: {  	v2 =	vsub.f32 v2, v3;
	v3 =	vmul.f32 v6, v4;
	v4 =	vbroadcast v1, $0x3  }
0xfb: {  	v9 =	vld [tilespmem:$0x6D0];
	v6 =	vtrunc.f32 v5  }
0xfc: {  	v2 =	vadd.f32 v2, v3;
	v3 =	vmul.f32 v8, v4;
	v4 =	vbroadcast v0, $0x4  }
0xfd: {  	v6 =	vcvt.f32.s32 v6;
	v8 =	vld [tilespmem:$0x2E0]  }
0xfe: {  	v2 =	vsub.f32 v2, v3;
	v3 =	vmul.f32 v7, v4;
	v4 =	vbroadcast v1, $0x4  }
0xff: {  	v6 =	vcvt.s32.f32 v6;
	v7 =	vld [tilespmem:$0x6E0]  }
0x100: {  	v2 =	vadd.f32 v2, v3;
	v3 =	vmul.f32 v9, v4;
	v4 =	vbroadcast v0, $0x5  }
0x101: {  	v5 =	vsub.f32 v5, v6;
	v6 =	vld [tilespmem:$0x2F0]  }
0x102: {  	v2 =	vsub.f32 v2, v3;
	v3 =	vmul.f32 v8, v4;
	v4 =	vbroadcast v1, $0x5  }
0x103: {  	v9 =	vld [tilespmem:$0x6F0];
	v8 =	vmul.f32 $4.000000000e+00, v5  }
0x104: {  	v2 =	vadd.f32 v2, v3;
	v3 =	vmul.f32 v7, v4;
	v4 =	vbroadcast v0, $0x6  }
0x105: {  	v7 =	vadd.f32 $5.000000000e-01, v8;
	v8 =	vld [tilespmem:$0x300]  }
0x106: {  	v2 =	vsub.f32 v2, v3;
	v3 =	vmul.f32 v6, v4;
	v4 =	vbroadcast v1, $0x6  }
0x107: {  	v6 =	vtrunc.f32 v7;
	v7 =	vld [tilespmem:$0x700]  }
0x108: {  	v2 =	vadd.f32 v2, v3;
	v3 =	vmul.f32 v9, v4;
	v4 =	vbroadcast v0, $0x7  }
0x109: {  	v6 =	vcvt.f32.s32 v6;
	v9 =	vld [tilespmem:$0x310]  }
0x10a: {  	v2 =	vsub.f32 v2, v3;
	v3 =	vmul.f32 v8, v4;
	v4 =	vbroadcast v1, $0x7  }
0x10b: {  	v10 =	vld [tilespmem:$0x710];
	v8 =	vcvt.s32.f32 v6  }
0x10c: {  	v2 =	vadd.f32 v2, v3;
	v3 =	vmul.f32 v7, v4;
	v4 =	vbroadcast v0, $0x8  }
0x10d: {  	v7 =	vmul.f32 $2.500000000e-01, v8;
	v8 =	vld [tilespmem:$0x320]  }
0x10e: {  	v2 =	vsub.f32 v2, v3;
	v3 =	vmul.f32 v9, v4;
	v4 =	vbroadcast v1, $0x8  }
0x10f: {  	v5 =	vsub.f32 v5, v7;
	v7 =	vld [tilespmem:$0x720]  }
0x110: {  	v2 =	vadd.f32 v2, v3;
	v3 =	vmul.f32 v10, v4;
	v4 =	vbroadcast v0, $0x9  }
0x111: {  	v9 =	vld [tilespmem:$0x330];
	v5 =	vmul.f32 $6.283185480e+00, v5  }
0x112: {  	v2 =	vsub.f32 v2, v3;
	v3 =	vmul.f32 v8, v4;
	v4 =	vbroadcast v1, $0x9  }
0x113: {  	v10 =	vld [tilespmem:$0x730];
	v8 =	vmul.f32 v5, v5  }
0x114: {  	v2 =	vadd.f32 v2, v3;
	v3 =	vmul.f32 v7, v4;
	v4 =	vbroadcast v0, $0xA  }
0x115: {  	v11 =	vld [tilespmem:$0x340];
	v7 =	vmul.f32 $2.480158760e-05, v8  }
0x116: {  	v2 =	vsub.f32 v2, v3;
	v3 =	vmul.f32 v9, v4;
	v4 =	vbroadcast v1, $0xA  }
0x117: {  	v7 =	vadd.f32 $-1.388888920e-03, v7;
	v9 =	vld [tilespmem:$0x740]  }
0x118: {  	v2 =	vadd.f32 v2, v3;
	v3 =	vmul.f32 v10, v4;
	v4 =	vbroadcast v0, $0xB  }
0x119: {  	v12 =	vld [tilespmem:$0x350];
	v7 =	vmul.f32 v7, v8;
	v10 =	vmul.f32 $1.984127010e-04, v8  }
0x11a: {  	v2 =	vsub.f32 v2, v3;
	v3 =	vmul.f32 v11, v4;
	v4 =	vbroadcast v1, $0xB  }
0x11b: {  	v7 =	vadd.f32 $4.166666790e-02, v7;
	v10 =	vsub.f32 $8.333333770e-03, v10;
	v11 =	vld [tilespmem:$0x750]  }
0x11c: {  	v2 =	vadd.f32 v2, v3;
	v3 =	vmul.f32 v9, v4;
	v4 =	vbroadcast v0, $0xC  }
0x11d: {  	v7 =	vmul.f32 v7, v8;
	v9 =	vmul.f32 v10, v8;
	v10 =	vld [tilespmem:$0x360]  }
0x11e: {  	v2 =	vsub.f32 v2, v3;
	v3 =	vmul.f32 v12, v4;
	v4 =	vbroadcast v1, $0xC  }
0x11f: {  	v7 =	vadd.f32 $-5.000000000e-01, v7;
	v9 =	vadd.f32 $-1.666666720e-01, v9;
	v12 =	vld [tilespmem:$0x760]  }
0x120: {  	v2 =	vadd.f32 v2, v3;
	v3 =	vmul.f32 v11, v4;
	v4 =	vbroadcast v0, $0xD  }
0x121: {  	v6 =	vand.u32 $0x3, v6;
	v7 =	vmul.f32 v7, v8;
	v8 =	vmul.f32 v9, v8;
	v9 =	vld [tilespmem:$0x370]  }
0x122: {  	v2 =	vsub.f32 v2, v3;
	v3 =	vmul.f32 v10, v4;
	v4 =	vbroadcast v1, $0xD  }
0x123: {  	vm13 =	veq.s32 v6, $0x2;
	v8 =	vadd.f32 $1.000000000e+00, v8;
	v10 =	vld [tilespmem:$0x770]  }
0x124: {  	v11 =	vld [tilespmem:$0x380];
	v2 =	vadd.f32 v2, v3;
	v3 =	vmul.f32 v12, v4;
	v4 =	vbroadcast v0, $0xE  }
0x125: {  	vm14 =	veq.s32 v6, $0x1;
	v7 =	vadd.f32 $1.000000000e+00, v7;
	v5 =	vmul.f32 v8, v5  }
0x126: {  	v2 =	vsub.f32 v2, v3;
	v3 =	vmul.f32 v9, v4;
	v4 =	vbroadcast v1, $0xE  }
0x127: {  	v13 =	vld [tilespmem:$0x780];
	v8 =	vsub.f32 $0.0e+00, v7;
	v0 =	vbroadcast v0, $0xF;
	v9 =	vsub.f32 $0.0e+00, v5  }
0x128: {  	vm15 =	veq.s32 v6, $0x0;
	v2 =	vadd.f32 v2, v3;
	v3 =	vmul.f32 v10, v4  }
0x129: {  	v12 =	vsel vm13, v8, v5;
	v0 =	vmul.f32 v11, v0;
	v6 =	vsel vm13, v9, v8;
	v8 =	vld [tilespmem:$0x390]  }
0x12a: {  	v1 =	vbroadcast v1, $0xF;
	v4 =	vsel vm14, v9, v12;
	v2 =	vsub.f32 v2, v3  }
0x12b: {  	v3 =	vsel vm15, v7, v4;
	v4 =	vsel vm14, v7, v6;
	v6 =	vld [tilespmem:$0x790]  }
0x12c: {  	v1 =	vmul.f32 v13, v1;
	v0 =	vadd.f32 v2, v0;
	v2 =	vbroadcast v3, $0x0  }
0x12d: {  	v4 =	vsel vm15, v5, v4;
	v5 =	vld [tilespmem:$0x3A0]  }
0x12e: {  	v0 =	vsub.f32 v0, v1;
	v1 =	vmul.f32 v8, v2;
	v2 =	vbroadcast v4, $0x0  }
0x12f: {  	v7 =	vld [tilespmem:$0x7A0]  }
0x130: {  	v0 =	vadd.f32 v0, v1;
	v1 =	vmul.f32 v6, v2;
	v2 =	vbroadcast v3, $0x1  }
0x131: {  	v6 =	vld [tilespmem:$0x3B0]  }
0x132: {  	v0 =	vsub.f32 v0, v1;
	v1 =	vmul.f32 v5, v2;
	v2 =	vbroadcast v4, $0x1  }
0x133: {  	v5 =	vld [tilespmem:$0x7B0]  }
0x134: {  	v0 =	vadd.f32 v0, v1;
	v1 =	vmul.f32 v7, v2;
	v2 =	vbroadcast v3, $0x2  }
0x135: {  	v7 =	vld [tilespmem:$0x3C0]  }
0x136: {  	v0 =	vsub.f32 v0, v1;
	v1 =	vmul.f32 v6, v2;
	v2 =	vbroadcast v4, $0x2  }
0x137: {  	v6 =	vld [tilespmem:$0x7C0]  }
0x138: {  	v0 =	vadd.f32 v0, v1;
	v1 =	vmul.f32 v5, v2;
	v2 =	vbroadcast v3, $0x3  }
0x139: {  	v5 =	vld [tilespmem:$0x3D0]  }
0x13a: {  	v0 =	vsub.f32 v0, v1;
	v1 =	vmul.f32 v7, v2;
	v2 =	vbroadcast v4, $0x3  }
0x13b: {  	v7 =	vld [tilespmem:$0x7D0]  }
0x13c: {  	v0 =	vadd.f32 v0, v1;
	v1 =	vmul.f32 v6, v2;
	v2 =	vbroadcast v3, $0x4  }
0x13d: {  	v6 =	vld [tilespmem:$0x3E0]  }
0x13e: {  	v0 =	vsub.f32 v0, v1;
	v1 =	vmul.f32 v5, v2;
	v2 =	vbroadcast v4, $0x4  }
0x13f: {  	v5 =	vld [tilespmem:$0x7E0]  }
0x140: {  	v0 =	vadd.f32 v0, v1;
	v1 =	vmul.f32 v7, v2;
	v2 =	vbroadcast v3, $0x5  }
0x141: {  	v7 =	vld [tilespmem:$0x3F0]  }
0x142: {  	v0 =	vsub.f32 v0, v1;
	v1 =	vmul.f32 v6, v2;
	v2 =	vbroadcast v4, $0x5  }
0x143: {  	v6 =	vld [tilespmem:$0x7F0]  }
0x144: {  	v0 =	vadd.f32 v0, v1;
	v1 =	vmul.f32 v5, v2;
	v2 =	vbroadcast v3, $0x6  }
0x145: {  	v5 =	vld [tilespmem:$0x400]  }
0x146: {  	v0 =	vsub.f32 v0, v1;
	v1 =	vmul.f32 v7, v2;
	v2 =	vbroadcast v4, $0x6  }
0x147: {  	v7 =	vld [tilespmem:$0x800]  }
0x148: {  	v0 =	vadd.f32 v0, v1;
	v1 =	vmul.f32 v6, v2;
	v2 =	vbroadcast v3, $0x7  }
0x149: {  	v6 =	vld [tilespmem:$0x410]  }
0x14a: {  	v0 =	vsub.f32 v0, v1;
	v1 =	vmul.f32 v5, v2;
	v2 =	vbroadcast v4, $0x7  }
0x14b: {  	v5 =	vld [tilespmem:$0x810]  }
0x14c: {  	v0 =	vadd.f32 v0, v1;
	v1 =	vmul.f32 v7, v2;
	v2 =	vbroadcast v3, $0x8  }
0x14d: {  	v7 =	vld [tilespmem:$0x420]  }
0x14e: {  	v0 =	vsub.f32 v0, v1;
	v1 =	vmul.f32 v6, v2;
	v2 =	vbroadcast v4, $0x8  }
0x14f: {  	v6 =	vld [tilespmem:$0x820]  }
0x150: {  	v0 =	vadd.f32 v0, v1;
	v1 =	vmul.f32 v5, v2;
	v2 =	vbroadcast v3, $0x9  }
0x151: {  	v5 =	vld [tilespmem:$0x430]  }
0x152: {  	v0 =	vsub.f32 v0, v1;
	v1 =	vmul.f32 v7, v2;
	v2 =	vbroadcast v4, $0x9  }
0x153: {  	v7 =	vld [tilespmem:$0x830]  }
0x154: {  	v0 =	vadd.f32 v0, v1;
	v1 =	vmul.f32 v6, v2;
	v2 =	vbroadcast v3, $0xA  }
0x155: {  	v6 =	vld [tilespmem:$0x440]  }
0x156: {  	v0 =	vsub.f32 v0, v1;
	v1 =	vmul.f32 v5, v2;
	v2 =	vbroadcast v4, $0xA  }
0x157: {  	v5 =	vld [tilespmem:$0x840]  }
0x158: {  	v0 =	vadd.f32 v0, v1;
	v1 =	vmul.f32 v7, v2;
	v2 =	vbroadcast v3, $0xB  }
0x159: {  	v7 =	vld [tilespmem:$0x450]  }
0x15a: {  	v0 =	vsub.f32 v0, v1;
	v1 =	vmul.f32 v6, v2;
	v2 =	vbroadcast v4, $0xB  }
0x15b: {  	v6 =	vld [tilespmem:$0x850]  }
0x15c: {  	v0 =	vadd.f32 v0, v1;
	v1 =	vmul.f32 v5, v2;
	v2 =	vbroadcast v3, $0xC  }
0x15d: {  	v5 =	vld [tilespmem:$0x460]  }
0x15e: {  	v0 =	vsub.f32 v0, v1;
	v1 =	vmul.f32 v7, v2;
	v2 =	vbroadcast v4, $0xC  }
0x15f: {  	v7 =	vld [tilespmem:$0x860]  }
0x160: {  	v0 =	vadd.f32 v0, v1;
	v1 =	vmul.f32 v6, v2;
	v2 =	vbroadcast v3, $0xD  }
0x161: {  	v6 =	vld [tilespmem:$0x470]  }
0x162: {  	v0 =	vsub.f32 v0, v1;
	v1 =	vmul.f32 v5, v2;
	v2 =	vbroadcast v4, $0xD  }
0x163: {  	v5 =	vld [tilespmem:$0x870]  }
0x164: {  	v0 =	vadd.f32 v0, v1;
	v1 =	vmul.f32 v7, v2;
	v2 =	vbroadcast v3, $0xE  }
0x165: {  	v7 =	vld [tilespmem:$0x480]  }
0x166: {  	v0 =	vsub.f32 v0, v1;
	v1 =	vmul.f32 v6, v2;
	v2 =	vbroadcast v4, $0xE  }
0x167: {  	v6 =	vld [tilespmem:$0x880]  }
0x168: {  	v0 =	vadd.f32 v0, v1;
	v1 =	vmul.f32 v5, v2;
	v2 =	vbroadcast v3, $0xF;
	_ =	sdelay $0x1  }
0x169: {  	v0 =	vsub.f32 v0, v1;
	v1 =	vmul.f32 v7, v2;
	v2 =	vbroadcast v4, $0xF;
	_ =	sdelay $0x1  }
0x16a: {  	v0 =	vadd.f32 v0, v1;
	v1 =	vmul.f32 v6, v2;
	_ =	sdelay $0x1  }
0x16b: {  	v0 =	vsub.f32 v0, v1;
	_ =	sdelay $0x1  }
0x16c: {  	v0 =	vmul.f32 $1.250000000e-01, v0;
	_ =	sdelay $0x1  }
0x16d: {  	s25 =	sshll.u32 s1, $0x4;
	[tilespmem:$0x1FF90] =	vst v0  }
0x16e: {  	s26 =	simm.s32 $0x890;
	s28 =	simm.s32 $0x3;
	s5 =	sadd.s32 s25, s4;
	[tilespmem:$0x890] =	vst v0  }
0x16f: {  	[spmem:s5] =	stream.linear.scatter [tilespmem:s26], [sflag:$0x3], $0x10, $0x38;
	[tilespmem:$0x65D0] =	vst v63  }
0x170: {  	_ =	swait.ge [sflag:s28], $0x10  }
0x171: {  	[sflag:s28] =	ssyncset.done $0x0  }
0x172: {  	s29 =	simm.s32 $0x2;
	[sflag:s28] =	ssyncadd.s32 $0xFFFFFFF0  }
0x173: {  	_ =	swait.ge [sflag:s29], $0x400  }
0x174: {  	[sflag:s29] =	ssyncset.done $0x0  }
0x175: {  	[sflag:s29] =	ssyncadd.s32 $0xFFFFFC00  }
0x176: {  	_ =	swait.ge [sflag:s29], $0x400  }
0x177: {  	[sflag:s29] =	ssyncset.done $0x0  }
0x178: {  	[sflag:s29] =	ssyncadd.s32 $0xFFFFFC00  }
0x179: {  	v1 =	vld [tilespmem:$0x8B0]  }
0x17a: {  	v2 =	vld [tilespmem:$0xCB0]  }
0x17b: {  	v3 =	vld [tilespmem:$0x8C0]  }
0x17c: {  	v4 =	vld [tilespmem:$0xCC0]  }
0x17d: {  	v5 =	vld [tilespmem:$0x8D0]  }
0x17e: {  	v6 =	vld [tilespmem:$0xCD0]  }
0x17f: {  	v7 =	vld [tilespmem:$0x8E0]  }
0x180: {  	v8 =	vld [tilespmem:$0xCE0]  }
0x181: {  	v9 =	vld [tilespmem:$0x8F0]  }
0x182: {  	v10 =	vld [tilespmem:$0xCF0]  }
0x183: {  	v11 =	vld [tilespmem:$0x900]  }
0x184: {  	v12 =	vld [tilespmem:$0xD00]  }
0x185: {  	v13 =	vld [tilespmem:$0x910]  }
0x186: {  	v14 =	vld [tilespmem:$0xD10]  }
0x187: {  	v15 =	vld [tilespmem:$0x920]  }
0x188: {  	v16 =	vld [tilespmem:$0xD20]  }
0x189: {  	v17 =	vld [tilespmem:$0x930]  }
0x18a: {  	v18 =	vld [tilespmem:$0xD30]  }
0x18b: {  	v19 =	vld [tilespmem:$0x940]  }
0x18c: {  	v20 =	vld [tilespmem:$0xD40]  }
0x18d: {  	v21 =	vld [tilespmem:$0x950]  }
0x18e: {  	v22 =	vld [tilespmem:$0xD50]  }
0x18f: {  	v23 =	vld [tilespmem:$0x960]  }
0x190: {  	v24 =	vld [tilespmem:$0xD60]  }
0x191: {  	v25 =	vld [tilespmem:$0x970]  }
0x192: {  	v26 =	vld [tilespmem:$0xD70]  }
0x193: {  	v27 =	vld [tilespmem:$0x980]  }
0x194: {  	v28 =	vld [tilespmem:$0xD80]  }
0x195: {  	v29 =	vld [tilespmem:$0x990]  }
0x196: {  	v30 =	vld [tilespmem:$0xD90]  }
0x197: {  	v31 =	vld [tilespmem:$0x9A0]  }
0x198: {  	v32 =	vld [tilespmem:$0xDA0]  }
0x199: {  	v33 =	vld [tilespmem:$0x9B0]  }
0x19a: {  	v34 =	vld [tilespmem:$0xDB0]  }
0x19b: {  	v35 =	vld [tilespmem:$0x9C0]  }
0x19c: {  	v36 =	vld [tilespmem:$0xDC0]  }
0x19d: {  	v37 =	vld [tilespmem:$0x9D0]  }
0x19e: {  	v38 =	vld [tilespmem:$0xDD0]  }
0x19f: {  	v39 =	vld [tilespmem:$0x9E0]  }
0x1a0: {  	v40 =	vld [tilespmem:$0xDE0]  }
0x1a1: {  	v41 =	vld [tilespmem:$0x9F0]  }
0x1a2: {  	v42 =	vld [tilespmem:$0xDF0]  }
0x1a3: {  	v43 =	vld [tilespmem:$0xA00]  }
0x1a4: {  	v44 =	vld [tilespmem:$0xE00]  }
0x1a5: {  	v45 =	vld [tilespmem:$0xA10]  }
0x1a6: {  	v46 =	vld [tilespmem:$0xE10]  }
0x1a7: {  	v47 =	vld [tilespmem:$0xA20]  }
0x1a8: {  	v48 =	vld [tilespmem:$0xE20]  }
0x1a9: {  	v49 =	vld [tilespmem:$0xA30]  }
0x1aa: {  	v50 =	vld [tilespmem:$0xE30]  }
0x1ab: {  	v51 =	vld [tilespmem:$0xA40]  }
0x1ac: {  	v52 =	vld [tilespmem:$0xE40]  }
0x1ad: {  	v53 =	vld [tilespmem:$0xA50]  }
0x1ae: {  	v54 =	vld [tilespmem:$0xE50]  }
0x1af: {  	v55 =	vld [tilespmem:$0xA60]  }
0x1b0: {  	v56 =	vld [tilespmem:$0xE60]  }
0x1b1: {  	v0 =	vld [tilespmem:$0xAA0]  }
0x1b2: {  	v63 =	vld [tilespmem:$0xAB0]  }
0x1b3: {  	v57 =	vld [tilespmem:$0xA70]  }
0x1b4: {  	v58 =	vld [tilespmem:$0xE70]  }
0x1b5: {  	v59 =	vld [tilespmem:$0xA80]  }
0x1b6: {  	v60 =	vld [tilespmem:$0xE80];
	[tilespmem:$0x1FFA0] =	vst v0;
	v1 =	vsub.f32 v1, v2  }
0x1b7: {  	[tilespmem:$0x1FFB0] =	vst v63;
	v63 =	vld [tilespmem:$0xEB0];
	v3 =	vsub.f32 v3, v4  }
0x1b8: {  	v61 =	vld [tilespmem:$0xA90];
	[tilespmem:$0x10B0] =	vst v1;
	v1 =	vsub.f32 v5, v6  }
0x1b9: {  	v62 =	vld [tilespmem:$0xE90];
	[tilespmem:$0x10C0] =	vst v3;
	v3 =	vsub.f32 v7, v8  }
0x1ba: {  	v0 =	vld [tilespmem:$0xEA0];
	[tilespmem:$0x10D0] =	vst v1  }
0x1bb: {  	v2 =	vld [tilespmem:$0xED0];
	v1 =	vsub.f32 v9, v10;
	[tilespmem:$0x10E0] =	vst v3  }
0x1bc: {  	v3 =	vsub.f32 v11, v12;
	[tilespmem:$0x1FFC0] =	vst v63;
	v63 =	vld [tilespmem:$0xAC0]  }
0x1bd: {  	v4 =	vld [tilespmem:$0xAE0];
	[tilespmem:$0x10F0] =	vst v1;
	v1 =	vsub.f32 v13, v14  }
0x1be: {  	v5 =	vld [tilespmem:$0xEE0];
	[tilespmem:$0x1100] =	vst v3;
	v3 =	vsub.f32 v15, v16  }
0x1bf: {  	v6 =	vld [tilespmem:$0xAF0];
	[tilespmem:$0x1110] =	vst v1  }
0x1c0: {  	v7 =	vld [tilespmem:$0xEF0];
	v1 =	vsub.f32 v17, v18;
	[tilespmem:$0x1120] =	vst v3  }
0x1c1: {  	v8 =	vld [tilespmem:$0xB00];
	v3 =	vsub.f32 v19, v20;
	[tilespmem:$0x1FFD0] =	vst v63  }
0x1c2: {  	v9 =	vld [tilespmem:$0xF00];
	[tilespmem:$0x1130] =	vst v1;
	v1 =	vsub.f32 v21, v22  }
0x1c3: {  	v63 =	vld [tilespmem:$0xEC0];
	[tilespmem:$0x1140] =	vst v3;
	v3 =	vsub.f32 v23, v24  }
0x1c4: {  	v10 =	vld [tilespmem:$0xB10];
	[tilespmem:$0x1150] =	vst v1;
	v1 =	vsub.f32 v25, v26  }
0x1c5: {  	v11 =	vld [tilespmem:$0xF10];
	[tilespmem:$0x1160] =	vst v3;
	v3 =	vsub.f32 v27, v28  }
0x1c6: {  	v12 =	vld [tilespmem:$0xB20];
	[tilespmem:$0x1170] =	vst v1  }
0x1c7: {  	v13 =	vld [tilespmem:$0xF20];
	v1 =	vsub.f32 v29, v30;
	[tilespmem:$0x1180] =	vst v3  }
0x1c8: {  	v3 =	vsub.f32 v31, v32;
	[tilespmem:$0x1FFE0] =	vst v63;
	v63 =	vld [tilespmem:$0xAD0]  }
0x1c9: {  	v14 =	vld [tilespmem:$0xB30];
	[tilespmem:$0x1190] =	vst v1;
	v1 =	vsub.f32 v33, v34  }
0x1ca: {  	v15 =	vld [tilespmem:$0xF30];
	[tilespmem:$0x11A0] =	vst v3;
	v3 =	vsub.f32 v35, v36  }
0x1cb: {  	v16 =	vld [tilespmem:$0xB40];
	[tilespmem:$0x11B0] =	vst v1  }
0x1cc: {  	v17 =	vld [tilespmem:$0xF40];
	v1 =	vsub.f32 v37, v38;
	[tilespmem:$0x11C0] =	vst v3  }
0x1cd: {  	v18 =	vld [tilespmem:$0xB50];
	v3 =	vsub.f32 v39, v40;
	[tilespmem:$0x1FFF0] =	vst v63  }
0x1ce: {  	v19 =	vld [tilespmem:$0xF50];
	[tilespmem:$0x11D0] =	vst v1;
	v1 =	vsub.f32 v41, v42  }
0x1cf: {  	v20 =	vld [tilespmem:$0xB60];
	[tilespmem:$0x11E0] =	vst v3;
	v3 =	vsub.f32 v43, v44  }
0x1d0: {  	v21 =	vld [tilespmem:$0xF60];
	[tilespmem:$0x11F0] =	vst v1;
	v1 =	vsub.f32 v45, v46  }
0x1d1: {  	v22 =	vld [tilespmem:$0xB70];
	[tilespmem:$0x1200] =	vst v3;
	v3 =	vsub.f32 v47, v48  }
0x1d2: {  	v23 =	vld [tilespmem:$0xF70];
	[tilespmem:$0x1210] =	vst v1;
	v1 =	vsub.f32 v49, v50  }
0x1d3: {  	v44 =	vld [tilespmem:$0xB80];
	[tilespmem:$0x1220] =	vst v3;
	v3 =	vsub.f32 v51, v52  }
0x1d4: {  	v63 =	vld [tilespmem:$0xBE0];
	[tilespmem:$0x1230] =	vst v1;
	v1 =	vsub.f32 v53, v54  }
0x1d5: {  	v46 =	vld [tilespmem:$0xF80];
	[tilespmem:$0x1240] =	vst v3;
	v3 =	vsub.f32 v55, v56  }
0x1d6: {  	v48 =	vld [tilespmem:$0xB90];
	[tilespmem:$0x1250] =	vst v1;
	v1 =	vsub.f32 v57, v58  }
0x1d7: {  	v50 =	vld [tilespmem:$0xF90];
	[tilespmem:$0x1260] =	vst v3;
	v3 =	vsub.f32 v59, v60  }
0x1d8: {  	v60 =	vld [tilespmem:$0x1FFC0];
	[tilespmem:$0x1270] =	vst v1;
	v1 =	vsub.f32 v61, v62  }
0x1d9: {  	[tilespmem:$0x1280] =	vst v3;
	v3 =	vld [tilespmem:$0x1FFA0]  }
0x1da: {  	[tilespmem:$0x1290] =	vst v1;
	v1 =	vld [tilespmem:$0x1FFB0]  }
0x1db: {  	v52 =	vld [tilespmem:$0xBA0]  }
0x1dc: {  	v54 =	vld [tilespmem:$0xFA0]  }
0x1dd: {  	v56 =	vld [tilespmem:$0xBB0]  }
0x1de: {  	v57 =	vld [tilespmem:$0xFB0];
	v0 =	vsub.f32 v3, v0  }
0x1df: {  	v62 =	vld [tilespmem:$0x1FFE0];
	v1 =	vsub.f32 v1, v60  }
0x1e0: {  	[tilespmem:$0x12A0] =	vst v0;
	v0 =	vld [tilespmem:$0x1FFD0]  }
0x1e1: {  	[tilespmem:$0x12B0] =	vst v1;
	v1 =	vld [tilespmem:$0x1FFF0]  }
0x1e2: {  	v58 =	vld [tilespmem:$0xBC0]  }
0x1e3: {  	v59 =	vld [tilespmem:$0xFC0]  }
0x1e4: {  	v61 =	vld [tilespmem:$0xFD0]  }
0x1e5: {  	v3 =	vld [tilespmem:$0xBD0];
	v0 =	vsub.f32 v0, v62  }
0x1e6: {  	v1 =	vsub.f32 v1, v2;
	v2 =	vld [tilespmem:$0xFE0]  }
0x1e7: {  	[tilespmem:$0x12C0] =	vst v0;
	v0 =	vsub.f32 v4, v5;
	v4 =	vld [tilespmem:$0xBF0]  }
0x1e8: {  	v5 =	vld [tilespmem:$0xFF0];
	[tilespmem:$0x12D0] =	vst v1;
	v1 =	vsub.f32 v6, v7  }
0x1e9: {  	[tilespmem:$0x12E0] =	vst v0;
	v0 =	vsub.f32 v8, v9;
	v6 =	vld [tilespmem:$0xC00]  }
0x1ea: {  	v7 =	vld [tilespmem:$0x1000];
	[tilespmem:$0x12F0] =	vst v1;
	v1 =	vsub.f32 v10, v11  }
0x1eb: {  	v8 =	vld [tilespmem:$0xC10];
	[tilespmem:$0x1300] =	vst v0;
	v0 =	vsub.f32 v12, v13  }
0x1ec: {  	v9 =	vld [tilespmem:$0x1010];
	[tilespmem:$0x1310] =	vst v1;
	v1 =	vsub.f32 v14, v15  }
0x1ed: {  	v10 =	vld [tilespmem:$0xC20];
	[tilespmem:$0x1320] =	vst v0;
	v0 =	vsub.f32 v16, v17  }
0x1ee: {  	v11 =	vld [tilespmem:$0x1020];
	[tilespmem:$0x1330] =	vst v1;
	v1 =	vsub.f32 v18, v19  }
0x1ef: {  	v12 =	vld [tilespmem:$0xC30];
	[tilespmem:$0x1340] =	vst v0;
	v0 =	vsub.f32 v20, v21  }
0x1f0: {  	v13 =	vld [tilespmem:$0x1030];
	[tilespmem:$0x1350] =	vst v1;
	v1 =	vsub.f32 v22, v23  }
0x1f1: {  	v14 =	vld [tilespmem:$0xC40];
	[tilespmem:$0x1360] =	vst v0;
	v0 =	vsub.f32 v44, v46  }
0x1f2: {  	v15 =	vld [tilespmem:$0x1040];
	[tilespmem:$0x1370] =	vst v1;
	v1 =	vsub.f32 v48, v50  }
0x1f3: {  	v16 =	vld [tilespmem:$0xC50];
	[tilespmem:$0x1380] =	vst v0;
	v0 =	vsub.f32 v52, v54  }
0x1f4: {  	v17 =	vld [tilespmem:$0x1050];
	[tilespmem:$0x1390] =	vst v1;
	v1 =	vsub.f32 v56, v57  }
0x1f5: {  	v18 =	vld [tilespmem:$0xC60];
	[tilespmem:$0x13A0] =	vst v0;
	v0 =	vsub.f32 v58, v59  }
0x1f6: {  	[tilespmem:$0x13B0] =	vst v1;
	v1 =	vsub.f32 v3, v61;
	v3 =	vld [tilespmem:$0x1060]  }
0x1f7: {  	[tilespmem:$0x13C0] =	vst v0;
	v0 =	vsub.f32 v63, v2;
	v2 =	vld [tilespmem:$0xC70]  }
0x1f8: {  	[tilespmem:$0x13D0] =	vst v1;
	v1 =	vsub.f32 v4, v5;
	v4 =	vld [tilespmem:$0x1070]  }
0x1f9: {  	[tilespmem:$0x13E0] =	vst v0;
	v0 =	vsub.f32 v6, v7;
	v5 =	vld [tilespmem:$0xC80]  }
0x1fa: {  	v6 =	vld [tilespmem:$0x1080];
	[tilespmem:$0x13F0] =	vst v1;
	v1 =	vsub.f32 v8, v9  }
0x1fb: {  	v7 =	vld [tilespmem:$0xC90];
	[tilespmem:$0x1400] =	vst v0;
	v0 =	vsub.f32 v10, v11  }
0x1fc: {  	v8 =	vld [tilespmem:$0x1090];
	[tilespmem:$0x1410] =	vst v1;
	v1 =	vsub.f32 v12, v13  }
0x1fd: {  	v9 =	vld [tilespmem:$0xCA0];
	[tilespmem:$0x1420] =	vst v0;
	v0 =	vsub.f32 v14, v15  }
0x1fe: {  	v10 =	vld [tilespmem:$0x10A0];
	[tilespmem:$0x1430] =	vst v1;
	v1 =	vsub.f32 v16, v17  }
0x1ff: {  	[tilespmem:$0x1440] =	vst v0;
	v0 =	vsub.f32 v18, v3  }
0x200: {  	[tilespmem:$0x1450] =	vst v1;
	v1 =	vsub.f32 v2, v4  }
0x201: {  	[tilespmem:$0x1460] =	vst v0;
	v0 =	vsub.f32 v5, v6  }
0x202: {  	[tilespmem:$0x1470] =	vst v1;
	v1 =	vsub.f32 v7, v8  }
0x203: {  	[tilespmem:$0x1480] =	vst v0;
	v0 =	vsub.f32 v9, v10  }
0x204: {  	[tilespmem:$0x1490] =	vst v1  }
0x205: {  	[tilespmem:$0x14A0] =	vst v0  }
0x206: {  	s30 =	simm.s32 $0x14B0;
	[bflag:$0x0] =	sbarrier.arrive $0xFFFF  }
0x207: {  	[tilespmem:s30], [sflag:$0x3] =	stream.linear.gather [spmem:s4], $0x100, $0x38;
	[tilespmem:$0x65D0] =	vst v63  }
0x208: {  	_ =	swait.ge [sflag:s28], $0x100  }
0x209: {  	[sflag:s28] =	ssyncset.done $0x0  }
0x20a: {  	[sflag:s28] =	ssyncadd.s32 $0xFFFFFF00  }
0x20b: {  	_ =	swait.ge [sflag:s29], $0x5000  }
0x20c: {  	[sflag:s29] =	ssyncset.done $0x0  }
0x20d: {  	s31 =	simm.s32 $0x0;
	[sflag:s29] =	ssyncadd.s32 $0xFFFFB000  }
0x20e: {  	v12 =	vld [tilespmem:s31+$0x10B0]  }
0x20f: {  	s4 =	simm.s32 $0x1630  }
0x210: {  	v0 =	vld [tilespmem:s4+$0xFFFFFF80];
	_ =	sdelay $0x1  }
0x211: {  	v4 =	vimm.s32 $0x0;
	v3 =	vld [tilespmem:s4+$0xFFFFFF90]  }
0x212: {  	v2 =	vperm.xlane v12, v4  }
0x213: {  	v1 =	vimm.s32 $0x1;
	v5 =	vld [tilespmem:s4+$0xFFFFFFA0]  }
0x214: {  	v6 =	vperm.xlane v12, v1;
	v0 =	vmul.f32 v0, v2  }
0x215: {  	v7 =	vimm.f32 $0.0e+00;
	v8 =	vld [tilespmem:s4+$0xFFFFFFB0];
	v2 =	vimm.s32 $0x2  }
0x216: {  	v6 =	vmul.f32 v3, v6;
	v0 =	vadd.f32 v0, v7;
	v7 =	vperm.xlane v12, v2  }
0x217: {  	v9 =	vld [tilespmem:s4+$0xFFFFFFC0];
	v3 =	vimm.s32 $0x3  }
0x218: {  	v0 =	vadd.f32 v6, v0;
	v6 =	vmul.f32 v5, v7;
	v7 =	vperm.xlane v12, v3  }
0x219: {  	v10 =	vld [tilespmem:s4+$0xFFFFFFD0];
	v5 =	vimm.s32 $0x4  }
0x21a: {  	v0 =	vadd.f32 v6, v0;
	v7 =	vmul.f32 v8, v7;
	v8 =	vperm.xlane v12, v5  }
0x21b: {  	v11 =	vld [tilespmem:s4+$0xFFFFFFE0];
	v6 =	vimm.s32 $0x5  }
0x21c: {  	v0 =	vadd.f32 v7, v0;
	v8 =	vmul.f32 v9, v8;
	v9 =	vperm.xlane v12, v6  }
0x21d: {  	v13 =	vld [tilespmem:s4+$0xFFFFFFF0];
	v7 =	vimm.s32 $0x6  }
0x21e: {  	v0 =	vadd.f32 v8, v0;
	v9 =	vmul.f32 v10, v9;
	v10 =	vperm.xlane v12, v7  }
0x21f: {  	v14 =	vld [tilespmem:s4+$0x0];
	v8 =	vimm.s32 $0x7  }
0x220: {  	v0 =	vadd.f32 v9, v0;
	v10 =	vmul.f32 v11, v10;
	v11 =	vperm.xlane v12, v8  }
0x221: {  	v15 =	vld [tilespmem:s4+$0x10];
	v9 =	vimm.s32 $0x8  }
0x222: {  	v0 =	vadd.f32 v10, v0;
	v10 =	vmul.f32 v13, v11;
	v13 =	vperm.xlane v12, v9  }
0x223: {  	v16 =	vld [tilespmem:s4+$0x20];
	v11 =	vimm.s32 $0x9  }
0x224: {  	v0 =	vadd.f32 v10, v0;
	v10 =	vmul.f32 v14, v13;
	v14 =	vperm.xlane v12, v11  }
0x225: {  	v17 =	vld [tilespmem:s4+$0x30];
	v13 =	vimm.s32 $0xA  }
0x226: {  	v0 =	vadd.f32 v10, v0;
	v10 =	vmul.f32 v15, v14;
	v14 =	vperm.xlane v12, v13  }
0x227: {  	v20 =	vld [tilespmem:s4+$0x40];
	v15 =	vimm.s32 $0xB  }
0x228: {  	v0 =	vadd.f32 v10, v0;
	v10 =	vmul.f32 v16, v14;
	v14 =	vperm.xlane v12, v15  }
0x229: {  	v18 =	vld [tilespmem:s4+$0x50];
	v16 =	vimm.s32 $0xC  }
0x22a: {  	v22 =	vperm.xlane v12, v16;
	v0 =	vadd.f32 v10, v0;
	v21 =	vmul.f32 v17, v14  }
0x22b: {  	v19 =	vld [tilespmem:s4+$0x60];
	v17 =	vimm.s32 $0xD;
	v14 =	vimm.s32 $0xE;
	v10 =	vimm.s32 $0xF  }
0x22c: {  	s6 =	simm.s32 $0x10;
	s5 =	simm.s32 $0x80;
	v22 =	vmul.f32 v20, v22;
	v23 =	vperm.xlane v12, v17;
	v20 =	vld [tilespmem:s4+$0x70];
	v21 =	vadd.f32 v21, v0  }
.LBB2_1:
0x22d: {  	p0 =	sne.s32 s5, $0x13C0;
	v0 =	vld [tilespmem:s6+$0x10B0]  }
0x22e: {  	s4 =	sadd.s32 $0x100, s4;
	v21 =	vadd.f32 v22, v21;
	v18 =	vmul.f32 v18, v23;
	v22 =	vperm.xlane v12, v14  }
0x22f: {  	v23 =	vld [tilespmem:s4+$0xFFFFFF80]  }
0x230: {  	v24 =	vperm.xlane v12, v10;
	v18 =	vadd.f32 v18, v21;
	v19 =	vmul.f32 v19, v22  }
0x231: {  	v21 =	vld [tilespmem:s4+$0xFFFFFF90]  }
0x232: {  	v22 =	vperm.xlane v0, v4;
	v18 =	vadd.f32 v19, v18;
	v19 =	vmul.f32 v20, v24;
	v12 =	vmovc v0  }
0x233: {  	v0 =	vld [tilespmem:s4+$0xFFFFFFA0]  }
0x234: {  	v20 =	vmul.f32 v23, v22;
	v22 =	vperm.xlane v12, v1;
	v18 =	vadd.f32 v19, v18  }
0x235: {  	v19 =	vld [tilespmem:s4+$0xFFFFFFB0]  }
0x236: {  	v18 =	vadd.f32 v20, v18;
	v20 =	vmul.f32 v21, v22;
	v21 =	vperm.xlane v12, v2  }
0x237: {  	v22 =	vld [tilespmem:s4+$0xFFFFFFC0]  }
0x238: {  	v18 =	vadd.f32 v20, v18;
	v0 =	vmul.f32 v0, v21;
	v20 =	vperm.xlane v12, v3  }
0x239: {  	v21 =	vld [tilespmem:s4+$0xFFFFFFD0]  }
0x23a: {  	v0 =	vadd.f32 v0, v18;
	v18 =	vmul.f32 v19, v20;
	v19 =	vperm.xlane v12, v5  }
0x23b: {  	v20 =	vld [tilespmem:s4+$0xFFFFFFE0]  }
0x23c: {  	v0 =	vadd.f32 v18, v0;
	v18 =	vmul.f32 v22, v19;
	v19 =	vperm.xlane v12, v6  }
0x23d: {  	v22 =	vld [tilespmem:s4+$0xFFFFFFF0]  }
0x23e: {  	v0 =	vadd.f32 v18, v0;
	v18 =	vmul.f32 v21, v19;
	v19 =	vperm.xlane v12, v7  }
0x23f: {  	v21 =	vld [tilespmem:s4+$0x0]  }
0x240: {  	v0 =	vadd.f32 v18, v0;
	v18 =	vmul.f32 v20, v19;
	v19 =	vperm.xlane v12, v8  }
0x241: {  	v20 =	vld [tilespmem:s4+$0x10]  }
0x242: {  	v0 =	vadd.f32 v18, v0;
	v18 =	vmul.f32 v22, v19;
	v19 =	vperm.xlane v12, v9  }
0x243: {  	v22 =	vld [tilespmem:s4+$0x20]  }
0x244: {  	v0 =	vadd.f32 v18, v0;
	v18 =	vmul.f32 v21, v19;
	v19 =	vperm.xlane v12, v11  }
0x245: {  	v21 =	vld [tilespmem:s4+$0x30]  }
0x246: {  	v0 =	vadd.f32 v18, v0;
	v18 =	vmul.f32 v20, v19;
	v19 =	vperm.xlane v12, v13  }
0x247: {  	v20 =	vld [tilespmem:s4+$0x40]  }
.Ltmp0:
0x248: {  	v0 =	vadd.f32 v18, v0;
	v19 =	vmul.f32 v22, v19;
	v22 =	vperm.xlane v12, v15;
	(pc) =	sbr.rel @p0 .LBB2_1-.Ltmp0, $4  }
0x249: {  	v18 =	vld [tilespmem:s4+$0x50]  }
0x24a: {  	v0 =	vadd.f32 v19, v0;
	v21 =	vmul.f32 v21, v22;
	v22 =	vperm.xlane v12, v16  }
0x24b: {  	v19 =	vld [tilespmem:s4+$0x60]  }
0x24c: {  	s6 =	sshra.s32 s5, $0x2;
	s5 =	sadd.s32 $0x40, s5;
	v23 =	vperm.xlane v12, v17;
	v21 =	vadd.f32 v21, v0;
	v22 =	vmul.f32 v20, v22;
	v20 =	vld [tilespmem:s4+$0x70]  }
0x24d: {  	v0 =	vld [tilespmem:s6+$0x10B0]  }
0x24e: {  	v60 =	vperm.xlane v12, v14;
	s4 =	sadd.s32 $0x100, s4;
	v21 =	vadd.f32 v22, v21;
	v18 =	vmul.f32 v18, v23  }
0x24f: {  	v61 =	vld [tilespmem:s4+$0xFFFFFF80]  }
0x250: {  	v62 =	vperm.xlane v12, v10;
	v18 =	vadd.f32 v18, v21;
	v19 =	vmul.f32 v19, v60  }
0x251: {  	v63 =	vld [tilespmem:s4+$0xFFFFFF90]  }
0x252: {  	v12 =	vmul.f32 v20, v62;
	v4 =	vperm.xlane v0, v4;
	v18 =	vadd.f32 v19, v18  }
0x253: {  	v24 =	vld [tilespmem:s4+$0xFFFFFFA0]  }
0x254: {  	v1 =	vperm.xlane v0, v1;
	v4 =	vmul.f32 v61, v4;
	v12 =	vadd.f32 v12, v18  }
0x255: {  	v25 =	vld [tilespmem:s4+$0xFFFFFFB0]  }
0x256: {  	v2 =	vperm.xlane v0, v2;
	v1 =	vmul.f32 v63, v1;
	v4 =	vadd.f32 v4, v12  }
0x257: {  	v26 =	vld [tilespmem:s4+$0xFFFFFFC0]  }
0x258: {  	v3 =	vperm.xlane v0, v3;
	v2 =	vmul.f32 v24, v2;
	v1 =	vadd.f32 v1, v4  }
0x259: {  	v27 =	vld [tilespmem:s4+$0xFFFFFFD0]  }
0x25a: {  	v29 =	vperm.xlane v0, v5;
	v28 =	vmul.f32 v25, v3;
	v1 =	vadd.f32 v2, v1  }
0x25b: {  	v30 =	vld [tilespmem:s4+$0xFFFFFFE0]  }
0x25c: {  	v32 =	vperm.xlane v0, v6;
	v31 =	vmul.f32 v26, v29;
	v1 =	vadd.f32 v28, v1  }
0x25d: {  	v33 =	vld [tilespmem:s4+$0xFFFFFFF0]  }
0x25e: {  	v35 =	vperm.xlane v0, v7;
	v34 =	vmul.f32 v27, v32;
	v1 =	vadd.f32 v31, v1  }
0x25f: {  	v36 =	vld [tilespmem:s4+$0x0]  }
0x260: {  	v38 =	vperm.xlane v0, v8;
	v37 =	vmul.f32 v30, v35;
	v1 =	vadd.f32 v34, v1  }
0x261: {  	v39 =	vld [tilespmem:s4+$0x10]  }
0x262: {  	v41 =	vperm.xlane v0, v9;
	v40 =	vmul.f32 v33, v38;
	v1 =	vadd.f32 v37, v1  }
0x263: {  	v42 =	vld [tilespmem:s4+$0x20]  }
0x264: {  	v44 =	vperm.xlane v0, v11;
	v43 =	vmul.f32 v36, v41;
	v1 =	vadd.f32 v40, v1  }
0x265: {  	v45 =	vld [tilespmem:s4+$0x30]  }
0x266: {  	v47 =	vperm.xlane v0, v13;
	v46 =	vmul.f32 v39, v44;
	v1 =	vadd.f32 v43, v1  }
0x267: {  	v48 =	vld [tilespmem:s4+$0x40]  }
0x268: {  	v50 =	vperm.xlane v0, v15;
	v49 =	vmul.f32 v42, v47;
	v1 =	vadd.f32 v46, v1  }
0x269: {  	v51 =	vld [tilespmem:s4+$0x50]  }
0x26a: {  	v53 =	vperm.xlane v0, v16;
	v52 =	vmul.f32 v45, v50;
	v1 =	vadd.f32 v49, v1  }
0x26b: {  	v54 =	vld [tilespmem:s4+$0x60]  }
0x26c: {  	v56 =	vperm.xlane v0, v17;
	v55 =	vmul.f32 v48, v53;
	v1 =	vadd.f32 v52, v1  }
0x26d: {  	v57 =	vld [tilespmem:s4+$0x70]  }
0x26e: {  	v59 =	vperm.xlane v0, v14;
	v58 =	vmul.f32 v51, v56;
	v1 =	vadd.f32 v55, v1;
	_ =	sdelay $0x1  }
0x26f: {  	v0 =	vperm.xlane v0, v10;
	v60 =	vmul.f32 v54, v59;
	v1 =	vadd.f32 v58, v1;
	_ =	sdelay $0x1  }
0x270: {  	v0 =	vmul.f32 v57, v0;
	v1 =	vadd.f32 v60, v1;
	_ =	sdelay $0x1  }
0x271: {  	v0 =	vadd.f32 v0, v1;
	_ =	sdelay $0x1  }
0x272: {  	v1 =	vand.u32 $0x7FFFFFFF, v0  }
0x273: {  	v1 =	vadd.f32 $1.000000000e+00, v1;
	_ =	sdelay $0x1  }
0x274: {  	(erf) = vrcp.f32 v1;
	_ =	sdelay $0x3  }
0x275: {  	v61 =	vld [tilespmem:$0x8A0]  }
0x276: {  	v63 =	vld [tilespmem:$0x1FF90];
	_ =	sdelay $0x3  }
0x277: {  	v62 =	vpop (erf)  }
0x278: {  	v1 =	vadd.f32 v61, v63;
	v0 =	vmul.f32 v62, v0;
	_ =	sdelay $0x1  }
0x279: {  	v0 =	vadd.f32 v1, v0  }
0x27a: {  	s2 =	sadd.s32 s2, s3  }
0x27b: {  	s29 =	simm.s32 $0x0;
	s30 =	simm.s32 $0x65B0;
	s31 =	simm.s32 $0x3;
	[tilespmem:$0x65B0] =	vst v0  }
0x27c: {  	[hbm4b:s2+s29] =	stream.linear.scatter [tilespmem:s30], [sflag:$0x3], $0x10, $0x38;
	[tilespmem:$0x65D0] =	vst v63  }
0x27d: {  	_ =	swait.ge [sflag:s31], $0x10  }
0x27e: {  	[sflag:s31] =	ssyncset.done $0x0  }
0x27f: {  	[sflag:s31] =	ssyncadd.s32 $0xFFFFFFF0  }
0x280: {  	_ =	sfence.sel $0x180000  }
0x281: {  	[bflag:$0x0] =	sbarrier.arrive $0xFFFF  }
0x282: {  	p0 =	sne.s32 s1, $0x0;
	_ =	strace $0x90000047  }
0x283: {  	s0 =	sadd.s32 @!p0 $0x100000, s0;
	[bflag:$0x2] =	sbarrier.arrive $0xFFFF  }
0x284: {  	[sflag:s0] =	ssyncadd.tile.s32 @!p0 $0x1;
	_ =	shalt  }
.Lfunc_end2:
_tile_overlayer_lowered:
.L_overlay_start_2:
0x285: {  	(tag) =	ssettag $0x2  }
0x286: {  	s0 =	rddreg [dreg:$0x0];
	s2 =	stileid.u32  }
0x287: {  	s1 =	rddreg [dreg:$0x1];
	p0 =	sne.s32 s2, $0x0  }
0x288: {  	s3 =	rddreg [dreg:$0x2];
	[bflag:$0x3] =	sbarrier.arrive $0xFFFF;
	s2 =	simm.s32 @!p0 $0x1C03  }
0x289: {  	[timem:s3], [sflag:s2] =	dma.local @!p0 [hbm:s0], s1  }
0x28a: {  	s0 =	simm.s32 @!p0 $0x3  }
0x28b: {  	_ =	swait.ge @!p0 [sflag:s0], s1  }
0x28c: {  	s1 =	ssub.s32 @!p0 $0x0, s1;
	[sflag:s0] =	ssyncset.done @!p0 $0x0  }
0x28d: {  	[sflag:s0] =	ssyncadd.s32 @!p0 s1  }
0x28e: {  	[bflag:$0x3] =	sbarrier.arrive $0xFFFF  }
0x28f: {  	_ =	shalt  }

</sc_bundles>
